<compile_context>
chip_gen: v7x
topology: tpu7x:2x2x1
jax: 0.10.2.dev20260603
libtpu: 0.0.44.dev20260713+nightly
codegen_flags: <defaults>
</compile_context>

<pallas_src>
import functools

import jax
import jax.numpy as jnp
from jax import lax
from jax.experimental import pallas as pl
from jax.experimental.pallas import tpu as pltpu
from jax.experimental.pallas import tpu_sc as plsc

_EPS = 1e-15
_MAXNORM = 1.0 - 1e-5

_NC = 2
_NS = 16
_NW = _NC * _NS
_CW = 128

_N_ITEMS = 10000
_N_PAD = 10240
_N_EDGES = 640000
_B = 1024
_EPW = _N_EDGES // _NW
_NFULL = _EPW // _CW
_TAIL = _EPW - _NFULL * _CW
_UB = _B // _NW
_RSTR = _N_PAD // _NS



def _artanh(x):
    x = jnp.clip(x, -1.0 + 1e-7, 1.0 - 1e-7)
    return 0.5 * jnp.log((1.0 + x) / (1.0 - x))


def _norm(x):
    return jnp.maximum(jnp.sqrt(jnp.sum(x * x, axis=-1, keepdims=True)), _EPS)


def _proj(x):
    n = _norm(x)
    return jnp.where(n > _MAXNORM, x / n * _MAXNORM, x)


def _expmap0(u):
    n = _norm(u)
    return _proj(jnp.tanh(n) * u / n)


def _logmap0(p):
    n = _norm(p)
    return _artanh(n) * p / n


def _mobius_add(x, y):
    x2 = jnp.sum(x * x, axis=-1, keepdims=True)
    y2 = jnp.sum(y * y, axis=-1, keepdims=True)
    xy = jnp.sum(x * y, axis=-1, keepdims=True)
    num = (1.0 + 2.0 * xy + y2) * x + (1.0 - x2) * y
    den = 1.0 + 2.0 * xy + x2 * y2
    return num / jnp.maximum(den, _EPS)


def _matmul_nt(a, b):
    return lax.dot_general(a, b, (((1,), (1,)), ((), ())),
                           preferred_element_type=jnp.float32,
                           precision=lax.Precision.HIGHEST)


def _matmul_nn(a, b):
    return lax.dot_general(a, b, (((1,), (0,)), ((), ())),
                           preferred_element_type=jnp.float32,
                           precision=lax.Precision.DEFAULT)


def _pre_agg(x_hyp, w, b):
    xn = _norm(x_hyp)
    mx = _matmul_nt(x_hyp, w)
    mxn = _norm(mx)
    mv = _proj(jnp.tanh(mxn / xn * _artanh(xn)) * mx / mxn)
    bias_h = _proj(_expmap0(b))
    h = _proj(_mobius_add(mv, bias_h))
    return _logmap0(h)


def _post_agg(acc, deg):
    deg = deg[0, :, :1] + deg[1, :, :1]
    agg = (acc[0] + acc[1]) / jnp.maximum(deg, 1.0)
    h2 = _proj(_expmap0(agg))
    return _proj(_expmap0(jnp.maximum(_logmap0(h2), 0.0)))



def _tc_pre1_body(x_ref, w_ref, b_ref, o_ref):
    x_hyp = _proj(_expmap0(x_ref[...]))
    o_ref[...] = _pre_agg(x_hyp, w_ref[...], b_ref[...])


def _tc_mid_body(acc_ref, deg_ref, w_ref, b_ref, o_ref):
    x_hyp = _post_agg(acc_ref[...], deg_ref[...])
    o_ref[...] = _pre_agg(x_hyp, w_ref[...], b_ref[...])


def _tc_final_body(acc_ref, deg_ref, i_ref, u_ref, o_ref, h_v):
    k = pl.program_id(0)

    @pl.when(k == 0)
    def _():
        h_v[...] = _post_agg(acc_ref[:, :_N_ITEMS], deg_ref[:, :_N_ITEMS])

    i_emb = _matmul_nn(i_ref[...], h_v[...])
    pu = _proj(_expmap0(u_ref[...]))
    pi = _proj(i_emb)
    ma = _mobius_add(-pu, pi)
    n = jnp.sqrt(jnp.maximum(jnp.sum(ma * ma, axis=-1, keepdims=True),
                             _EPS * _EPS))
    d = 2.0 * _artanh(n)
    d2 = d * d
    o_ref[...] = 1.0 / (jnp.exp(d2 - 2.0) + 1.0)


def _run_pre1(item_table, w1, b1):
    rb = 1000
    grid = _N_ITEMS // rb
    return pl.pallas_call(
        _tc_pre1_body,
        grid=(grid,),
        in_specs=[
            pl.BlockSpec((rb, item_table.shape[1]), lambda k: (k, 0)),
            pl.BlockSpec(w1.shape, lambda k: (0, 0)),
            pl.BlockSpec(b1.shape, lambda k: (0, 0)),
        ],
        out_specs=pl.BlockSpec((rb, w1.shape[0]), lambda k: (k, 0)),
        out_shape=jax.ShapeDtypeStruct((_N_ITEMS, w1.shape[0]), jnp.float32),
    )(item_table, w1, b1)


def _run_mid(acc, deg, w2, b2):
    rb = 1000
    grid = _N_ITEMS // rb
    return pl.pallas_call(
        _tc_mid_body,
        grid=(grid,),
        in_specs=[
            pl.BlockSpec((_NC, rb, 64), lambda k: (0, k, 0)),
            pl.BlockSpec((_NC, rb, 16), lambda k: (0, k, 0)),
            pl.BlockSpec(w2.shape, lambda k: (0, 0)),
            pl.BlockSpec(b2.shape, lambda k: (0, 0)),
        ],
        out_specs=pl.BlockSpec((rb, w2.shape[0]), lambda k: (k, 0)),
        out_shape=jax.ShapeDtypeStruct((_N_ITEMS, w2.shape[0]), jnp.float32),
    )(acc, deg, w2, b2)


def _run_final(acc, deg, i, u_emb):
    bb = 128
    grid = _B // bb
    out = pl.pallas_call(
        _tc_final_body,
        grid=(grid,),
        in_specs=[
            pl.BlockSpec((_NC, _N_PAD, 64), lambda k: (0, 0, 0)),
            pl.BlockSpec((_NC, _N_PAD, 16), lambda k: (0, 0, 0)),
            pl.BlockSpec((bb, _N_ITEMS), lambda k: (k, 0)),
            pl.BlockSpec((bb, 64), lambda k: (k, 0)),
        ],
        out_specs=pl.BlockSpec((bb, 1), lambda k: (k, 0)),
        out_shape=jax.ShapeDtypeStruct((_B, 1), jnp.float32),
        scratch_shapes=[pltpu.VMEM((_N_ITEMS, 64), jnp.float32)],
    )(acc, deg, i, u_emb)
    return out[:, 0]



def _agg_loop(xt_hbm, src_v, dst_v, rows0, rows1, acc_sh, sem_g, sem_s,
              ones_v=None, deg_sh=None):
    nb2 = _NFULL // 2

    def idx(ref, j):
        return ref.at[pl.ds(j * _CW, _CW)]

    def gather(j, buf):
        return pltpu.async_copy(xt_hbm.at[idx(src_v, j)], buf, sem_g)

    gather(0, rows0)
    gather(1, rows1)

    def step(t, carry):
        j = 2 * t
        pltpu.make_async_copy(xt_hbm.at[idx(src_v, j)], rows0, sem_g).wait()
        sa = pltpu.async_copy(rows0, acc_sh.at[idx(dst_v, j)], sem_s, add=True)
        if deg_sh is not None:
            sd = pltpu.async_copy(ones_v, deg_sh.at[idx(dst_v, j)], sem_s,
                                  add=True)
        pltpu.make_async_copy(xt_hbm.at[idx(src_v, j)], rows1, sem_g).wait()
        sa.wait()
        if deg_sh is not None:
            sd.wait()

        @pl.when(t < nb2 - 1)
        def _():
            gather(j + 2, rows0)

        sa1 = pltpu.async_copy(rows1, acc_sh.at[idx(dst_v, j + 1)], sem_s,
                               add=True)
        if deg_sh is not None:
            sd1 = pltpu.async_copy(ones_v, deg_sh.at[idx(dst_v, j + 1)], sem_s,
                                   add=True)
        sa1.wait()
        if deg_sh is not None:
            sd1.wait()

        @pl.when(t < nb2 - 1)
        def _():
            gather(j + 3, rows1)

        return carry

    lax.fori_loop(0, nb2, step, 0)

    e0 = _NFULL * _CW
    tail_rows = rows0.at[pl.ds(0, _TAIL)]
    tidx_s = src_v.at[pl.ds(e0, _TAIL)]
    tidx_d = dst_v.at[pl.ds(e0, _TAIL)]
    pltpu.async_copy(xt_hbm.at[tidx_s], tail_rows, sem_g).wait()
    sa = pltpu.async_copy(tail_rows, acc_sh.at[tidx_d], sem_s, add=True)
    if deg_sh is not None:
        pltpu.async_copy(ones_v.at[pl.ds(0, _TAIL)], deg_sh.at[tidx_d], sem_s,
                         add=True).wait()
    sa.wait()


def _sc1_body(edges_hbm, xt_hbm, z64_hbm, z16_hbm,
              ones_hbm, acc_hbm, deg_hbm,
              src_v, dst_v, rows0, rows1, ones_v,
              acc_sh, deg_sh, sem_g, sem_s):
    cid = lax.axis_index("c")
    sid = lax.axis_index("s")
    wid = sid * _NC + cid
    r0 = sid * _RSTR
    e0 = wid * _EPW
    pltpu.sync_copy(z64_hbm.at[pl.ds(r0, _RSTR)], acc_sh.at[pl.ds(r0, _RSTR)])
    pltpu.sync_copy(z16_hbm.at[pl.ds(r0, _RSTR)], deg_sh.at[pl.ds(r0, _RSTR)])
    pltpu.sync_copy(edges_hbm.at[0, pl.ds(e0, _EPW)], src_v)
    pltpu.sync_copy(edges_hbm.at[1, pl.ds(e0, _EPW)], dst_v)
    pltpu.sync_copy(ones_hbm, ones_v)
    plsc.subcore_barrier()

    _agg_loop(xt_hbm, src_v, dst_v, rows0, rows1, acc_sh, sem_g, sem_s,
              ones_v=ones_v, deg_sh=deg_sh)

    plsc.subcore_barrier()
    pltpu.sync_copy(acc_sh.at[pl.ds(r0, _RSTR)], acc_hbm.at[cid, pl.ds(r0, _RSTR)])
    pltpu.sync_copy(deg_sh.at[pl.ds(r0, _RSTR)], deg_hbm.at[cid, pl.ds(r0, _RSTR)])


def _sc2_body(edges_hbm, xt_hbm, z64_hbm, acc_hbm,
              src_v, dst_v, rows0, rows1, acc_sh, sem_g, sem_s):
    cid = lax.axis_index("c")
    sid = lax.axis_index("s")
    wid = sid * _NC + cid
    r0 = sid * _RSTR
    e0 = wid * _EPW
    pltpu.sync_copy(z64_hbm.at[pl.ds(r0, _RSTR)], acc_sh.at[pl.ds(r0, _RSTR)])
    pltpu.sync_copy(edges_hbm.at[0, pl.ds(e0, _EPW)], src_v)
    pltpu.sync_copy(edges_hbm.at[1, pl.ds(e0, _EPW)], dst_v)
    plsc.subcore_barrier()

    _agg_loop(xt_hbm, src_v, dst_v, rows0, rows1, acc_sh, sem_g, sem_s)

    plsc.subcore_barrier()
    pltpu.sync_copy(acc_sh.at[pl.ds(r0, _RSTR)], acc_hbm.at[cid, pl.ds(r0, _RSTR)])


def _sc_user_body(uidx_hbm, utab_hbm, uemb_hbm, uidx_v, urows_v, sem):
    cid = lax.axis_index("c")
    sid = lax.axis_index("s")
    wid = sid * _NC + cid
    pltpu.sync_copy(uidx_hbm.at[pl.ds(wid * _UB, _UB)], uidx_v)
    pltpu.async_copy(utab_hbm.at[uidx_v], urows_v, sem).wait()
    pltpu.sync_copy(urows_v, uemb_hbm.at[pl.ds(wid * _UB, _UB)])


def _run_sc_user(uidx, user_table):
    f32 = jnp.float32
    call = pl.kernel(
        _sc_user_body,
        out_type=jax.ShapeDtypeStruct((_B, 64), f32),
        mesh=_sc_mesh(),
        compiler_params=pltpu.CompilerParams(use_tc_tiling_on_sc=False),
        scratch_types=[
            pltpu.VMEM((_UB,), jnp.int32),
            pltpu.VMEM((_UB, 64), f32),
            pltpu.SemaphoreType.DMA,
        ],
    )
    return call(uidx, user_table)


def _sc_mesh():
    return plsc.VectorSubcoreMesh(core_axis_name="c", subcore_axis_name="s",
                                  num_cores=_NC, num_subcores=_NS)


def _run_sc1(edges, xt, z64, z16, ones):
    f32 = jnp.float32
    call = pl.kernel(
        _sc1_body,
        out_type=[
            jax.ShapeDtypeStruct((_NC, _N_PAD, 64), f32),
            jax.ShapeDtypeStruct((_NC, _N_PAD, 16), f32),
        ],
        mesh=_sc_mesh(),
        compiler_params=pltpu.CompilerParams(use_tc_tiling_on_sc=False),
        scratch_types=[
            pltpu.VMEM((_EPW,), jnp.int32),
            pltpu.VMEM((_EPW,), jnp.int32),
            pltpu.VMEM((_CW, 64), f32),
            pltpu.VMEM((_CW, 64), f32),
            pltpu.VMEM((_CW, 16), f32),
            pltpu.VMEM_SHARED((_N_PAD, 64), f32),
            pltpu.VMEM_SHARED((_N_PAD, 16), f32),
            pltpu.SemaphoreType.DMA,
            pltpu.SemaphoreType.DMA,
        ],
    )
    return call(edges, xt, z64, z16, ones)


def _run_sc2(edges, xt, z64):
    f32 = jnp.float32
    call = pl.kernel(
        _sc2_body,
        out_type=jax.ShapeDtypeStruct((_NC, _N_PAD, 64), f32),
        mesh=_sc_mesh(),
        compiler_params=pltpu.CompilerParams(use_tc_tiling_on_sc=False),
        scratch_types=[
            pltpu.VMEM((_EPW,), jnp.int32),
            pltpu.VMEM((_EPW,), jnp.int32),
            pltpu.VMEM((_CW, 64), f32),
            pltpu.VMEM((_CW, 64), f32),
            pltpu.VMEM_SHARED((_N_PAD, 64), f32),
            pltpu.SemaphoreType.DMA,
            pltpu.SemaphoreType.DMA,
        ],
    )
    return call(edges, xt, z64)



def kernel(u, i, graph_x, graph_edge_index, user_table, item_table, W1, b1, W2, b2):
    del graph_x
    f32 = jnp.float32
    edges = graph_edge_index.astype(jnp.int32)
    uidx = u.astype(jnp.int32)
    z64 = jnp.zeros((_N_PAD, 64), f32)
    z16 = jnp.zeros((_N_PAD, 16), f32)
    ones = jnp.ones((_CW, 16), f32)
    b1r = b1.reshape(1, -1).astype(f32)
    b2r = b2.reshape(1, -1).astype(f32)

    u_emb = _run_sc_user(uidx, user_table.astype(f32))
    xt1 = _run_pre1(item_table.astype(f32), W1.astype(f32), b1r)
    acc1, deg = _run_sc1(edges, xt1, z64, z16, ones)
    xt2 = _run_mid(acc1, deg, W2.astype(f32), b2r)
    acc2 = _run_sc2(edges, xt2, z64)
    return _run_final(acc2, deg, i.astype(f32), u_emb)

# --- scband reference (transcript-rebuilt; emitter-appended) ---
"""Pipeline reference for scband-hgcnmodel-41712722379184 (READ-ONLY COPY).

The authoritative reference and input builder live on the scoring server;
editing this copy changes nothing except your own understanding.
"""

import jax, jax.numpy as jnp
import numpy as np

N_ITEMS = 10000
N_USERS = 100000
DIM = 64
H1 = 128
H2 = 64
N_EDGES = 640000
B = 1024
C_IN = 1.0
C_OUT = 1.0
EPS = 1e-15

def artanh(x):
    x = jnp.clip(x, -1.0 + 1e-7, 1.0 - 1e-7)
    return jnp.arctanh(x)

def _norm(x):
    return jnp.maximum(jnp.sqrt(jnp.sum(x * x, axis=-1, keepdims=True)), EPS)

def proj(x, c):
    n = _norm(x)
    maxnorm = (1.0 - 1e-5) / np.sqrt(c)
    return jnp.where(n > maxnorm, x / n * maxnorm, x)

def expmap0(u, c):
    sc = np.sqrt(c)
    n = _norm(u)
    return proj(jnp.tanh(sc * n) * u / (sc * n), c)

def logmap0(p, c):
    sc = np.sqrt(c)
    n = _norm(p)
    return artanh(sc * n) * p / (sc * n)

def mobius_add(x, y, c):
    x2 = jnp.sum(x * x, axis=-1, keepdims=True)
    y2 = jnp.sum(y * y, axis=-1, keepdims=True)
    xy = jnp.sum(x * y, axis=-1, keepdims=True)
    num = (1.0 + 2.0 * c * xy + c * y2) * x + (1.0 - c * x2) * y
    den = 1.0 + 2.0 * c * xy + c * c * x2 * y2
    return num / jnp.maximum(den, EPS)

def mobius_matvec(M, x, c):
    sc = np.sqrt(c)
    xn = _norm(x)
    mx = x @ M.T
    mxn = _norm(mx)
    return jnp.tanh(mxn / xn * artanh(sc * xn)) * mx / (mxn * sc)

def sqdist(x, y, c):
    sc = np.sqrt(c)
    ma = mobius_add(-x, y, c)
    n = jnp.sqrt(jnp.maximum(jnp.sum(ma * ma, axis=-1), EPS * EPS))
    d = 2.0 / sc * artanh(sc * n)
    return d * d

def hgcn_conv(x_hyp, edge_index, W, b, c_in, c_out):
    mv = proj(mobius_matvec(W, x_hyp, c_in), c_in)
    bias_h = proj(expmap0(b[None, :], c_in), c_in)
    h = proj(mobius_add(mv, bias_h, c_in), c_in)
    x_t = logmap0(h, c_in)
    src = edge_index[0]
    dst = edge_index[1]
    msg = x_t[src]
    agg = jax.ops.segment_sum(msg, dst, num_segments=x_hyp.shape[0])
    deg = jax.ops.segment_sum(jnp.ones((edge_index.shape[1],), dtype=x_t.dtype), dst, num_segments=x_hyp.shape[0])
    agg = agg / jnp.maximum(deg, 1.0)[:, None]
    h2 = proj(expmap0(agg, c_in), c_in)
    xt = jax.nn.relu(logmap0(h2, c_in))
    return proj(expmap0(xt, c_out), c_out)

def setup_inputs(seed: int = 0):
    key = jax.random.key(seed)
    ks = jax.random.split(key, 8)
    u = jax.random.randint(ks[0], (B,), 0, N_USERS)
    i = jax.random.uniform(ks[1], (B, N_ITEMS), dtype=jnp.float32)
    graph_x = jnp.arange(N_ITEMS)
    graph_edge_index = jax.random.randint(ks[2], (2, N_EDGES), 0, N_ITEMS)
    user_table = 0.02 * jax.random.normal(ks[3], (N_USERS, DIM), dtype=jnp.float32)
    item_table = 0.02 * jax.random.normal(ks[4], (N_ITEMS, H1), dtype=jnp.float32)
    W1 = jax.random.normal(ks[5], (H2, H1), dtype=jnp.float32) / np.sqrt(H1)
    b1 = jnp.zeros((H2,), dtype=jnp.float32)
    W2 = jax.random.normal(ks[6], (DIM, H2), dtype=jnp.float32) / np.sqrt(H2)
    b2 = jnp.zeros((DIM,), dtype=jnp.float32)
    return {"u": u, "i": i, "graph_x": graph_x, "graph_edge_index": graph_edge_index, "user_table": user_table, "item_table": item_table, "W1": W1, "b1": b1, "W2": W2, "b2": b2}

def reference(u, i, graph_x, graph_edge_index, user_table, item_table, W1, b1, W2, b2):
    u_emb = user_table[u]
    x = item_table[graph_x]
    x_hyp = proj(expmap0(x, C_IN), C_IN)
    h = hgcn_conv(x_hyp, graph_edge_index, W1, b1, C_IN, C_OUT)
    h = hgcn_conv(h, graph_edge_index, W2, b2, C_IN, C_OUT)
    i_emb = jnp.squeeze(i @ h)
    u_i = jnp.concatenate([u_emb, i_emb], axis=1)
    eu = u_i[:, :DIM]
    ei = u_i[:, DIM:]
    pu = proj(expmap0(eu, C_OUT), C_OUT)
    pi = proj(ei, C_OUT)
    d2 = sqdist(pu, pi, C_OUT)
    return 1.0 / (jnp.exp((d2 - 2.0) / 1.0) + 1.0)

if __name__ == "__main__":
    import jax
    _d = setup_inputs()
    print(jax.jit(kernel)(*tuple(_d.values())))

</pallas_src>

<mosaic_0001>
#map = affine_map<(d0, d1) -> (0, 0)>
#map1 = affine_map<(d0, d1) -> (0, 0, 0)>
module attributes {stable_mosaic.version = 14 : i64} {
  func.func @_sc2_body(%arg0: i32, %arg1: i32, %arg2: memref<2x640000xi32, #tpu.memory_space<hbm>>, %arg3: memref<10000x64xf32, #tpu.memory_space<hbm>>, %arg4: memref<10240x64xf32, #tpu.memory_space<hbm>>, %arg5: memref<2x10240x64xf32, #tpu.memory_space<hbm>>, %arg6: memref<20000xi32, #tpu.memory_space<vmem>>, %arg7: memref<20000xi32, #tpu.memory_space<vmem>>, %arg8: memref<128x64xf32, #tpu.memory_space<vmem>>, %arg9: memref<128x64xf32, #tpu.memory_space<vmem>>, %arg10: memref<10240x64xf32, #tpu.memory_space<vmem_shared>>, %arg11: memref<!tpu.dma_semaphore, #tpu.memory_space<semaphore_mem>>, %arg12: memref<!tpu.dma_semaphore, #tpu.memory_space<semaphore_mem>>) attributes {dimension_semantics = [#tpu.dimension_semantics<core_parallel>, #tpu.dimension_semantics<subcore_parallel>], iteration_bounds = array<i64: 2, 16>, scalar_prefetch = 0 : i64, scratch_operands = 7 : i64, tpu.core_type = #tpu.core_type<sc_vector_subcore>, window_params = [{transform_indices = #map}, {transform_indices = #map}, {transform_indices = #map}, {transform_indices = #map1}]} {
    %mul3A = arith.constant 2 : i32
    %mul3A_0 = arith.muli %arg1, %mul3A : i32
    %add3A = arith.addi %mul3A_0, %arg0 : i32
    %mul3A_1 = arith.constant 640 : i32
    %mul3A_2 = arith.muli %arg1, %mul3A_1 : i32
    %mul3A_3 = arith.constant 20000 : i32
    %mul3A_4 = arith.muli %add3A, %mul3A_3 : i32
    "tpu.region"() ({
      %run_scoped3A_52 = tpu.sem_alloc : memref<!tpu.dma_semaphore, #tpu.memory_space<semaphore_mem>>
      %dma_start3A_53 = arith.constant 0 : i32
      %dma_start3A_54 = tpu.memref_slice %arg10[%mul3A_2, %dma_start3A_53] : memref<10240x64xf32, #tpu.memory_space<vmem_shared>> -> memref<640x64xf32, #tpu.memory_space<vmem_shared>>
      %dma_start3A_55 = arith.constant 0 : i32
      %dma_start3A_56 = tpu.memref_slice %arg4[%mul3A_2, %dma_start3A_55] : memref<10240x64xf32, #tpu.memory_space<hbm>> -> memref<640x64xf32, #tpu.memory_space<hbm>>
      tpu.enqueue_dma source(%dma_start3A_56 : memref<640x64xf32, #tpu.memory_space<hbm>>) target(%dma_start3A_54 : memref<640x64xf32, #tpu.memory_space<vmem_shared>>) target_semaphore(%run_scoped3A_52 : memref<!tpu.dma_semaphore, #tpu.memory_space<semaphore_mem>>)
      %dma_wait3A_57 = arith.constant 0 : i32
      %dma_wait3A_58 = tpu.memref_slice %arg10[%mul3A_2, %dma_wait3A_57] : memref<10240x64xf32, #tpu.memory_space<vmem_shared>> -> memref<640x64xf32, #tpu.memory_space<vmem_shared>>
      %dma_wait3A_59 = arith.constant 0 : i32
      %dma_wait3A_60 = tpu.memref_slice %arg4[%mul3A_2, %dma_wait3A_59] : memref<10240x64xf32, #tpu.memory_space<hbm>> -> memref<640x64xf32, #tpu.memory_space<hbm>>
      tpu.wait_dma2 semaphore(%run_scoped3A_52 : memref<!tpu.dma_semaphore, #tpu.memory_space<semaphore_mem>>) src(%dma_wait3A_60 : memref<640x64xf32, #tpu.memory_space<hbm>>) dst(%dma_wait3A_58 : memref<640x64xf32, #tpu.memory_space<vmem_shared>>)
      tpu.yield
    }) : () -> ()
    %run_scoped3A = arith.constant 0 : i32
    "tpu.region"() ({
      %run_scoped3A_52 = tpu.sem_alloc : memref<!tpu.dma_semaphore, #tpu.memory_space<semaphore_mem>>
      %dma_start3A_53 = tpu.memref_slice %arg2[%run_scoped3A, %mul3A_4] : memref<2x640000xi32, #tpu.memory_space<hbm>> -> memref<1x20000xi32, #tpu.memory_space<hbm>>
      %dma_start3A_54 = tpu.memref_squeeze %dma_start3A_53 : memref<1x20000xi32, #tpu.memory_space<hbm>> -> memref<20000xi32, #tpu.memory_space<hbm>>
      %dma_start3A_55 = tpu.memref_slice %arg2[%run_scoped3A, %mul3A_4] : memref<2x640000xi32, #tpu.memory_space<hbm>> -> memref<1x20000xi32, #tpu.memory_space<hbm>>
      %dma_start3A_56 = tpu.memref_squeeze %dma_start3A_55 : memref<1x20000xi32, #tpu.memory_space<hbm>> -> memref<20000xi32, #tpu.memory_space<hbm>>
      tpu.enqueue_dma source(%dma_start3A_56 : memref<20000xi32, #tpu.memory_space<hbm>>) target(%arg6 : memref<20000xi32, #tpu.memory_space<vmem>>) target_semaphore(%run_scoped3A_52 : memref<!tpu.dma_semaphore, #tpu.memory_space<semaphore_mem>>)
      %dma_wait3A_57 = tpu.memref_slice %arg2[%run_scoped3A, %mul3A_4] : memref<2x640000xi32, #tpu.memory_space<hbm>> -> memref<1x20000xi32, #tpu.memory_space<hbm>>
      %dma_wait3A_58 = tpu.memref_squeeze %dma_wait3A_57 : memref<1x20000xi32, #tpu.memory_space<hbm>> -> memref<20000xi32, #tpu.memory_space<hbm>>
      %dma_wait3A_59 = tpu.memref_slice %arg2[%run_scoped3A, %mul3A_4] : memref<2x640000xi32, #tpu.memory_space<hbm>> -> memref<1x20000xi32, #tpu.memory_space<hbm>>
      %dma_wait3A_60 = tpu.memref_squeeze %dma_wait3A_59 : memref<1x20000xi32, #tpu.memory_space<hbm>> -> memref<20000xi32, #tpu.memory_space<hbm>>
      tpu.wait_dma2 semaphore(%run_scoped3A_52 : memref<!tpu.dma_semaphore, #tpu.memory_space<semaphore_mem>>) src(%dma_wait3A_60 : memref<20000xi32, #tpu.memory_space<hbm>>) dst(%arg6 : memref<20000xi32, #tpu.memory_space<vmem>>)
      tpu.yield
    }) : () -> ()
    %run_scoped3A_5 = arith.constant 1 : i32
    "tpu.region"() ({
      %run_scoped3A_52 = tpu.sem_alloc : memref<!tpu.dma_semaphore, #tpu.memory_space<semaphore_mem>>
      %dma_start3A_53 = tpu.memref_slice %arg2[%run_scoped3A_5, %mul3A_4] : memref<2x640000xi32, #tpu.memory_space<hbm>> -> memref<1x20000xi32, #tpu.memory_space<hbm>>
      %dma_start3A_54 = tpu.memref_squeeze %dma_start3A_53 : memref<1x20000xi32, #tpu.memory_space<hbm>> -> memref<20000xi32, #tpu.memory_space<hbm>>
      %dma_start3A_55 = tpu.memref_slice %arg2[%run_scoped3A_5, %mul3A_4] : memref<2x640000xi32, #tpu.memory_space<hbm>> -> memref<1x20000xi32, #tpu.memory_space<hbm>>
      %dma_start3A_56 = tpu.memref_squeeze %dma_start3A_55 : memref<1x20000xi32, #tpu.memory_space<hbm>> -> memref<20000xi32, #tpu.memory_space<hbm>>
      tpu.enqueue_dma source(%dma_start3A_56 : memref<20000xi32, #tpu.memory_space<hbm>>) target(%arg7 : memref<20000xi32, #tpu.memory_space<vmem>>) target_semaphore(%run_scoped3A_52 : memref<!tpu.dma_semaphore, #tpu.memory_space<semaphore_mem>>)
      %dma_wait3A_57 = tpu.memref_slice %arg2[%run_scoped3A_5, %mul3A_4] : memref<2x640000xi32, #tpu.memory_space<hbm>> -> memref<1x20000xi32, #tpu.memory_space<hbm>>
      %dma_wait3A_58 = tpu.memref_squeeze %dma_wait3A_57 : memref<1x20000xi32, #tpu.memory_space<hbm>> -> memref<20000xi32, #tpu.memory_space<hbm>>
      %dma_wait3A_59 = tpu.memref_slice %arg2[%run_scoped3A_5, %mul3A_4] : memref<2x640000xi32, #tpu.memory_space<hbm>> -> memref<1x20000xi32, #tpu.memory_space<hbm>>
      %dma_wait3A_60 = tpu.memref_squeeze %dma_wait3A_59 : memref<1x20000xi32, #tpu.memory_space<hbm>> -> memref<20000xi32, #tpu.memory_space<hbm>>
      tpu.wait_dma2 semaphore(%run_scoped3A_52 : memref<!tpu.dma_semaphore, #tpu.memory_space<semaphore_mem>>) src(%dma_wait3A_60 : memref<20000xi32, #tpu.memory_space<hbm>>) dst(%arg7 : memref<20000xi32, #tpu.memory_space<vmem>>)
      tpu.yield
    }) : () -> ()
    %barrier3A = arith.constant 0 : index
    tpu.barrier barrier_id(%barrier3A)
    %dma_start3A = arith.constant 0 : i32
    %dma_start3A_6 = tpu.memref_slice %arg6[%dma_start3A] : memref<20000xi32, #tpu.memory_space<vmem>> -> memref<128xi32, #tpu.memory_space<vmem>>
    %dma_start3A_7 = arith.constant 0 : i32
    %dma_start3A_8 = arith.constant 0 : i32
    %dma_start3A_9 = tpu.memref_slice %arg3[%dma_start3A_7, %dma_start3A_8] : memref<10000x64xf32, #tpu.memory_space<hbm>> -> memref<10000x64xf32, #tpu.memory_space<hbm>>
    tpu.enqueue_indirect_dma source(%dma_start3A_9 : memref<10000x64xf32, #tpu.memory_space<hbm>>) target(%arg8 : memref<128x64xf32, #tpu.memory_space<vmem>>) offsets(%dma_start3A_6 : memref<128xi32, #tpu.memory_space<vmem>>) semaphore(%arg11 : memref<!tpu.dma_semaphore, #tpu.memory_space<semaphore_mem>>)
    %dma_start3A_10 = arith.constant 128 : i32
    %dma_start3A_11 = tpu.memref_slice %arg6[%dma_start3A_10] : memref<20000xi32, #tpu.memory_space<vmem>> -> memref<128xi32, #tpu.memory_space<vmem>>
    %dma_start3A_12 = arith.constant 0 : i32
    %dma_start3A_13 = arith.constant 0 : i32
    %dma_start3A_14 = tpu.memref_slice %arg3[%dma_start3A_12, %dma_start3A_13] : memref<10000x64xf32, #tpu.memory_space<hbm>> -> memref<10000x64xf32, #tpu.memory_space<hbm>>
    tpu.enqueue_indirect_dma source(%dma_start3A_14 : memref<10000x64xf32, #tpu.memory_space<hbm>>) target(%arg9 : memref<128x64xf32, #tpu.memory_space<vmem>>) offsets(%dma_start3A_11 : memref<128xi32, #tpu.memory_space<vmem>>) semaphore(%arg11 : memref<!tpu.dma_semaphore, #tpu.memory_space<semaphore_mem>>)
    %scan3A = arith.constant 0 : i32
    %scan3A_15 = arith.constant 0 : i32
    %scan3A_16 = arith.constant 78 : i32
    %scan3A_17 = arith.addi %scan3A_15, %scan3A_16 : i32
    %scan3A_18 = arith.constant 1 : i32
    scf.for %scan3A_52 = %scan3A_15 to %scan3A_17 step %scan3A_18  : i32 {
      %mul3A_53 = arith.constant 2 : i32
      %mul3A_54 = arith.muli %mul3A_53, %scan3A_52 : i32
      %mul3A_55 = arith.constant 128 : i32
      %mul3A_56 = arith.muli %mul3A_54, %mul3A_55 : i32
      %dma_wait3A_57 = tpu.memref_slice %arg6[%mul3A_56] : memref<20000xi32, #tpu.memory_space<vmem>> -> memref<128xi32, #tpu.memory_space<vmem>>
      %dma_wait3A_58 = arith.constant 0 : i32
      %dma_wait3A_59 = arith.constant 0 : i32
      %dma_wait3A_60 = tpu.memref_slice %arg3[%dma_wait3A_58, %dma_wait3A_59] : memref<10000x64xf32, #tpu.memory_space<hbm>> -> memref<10000x64xf32, #tpu.memory_space<hbm>>
      tpu.wait_indirect_dma semaphore(%arg11 : memref<!tpu.dma_semaphore, #tpu.memory_space<semaphore_mem>>) src(%dma_wait3A_60 : memref<10000x64xf32, #tpu.memory_space<hbm>>) dst(%arg8 : memref<128x64xf32, #tpu.memory_space<vmem>>)
      %mul3A_61 = arith.constant 128 : i32
      %mul3A_62 = arith.muli %mul3A_54, %mul3A_61 : i32
      %dma_start3A_63 = tpu.memref_slice %arg7[%mul3A_62] : memref<20000xi32, #tpu.memory_space<vmem>> -> memref<128xi32, #tpu.memory_space<vmem>>
      %dma_start3A_64 = arith.constant 0 : i32
      %dma_start3A_65 = arith.constant 0 : i32
      %dma_start3A_66 = tpu.memref_slice %arg10[%dma_start3A_64, %dma_start3A_65] : memref<10240x64xf32, #tpu.memory_space<vmem_shared>> -> memref<10240x64xf32, #tpu.memory_space<vmem_shared>>
      tpu.enqueue_indirect_dma source(%arg8 : memref<128x64xf32, #tpu.memory_space<vmem>>) target(%dma_start3A_66 : memref<10240x64xf32, #tpu.memory_space<vmem_shared>>) offsets(%dma_start3A_63 : memref<128xi32, #tpu.memory_space<vmem>>) semaphore(%arg12 : memref<!tpu.dma_semaphore, #tpu.memory_space<semaphore_mem>>) {add = true}
      %mul3A_67 = arith.constant 128 : i32
      %mul3A_68 = arith.muli %mul3A_54, %mul3A_67 : i32
      %dma_wait3A_69 = tpu.memref_slice %arg6[%mul3A_68] : memref<20000xi32, #tpu.memory_space<vmem>> -> memref<128xi32, #tpu.memory_space<vmem>>
      %dma_wait3A_70 = arith.constant 0 : i32
      %dma_wait3A_71 = arith.constant 0 : i32
      %dma_wait3A_72 = tpu.memref_slice %arg3[%dma_wait3A_70, %dma_wait3A_71] : memref<10000x64xf32, #tpu.memory_space<hbm>> -> memref<10000x64xf32, #tpu.memory_space<hbm>>
      tpu.wait_indirect_dma semaphore(%arg11 : memref<!tpu.dma_semaphore, #tpu.memory_space<semaphore_mem>>) src(%dma_wait3A_72 : memref<10000x64xf32, #tpu.memory_space<hbm>>) dst(%arg9 : memref<128x64xf32, #tpu.memory_space<vmem>>)
      %dma_wait3A_73 = tpu.memref_slice %arg7[%mul3A_62] : memref<20000xi32, #tpu.memory_space<vmem>> -> memref<128xi32, #tpu.memory_space<vmem>>
      %dma_wait3A_74 = arith.constant 0 : i32
      %dma_wait3A_75 = arith.constant 0 : i32
      %dma_wait3A_76 = tpu.memref_slice %arg10[%dma_wait3A_74, %dma_wait3A_75] : memref<10240x64xf32, #tpu.memory_space<vmem_shared>> -> memref<10240x64xf32, #tpu.memory_space<vmem_shared>>
      tpu.wait_indirect_dma semaphore(%arg12 : memref<!tpu.dma_semaphore, #tpu.memory_space<semaphore_mem>>) src(%arg8 : memref<128x64xf32, #tpu.memory_space<vmem>>) dst(%dma_wait3A_76 : memref<10240x64xf32, #tpu.memory_space<vmem_shared>>)
      %lt3A = arith.constant 77 : i32
      %lt3A_77 = arith.cmpi slt, %scan3A_52, %lt3A : i32
      %convert_element_type3A = arith.extui %lt3A_77 : i1 to i32
      %cond3A = arith.constant 0 : i32
      %cond3A_78 = arith.cmpi ne, %convert_element_type3A, %cond3A : i32
      scf.if %cond3A_78 {
        %add3A_96 = arith.constant 2 : i32
        %add3A_97 = arith.addi %mul3A_54, %add3A_96 : i32
        %mul3A_98 = arith.constant 128 : i32
        %mul3A_99 = arith.muli %add3A_97, %mul3A_98 : i32
        %dma_start3A_100 = tpu.memref_slice %arg6[%mul3A_99] : memref<20000xi32, #tpu.memory_space<vmem>> -> memref<128xi32, #tpu.memory_space<vmem>>
        %dma_start3A_101 = arith.constant 0 : i32
        %dma_start3A_102 = arith.constant 0 : i32
        %dma_start3A_103 = tpu.memref_slice %arg3[%dma_start3A_101, %dma_start3A_102] : memref<10000x64xf32, #tpu.memory_space<hbm>> -> memref<10000x64xf32, #tpu.memory_space<hbm>>
        tpu.enqueue_indirect_dma source(%dma_start3A_103 : memref<10000x64xf32, #tpu.memory_space<hbm>>) target(%arg8 : memref<128x64xf32, #tpu.memory_space<vmem>>) offsets(%dma_start3A_100 : memref<128xi32, #tpu.memory_space<vmem>>) semaphore(%arg11 : memref<!tpu.dma_semaphore, #tpu.memory_space<semaphore_mem>>)
      } else {
      }
      %add3A_79 = arith.constant 1 : i32
      %add3A_80 = arith.addi %mul3A_54, %add3A_79 : i32
      %mul3A_81 = arith.constant 128 : i32
      %mul3A_82 = arith.muli %add3A_80, %mul3A_81 : i32
      %dma_start3A_83 = tpu.memref_slice %arg7[%mul3A_82] : memref<20000xi32, #tpu.memory_space<vmem>> -> memref<128xi32, #tpu.memory_space<vmem>>
      %dma_start3A_84 = arith.constant 0 : i32
      %dma_start3A_85 = arith.constant 0 : i32
      %dma_start3A_86 = tpu.memref_slice %arg10[%dma_start3A_84, %dma_start3A_85] : memref<10240x64xf32, #tpu.memory_space<vmem_shared>> -> memref<10240x64xf32, #tpu.memory_space<vmem_shared>>
      tpu.enqueue_indirect_dma source(%arg9 : memref<128x64xf32, #tpu.memory_space<vmem>>) target(%dma_start3A_86 : memref<10240x64xf32, #tpu.memory_space<vmem_shared>>) offsets(%dma_start3A_83 : memref<128xi32, #tpu.memory_space<vmem>>) semaphore(%arg12 : memref<!tpu.dma_semaphore, #tpu.memory_space<semaphore_mem>>) {add = true}
      %dma_wait3A_87 = tpu.memref_slice %arg7[%mul3A_82] : memref<20000xi32, #tpu.memory_space<vmem>> -> memref<128xi32, #tpu.memory_space<vmem>>
      %dma_wait3A_88 = arith.constant 0 : i32
      %dma_wait3A_89 = arith.constant 0 : i32
      %dma_wait3A_90 = tpu.memref_slice %arg10[%dma_wait3A_88, %dma_wait3A_89] : memref<10240x64xf32, #tpu.memory_space<vmem_shared>> -> memref<10240x64xf32, #tpu.memory_space<vmem_shared>>
      tpu.wait_indirect_dma semaphore(%arg12 : memref<!tpu.dma_semaphore, #tpu.memory_space<semaphore_mem>>) src(%arg9 : memref<128x64xf32, #tpu.memory_space<vmem>>) dst(%dma_wait3A_90 : memref<10240x64xf32, #tpu.memory_space<vmem_shared>>)
      %lt3A_91 = arith.constant 77 : i32
      %lt3A_92 = arith.cmpi slt, %scan3A_52, %lt3A_91 : i32
      %convert_element_type3A_93 = arith.extui %lt3A_92 : i1 to i32
      %cond3A_94 = arith.constant 0 : i32
      %cond3A_95 = arith.cmpi ne, %convert_element_type3A_93, %cond3A_94 : i32
      scf.if %cond3A_95 {
        %add3A_96 = arith.constant 3 : i32
        %add3A_97 = arith.addi %mul3A_54, %add3A_96 : i32
        %mul3A_98 = arith.constant 128 : i32
        %mul3A_99 = arith.muli %add3A_97, %mul3A_98 : i32
        %dma_start3A_100 = tpu.memref_slice %arg6[%mul3A_99] : memref<20000xi32, #tpu.memory_space<vmem>> -> memref<128xi32, #tpu.memory_space<vmem>>
        %dma_start3A_101 = arith.constant 0 : i32
        %dma_start3A_102 = arith.constant 0 : i32
        %dma_start3A_103 = tpu.memref_slice %arg3[%dma_start3A_101, %dma_start3A_102] : memref<10000x64xf32, #tpu.memory_space<hbm>> -> memref<10000x64xf32, #tpu.memory_space<hbm>>
        tpu.enqueue_indirect_dma source(%dma_start3A_103 : memref<10000x64xf32, #tpu.memory_space<hbm>>) target(%arg9 : memref<128x64xf32, #tpu.memory_space<vmem>>) offsets(%dma_start3A_100 : memref<128xi32, #tpu.memory_space<vmem>>) semaphore(%arg11 : memref<!tpu.dma_semaphore, #tpu.memory_space<semaphore_mem>>)
      } else {
      }
    }
    %scan3A_19 = arith.constant 78 : i32
    %dma_start3A_20 = arith.constant 0 : i32
    %dma_start3A_21 = arith.constant 0 : i32
    %dma_start3A_22 = tpu.memref_slice %arg8[%dma_start3A_20, %dma_start3A_21] : memref<128x64xf32, #tpu.memory_space<vmem>> -> memref<32x64xf32, #tpu.memory_space<vmem>>
    %dma_start3A_23 = arith.constant 19968 : i32
    %dma_start3A_24 = tpu.memref_slice %arg6[%dma_start3A_23] : memref<20000xi32, #tpu.memory_space<vmem>> -> memref<32xi32, #tpu.memory_space<vmem>>
    %dma_start3A_25 = arith.constant 0 : i32
    %dma_start3A_26 = arith.constant 0 : i32
    %dma_start3A_27 = tpu.memref_slice %arg3[%dma_start3A_25, %dma_start3A_26] : memref<10000x64xf32, #tpu.memory_space<hbm>> -> memref<10000x64xf32, #tpu.memory_space<hbm>>
    tpu.enqueue_indirect_dma source(%dma_start3A_27 : memref<10000x64xf32, #tpu.memory_space<hbm>>) target(%dma_start3A_22 : memref<32x64xf32, #tpu.memory_space<vmem>>) offsets(%dma_start3A_24 : memref<32xi32, #tpu.memory_space<vmem>>) semaphore(%arg11 : memref<!tpu.dma_semaphore, #tpu.memory_space<semaphore_mem>>)
    %dma_wait3A = arith.constant 0 : i32
    %dma_wait3A_28 = arith.constant 0 : i32
    %dma_wait3A_29 = tpu.memref_slice %arg8[%dma_wait3A, %dma_wait3A_28] : memref<128x64xf32, #tpu.memory_space<vmem>> -> memref<32x64xf32, #tpu.memory_space<vmem>>
    %dma_wait3A_30 = arith.constant 19968 : i32
    %dma_wait3A_31 = tpu.memref_slice %arg6[%dma_wait3A_30] : memref<20000xi32, #tpu.memory_space<vmem>> -> memref<32xi32, #tpu.memory_space<vmem>>
    %dma_wait3A_32 = arith.constant 0 : i32
    %dma_wait3A_33 = arith.constant 0 : i32
    %dma_wait3A_34 = tpu.memref_slice %arg3[%dma_wait3A_32, %dma_wait3A_33] : memref<10000x64xf32, #tpu.memory_space<hbm>> -> memref<10000x64xf32, #tpu.memory_space<hbm>>
    tpu.wait_indirect_dma semaphore(%arg11 : memref<!tpu.dma_semaphore, #tpu.memory_space<semaphore_mem>>) src(%dma_wait3A_34 : memref<10000x64xf32, #tpu.memory_space<hbm>>) dst(%dma_wait3A_29 : memref<32x64xf32, #tpu.memory_space<vmem>>)
    %dma_start3A_35 = arith.constant 0 : i32
    %dma_start3A_36 = arith.constant 0 : i32
    %dma_start3A_37 = tpu.memref_slice %arg8[%dma_start3A_35, %dma_start3A_36] : memref<128x64xf32, #tpu.memory_space<vmem>> -> memref<32x64xf32, #tpu.memory_space<vmem>>
    %dma_start3A_38 = arith.constant 19968 : i32
    %dma_start3A_39 = tpu.memref_slice %arg7[%dma_start3A_38] : memref<20000xi32, #tpu.memory_space<vmem>> -> memref<32xi32, #tpu.memory_space<vmem>>
    %dma_start3A_40 = arith.constant 0 : i32
    %dma_start3A_41 = arith.constant 0 : i32
    %dma_start3A_42 = tpu.memref_slice %arg10[%dma_start3A_40, %dma_start3A_41] : memref<10240x64xf32, #tpu.memory_space<vmem_shared>> -> memref<10240x64xf32, #tpu.memory_space<vmem_shared>>
    tpu.enqueue_indirect_dma source(%dma_start3A_37 : memref<32x64xf32, #tpu.memory_space<vmem>>) target(%dma_start3A_42 : memref<10240x64xf32, #tpu.memory_space<vmem_shared>>) offsets(%dma_start3A_39 : memref<32xi32, #tpu.memory_space<vmem>>) semaphore(%arg12 : memref<!tpu.dma_semaphore, #tpu.memory_space<semaphore_mem>>) {add = true}
    %dma_wait3A_43 = arith.constant 0 : i32
    %dma_wait3A_44 = arith.constant 0 : i32
    %dma_wait3A_45 = tpu.memref_slice %arg8[%dma_wait3A_43, %dma_wait3A_44] : memref<128x64xf32, #tpu.memory_space<vmem>> -> memref<32x64xf32, #tpu.memory_space<vmem>>
    %dma_wait3A_46 = arith.constant 19968 : i32
    %dma_wait3A_47 = tpu.memref_slice %arg7[%dma_wait3A_46] : memref<20000xi32, #tpu.memory_space<vmem>> -> memref<32xi32, #tpu.memory_space<vmem>>
    %dma_wait3A_48 = arith.constant 0 : i32
    %dma_wait3A_49 = arith.constant 0 : i32
    %dma_wait3A_50 = tpu.memref_slice %arg10[%dma_wait3A_48, %dma_wait3A_49] : memref<10240x64xf32, #tpu.memory_space<vmem_shared>> -> memref<10240x64xf32, #tpu.memory_space<vmem_shared>>
    tpu.wait_indirect_dma semaphore(%arg12 : memref<!tpu.dma_semaphore, #tpu.memory_space<semaphore_mem>>) src(%dma_wait3A_45 : memref<32x64xf32, #tpu.memory_space<vmem>>) dst(%dma_wait3A_50 : memref<10240x64xf32, #tpu.memory_space<vmem_shared>>)
    %barrier3A_51 = arith.constant 0 : index
    tpu.barrier barrier_id(%barrier3A_51)
    "tpu.region"() ({
      %run_scoped3A_52 = tpu.sem_alloc : memref<!tpu.dma_semaphore, #tpu.memory_space<semaphore_mem>>
      %dma_start3A_53 = arith.constant 0 : i32
      %dma_start3A_54 = tpu.memref_slice %arg5[%arg0, %mul3A_2, %dma_start3A_53] : memref<2x10240x64xf32, #tpu.memory_space<hbm>> -> memref<1x640x64xf32, #tpu.memory_space<hbm>>
      %dma_start3A_55 = tpu.memref_squeeze %dma_start3A_54 : memref<1x640x64xf32, #tpu.memory_space<hbm>> -> memref<640x64xf32, #tpu.memory_space<hbm>>
      %dma_start3A_56 = arith.constant 0 : i32
      %dma_start3A_57 = tpu.memref_slice %arg10[%mul3A_2, %dma_start3A_56] : memref<10240x64xf32, #tpu.memory_space<vmem_shared>> -> memref<640x64xf32, #tpu.memory_space<vmem_shared>>
      tpu.enqueue_dma source(%dma_start3A_57 : memref<640x64xf32, #tpu.memory_space<vmem_shared>>) target(%dma_start3A_55 : memref<640x64xf32, #tpu.memory_space<hbm>>) target_semaphore(%run_scoped3A_52 : memref<!tpu.dma_semaphore, #tpu.memory_space<semaphore_mem>>)
      %dma_wait3A_58 = arith.constant 0 : i32
      %dma_wait3A_59 = tpu.memref_slice %arg5[%arg0, %mul3A_2, %dma_wait3A_58] : memref<2x10240x64xf32, #tpu.memory_space<hbm>> -> memref<1x640x64xf32, #tpu.memory_space<hbm>>
      %dma_wait3A_60 = tpu.memref_squeeze %dma_wait3A_59 : memref<1x640x64xf32, #tpu.memory_space<hbm>> -> memref<640x64xf32, #tpu.memory_space<hbm>>
      %dma_wait3A_61 = arith.constant 0 : i32
      %dma_wait3A_62 = tpu.memref_slice %arg10[%mul3A_2, %dma_wait3A_61] : memref<10240x64xf32, #tpu.memory_space<vmem_shared>> -> memref<640x64xf32, #tpu.memory_space<vmem_shared>>
      tpu.wait_dma2 semaphore(%run_scoped3A_52 : memref<!tpu.dma_semaphore, #tpu.memory_space<semaphore_mem>>) src(%dma_wait3A_62 : memref<640x64xf32, #tpu.memory_space<vmem_shared>>) dst(%dma_wait3A_60 : memref<640x64xf32, #tpu.memory_space<hbm>>)
      tpu.yield
    }) : () -> ()
    return
  }
}

#map = affine_map<(d0, d1) -> (0)>
#map1 = affine_map<(d0, d1) -> (0, 0)>
module attributes {stable_mosaic.version = 14 : i64} {
  func.func @_sc_user_body(%arg0: i32, %arg1: i32, %arg2: memref<1024xi32, #tpu.memory_space<hbm>>, %arg3: memref<100000x64xf32, #tpu.memory_space<hbm>>, %arg4: memref<1024x64xf32, #tpu.memory_space<hbm>>, %arg5: memref<32xi32, #tpu.memory_space<vmem>>, %arg6: memref<32x64xf32, #tpu.memory_space<vmem>>, %arg7: memref<!tpu.dma_semaphore, #tpu.memory_space<semaphore_mem>>) attributes {dimension_semantics = [#tpu.dimension_semantics<core_parallel>, #tpu.dimension_semantics<subcore_parallel>], iteration_bounds = array<i64: 2, 16>, scalar_prefetch = 0 : i64, scratch_operands = 3 : i64, tpu.core_type = #tpu.core_type<sc_vector_subcore>, window_params = [{transform_indices = #map}, {transform_indices = #map1}, {transform_indices = #map1}]} {
    %mul3A = arith.constant 2 : i32
    %mul3A_0 = arith.muli %arg1, %mul3A : i32
    %add3A = arith.addi %mul3A_0, %arg0 : i32
    %mul3A_1 = arith.constant 32 : i32
    %mul3A_2 = arith.muli %add3A, %mul3A_1 : i32
    "tpu.region"() ({
      %run_scoped3A = tpu.sem_alloc : memref<!tpu.dma_semaphore, #tpu.memory_space<semaphore_mem>>
      %dma_start3A_9 = tpu.memref_slice %arg2[%mul3A_2] : memref<1024xi32, #tpu.memory_space<hbm>> -> memref<32xi32, #tpu.memory_space<hbm>>
      %dma_start3A_10 = tpu.memref_slice %arg2[%mul3A_2] : memref<1024xi32, #tpu.memory_space<hbm>> -> memref<32xi32, #tpu.memory_space<hbm>>
      tpu.enqueue_dma source(%dma_start3A_10 : memref<32xi32, #tpu.memory_space<hbm>>) target(%arg5 : memref<32xi32, #tpu.memory_space<vmem>>) target_semaphore(%run_scoped3A : memref<!tpu.dma_semaphore, #tpu.memory_space<semaphore_mem>>)
      %dma_wait3A_11 = tpu.memref_slice %arg2[%mul3A_2] : memref<1024xi32, #tpu.memory_space<hbm>> -> memref<32xi32, #tpu.memory_space<hbm>>
      %dma_wait3A_12 = tpu.memref_slice %arg2[%mul3A_2] : memref<1024xi32, #tpu.memory_space<hbm>> -> memref<32xi32, #tpu.memory_space<hbm>>
      tpu.wait_dma2 semaphore(%run_scoped3A : memref<!tpu.dma_semaphore, #tpu.memory_space<semaphore_mem>>) src(%dma_wait3A_12 : memref<32xi32, #tpu.memory_space<hbm>>) dst(%arg5 : memref<32xi32, #tpu.memory_space<vmem>>)
      tpu.yield
    }) : () -> ()
    %dma_start3A = arith.constant 0 : i32
    %dma_start3A_3 = arith.constant 0 : i32
    %dma_start3A_4 = tpu.memref_slice %arg3[%dma_start3A, %dma_start3A_3] : memref<100000x64xf32, #tpu.memory_space<hbm>> -> memref<100000x64xf32, #tpu.memory_space<hbm>>
    tpu.enqueue_indirect_dma source(%dma_start3A_4 : memref<100000x64xf32, #tpu.memory_space<hbm>>) target(%arg6 : memref<32x64xf32, #tpu.memory_space<vmem>>) offsets(%arg5 : memref<32xi32, #tpu.memory_space<vmem>>) semaphore(%arg7 : memref<!tpu.dma_semaphore, #tpu.memory_space<semaphore_mem>>)
    %dma_wait3A = arith.constant 0 : i32
    %dma_wait3A_5 = arith.constant 0 : i32
    %dma_wait3A_6 = tpu.memref_slice %arg3[%dma_wait3A, %dma_wait3A_5] : memref<100000x64xf32, #tpu.memory_space<hbm>> -> memref<100000x64xf32, #tpu.memory_space<hbm>>
    tpu.wait_indirect_dma semaphore(%arg7 : memref<!tpu.dma_semaphore, #tpu.memory_space<semaphore_mem>>) src(%dma_wait3A_6 : memref<100000x64xf32, #tpu.memory_space<hbm>>) dst(%arg6 : memref<32x64xf32, #tpu.memory_space<vmem>>)
    %mul3A_7 = arith.constant 32 : i32
    %mul3A_8 = arith.muli %add3A, %mul3A_7 : i32
    "tpu.region"() ({
      %run_scoped3A = tpu.sem_alloc : memref<!tpu.dma_semaphore, #tpu.memory_space<semaphore_mem>>
      %dma_start3A_9 = arith.constant 0 : i32
      %dma_start3A_10 = tpu.memref_slice %arg4[%mul3A_8, %dma_start3A_9] : memref<1024x64xf32, #tpu.memory_space<hbm>> -> memref<32x64xf32, #tpu.memory_space<hbm>>
      %dma_start3A_11 = arith.constant 0 : i32
      %dma_start3A_12 = tpu.memref_slice %arg4[%mul3A_8, %dma_start3A_11] : memref<1024x64xf32, #tpu.memory_space<hbm>> -> memref<32x64xf32, #tpu.memory_space<hbm>>
      tpu.enqueue_dma source(%arg6 : memref<32x64xf32, #tpu.memory_space<vmem>>) target(%dma_start3A_12 : memref<32x64xf32, #tpu.memory_space<hbm>>) target_semaphore(%run_scoped3A : memref<!tpu.dma_semaphore, #tpu.memory_space<semaphore_mem>>)
      %dma_wait3A_13 = arith.constant 0 : i32
      %dma_wait3A_14 = tpu.memref_slice %arg4[%mul3A_8, %dma_wait3A_13] : memref<1024x64xf32, #tpu.memory_space<hbm>> -> memref<32x64xf32, #tpu.memory_space<hbm>>
      %dma_wait3A_15 = arith.constant 0 : i32
      %dma_wait3A_16 = tpu.memref_slice %arg4[%mul3A_8, %dma_wait3A_15] : memref<1024x64xf32, #tpu.memory_space<hbm>> -> memref<32x64xf32, #tpu.memory_space<hbm>>
      tpu.wait_dma2 semaphore(%run_scoped3A : memref<!tpu.dma_semaphore, #tpu.memory_space<semaphore_mem>>) src(%arg6 : memref<32x64xf32, #tpu.memory_space<vmem>>) dst(%dma_wait3A_16 : memref<32x64xf32, #tpu.memory_space<hbm>>)
      tpu.yield
    }) : () -> ()
    return
  }
}

#map = affine_map<(d0, d1) -> (0, 0)>
#map1 = affine_map<(d0, d1) -> (0, 0, 0)>
module attributes {stable_mosaic.version = 14 : i64} {
  func.func @_sc1_body(%arg0: i32, %arg1: i32, %arg2: memref<2x640000xi32, #tpu.memory_space<hbm>>, %arg3: memref<10000x64xf32, #tpu.memory_space<hbm>>, %arg4: memref<10240x64xf32, #tpu.memory_space<hbm>>, %arg5: memref<10240x16xf32, #tpu.memory_space<hbm>>, %arg6: memref<128x16xf32, #tpu.memory_space<hbm>>, %arg7: memref<2x10240x64xf32, #tpu.memory_space<hbm>>, %arg8: memref<2x10240x16xf32, #tpu.memory_space<hbm>>, %arg9: memref<20000xi32, #tpu.memory_space<vmem>>, %arg10: memref<20000xi32, #tpu.memory_space<vmem>>, %arg11: memref<128x64xf32, #tpu.memory_space<vmem>>, %arg12: memref<128x64xf32, #tpu.memory_space<vmem>>, %arg13: memref<128x16xf32, #tpu.memory_space<vmem>>, %arg14: memref<10240x64xf32, #tpu.memory_space<vmem_shared>>, %arg15: memref<10240x16xf32, #tpu.memory_space<vmem_shared>>, %arg16: memref<!tpu.dma_semaphore, #tpu.memory_space<semaphore_mem>>, %arg17: memref<!tpu.dma_semaphore, #tpu.memory_space<semaphore_mem>>) attributes {dimension_semantics = [#tpu.dimension_semantics<core_parallel>, #tpu.dimension_semantics<subcore_parallel>], iteration_bounds = array<i64: 2, 16>, scalar_prefetch = 0 : i64, scratch_operands = 9 : i64, tpu.core_type = #tpu.core_type<sc_vector_subcore>, window_params = [{transform_indices = #map}, {transform_indices = #map}, {transform_indices = #map}, {transform_indices = #map}, {transform_indices = #map}, {transform_indices = #map1}, {transform_indices = #map1}]} {
    %mul3A = arith.constant 2 : i32
    %mul3A_0 = arith.muli %arg1, %mul3A : i32
    %add3A = arith.addi %mul3A_0, %arg0 : i32
    %mul3A_1 = arith.constant 640 : i32
    %mul3A_2 = arith.muli %arg1, %mul3A_1 : i32
    %mul3A_3 = arith.constant 20000 : i32
    %mul3A_4 = arith.muli %add3A, %mul3A_3 : i32
    "tpu.region"() ({
      %run_scoped3A_68 = tpu.sem_alloc : memref<!tpu.dma_semaphore, #tpu.memory_space<semaphore_mem>>
      %dma_start3A_69 = arith.constant 0 : i32
      %dma_start3A_70 = tpu.memref_slice %arg14[%mul3A_2, %dma_start3A_69] : memref<10240x64xf32, #tpu.memory_space<vmem_shared>> -> memref<640x64xf32, #tpu.memory_space<vmem_shared>>
      %dma_start3A_71 = arith.constant 0 : i32
      %dma_start3A_72 = tpu.memref_slice %arg4[%mul3A_2, %dma_start3A_71] : memref<10240x64xf32, #tpu.memory_space<hbm>> -> memref<640x64xf32, #tpu.memory_space<hbm>>
      tpu.enqueue_dma source(%dma_start3A_72 : memref<640x64xf32, #tpu.memory_space<hbm>>) target(%dma_start3A_70 : memref<640x64xf32, #tpu.memory_space<vmem_shared>>) target_semaphore(%run_scoped3A_68 : memref<!tpu.dma_semaphore, #tpu.memory_space<semaphore_mem>>)
      %dma_wait3A_73 = arith.constant 0 : i32
      %dma_wait3A_74 = tpu.memref_slice %arg14[%mul3A_2, %dma_wait3A_73] : memref<10240x64xf32, #tpu.memory_space<vmem_shared>> -> memref<640x64xf32, #tpu.memory_space<vmem_shared>>
      %dma_wait3A_75 = arith.constant 0 : i32
      %dma_wait3A_76 = tpu.memref_slice %arg4[%mul3A_2, %dma_wait3A_75] : memref<10240x64xf32, #tpu.memory_space<hbm>> -> memref<640x64xf32, #tpu.memory_space<hbm>>
      tpu.wait_dma2 semaphore(%run_scoped3A_68 : memref<!tpu.dma_semaphore, #tpu.memory_space<semaphore_mem>>) src(%dma_wait3A_76 : memref<640x64xf32, #tpu.memory_space<hbm>>) dst(%dma_wait3A_74 : memref<640x64xf32, #tpu.memory_space<vmem_shared>>)
      tpu.yield
    }) : () -> ()
    "tpu.region"() ({
      %run_scoped3A_68 = tpu.sem_alloc : memref<!tpu.dma_semaphore, #tpu.memory_space<semaphore_mem>>
      %dma_start3A_69 = arith.constant 0 : i32
      %dma_start3A_70 = tpu.memref_slice %arg15[%mul3A_2, %dma_start3A_69] : memref<10240x16xf32, #tpu.memory_space<vmem_shared>> -> memref<640x16xf32, #tpu.memory_space<vmem_shared>>
      %dma_start3A_71 = arith.constant 0 : i32
      %dma_start3A_72 = tpu.memref_slice %arg5[%mul3A_2, %dma_start3A_71] : memref<10240x16xf32, #tpu.memory_space<hbm>> -> memref<640x16xf32, #tpu.memory_space<hbm>>
      tpu.enqueue_dma source(%dma_start3A_72 : memref<640x16xf32, #tpu.memory_space<hbm>>) target(%dma_start3A_70 : memref<640x16xf32, #tpu.memory_space<vmem_shared>>) target_semaphore(%run_scoped3A_68 : memref<!tpu.dma_semaphore, #tpu.memory_space<semaphore_mem>>)
      %dma_wait3A_73 = arith.constant 0 : i32
      %dma_wait3A_74 = tpu.memref_slice %arg15[%mul3A_2, %dma_wait3A_73] : memref<10240x16xf32, #tpu.memory_space<vmem_shared>> -> memref<640x16xf32, #tpu.memory_space<vmem_shared>>
      %dma_wait3A_75 = arith.constant 0 : i32
      %dma_wait3A_76 = tpu.memref_slice %arg5[%mul3A_2, %dma_wait3A_75] : memref<10240x16xf32, #tpu.memory_space<hbm>> -> memref<640x16xf32, #tpu.memory_space<hbm>>
      tpu.wait_dma2 semaphore(%run_scoped3A_68 : memref<!tpu.dma_semaphore, #tpu.memory_space<semaphore_mem>>) src(%dma_wait3A_76 : memref<640x16xf32, #tpu.memory_space<hbm>>) dst(%dma_wait3A_74 : memref<640x16xf32, #tpu.memory_space<vmem_shared>>)
      tpu.yield
    }) : () -> ()
    %run_scoped3A = arith.constant 0 : i32
    "tpu.region"() ({
      %run_scoped3A_68 = tpu.sem_alloc : memref<!tpu.dma_semaphore, #tpu.memory_space<semaphore_mem>>
      %dma_start3A_69 = tpu.memref_slice %arg2[%run_scoped3A, %mul3A_4] : memref<2x640000xi32, #tpu.memory_space<hbm>> -> memref<1x20000xi32, #tpu.memory_space<hbm>>
      %dma_start3A_70 = tpu.memref_squeeze %dma_start3A_69 : memref<1x20000xi32, #tpu.memory_space<hbm>> -> memref<20000xi32, #tpu.memory_space<hbm>>
      %dma_start3A_71 = tpu.memref_slice %arg2[%run_scoped3A, %mul3A_4] : memref<2x640000xi32, #tpu.memory_space<hbm>> -> memref<1x20000xi32, #tpu.memory_space<hbm>>
      %dma_start3A_72 = tpu.memref_squeeze %dma_start3A_71 : memref<1x20000xi32, #tpu.memory_space<hbm>> -> memref<20000xi32, #tpu.memory_space<hbm>>
      tpu.enqueue_dma source(%dma_start3A_72 : memref<20000xi32, #tpu.memory_space<hbm>>) target(%arg9 : memref<20000xi32, #tpu.memory_space<vmem>>) target_semaphore(%run_scoped3A_68 : memref<!tpu.dma_semaphore, #tpu.memory_space<semaphore_mem>>)
      %dma_wait3A_73 = tpu.memref_slice %arg2[%run_scoped3A, %mul3A_4] : memref<2x640000xi32, #tpu.memory_space<hbm>> -> memref<1x20000xi32, #tpu.memory_space<hbm>>
      %dma_wait3A_74 = tpu.memref_squeeze %dma_wait3A_73 : memref<1x20000xi32, #tpu.memory_space<hbm>> -> memref<20000xi32, #tpu.memory_space<hbm>>
      %dma_wait3A_75 = tpu.memref_slice %arg2[%run_scoped3A, %mul3A_4] : memref<2x640000xi32, #tpu.memory_space<hbm>> -> memref<1x20000xi32, #tpu.memory_space<hbm>>
      %dma_wait3A_76 = tpu.memref_squeeze %dma_wait3A_75 : memref<1x20000xi32, #tpu.memory_space<hbm>> -> memref<20000xi32, #tpu.memory_space<hbm>>
      tpu.wait_dma2 semaphore(%run_scoped3A_68 : memref<!tpu.dma_semaphore, #tpu.memory_space<semaphore_mem>>) src(%dma_wait3A_76 : memref<20000xi32, #tpu.memory_space<hbm>>) dst(%arg9 : memref<20000xi32, #tpu.memory_space<vmem>>)
      tpu.yield
    }) : () -> ()
    %run_scoped3A_5 = arith.constant 1 : i32
    "tpu.region"() ({
      %run_scoped3A_68 = tpu.sem_alloc : memref<!tpu.dma_semaphore, #tpu.memory_space<semaphore_mem>>
      %dma_start3A_69 = tpu.memref_slice %arg2[%run_scoped3A_5, %mul3A_4] : memref<2x640000xi32, #tpu.memory_space<hbm>> -> memref<1x20000xi32, #tpu.memory_space<hbm>>
      %dma_start3A_70 = tpu.memref_squeeze %dma_start3A_69 : memref<1x20000xi32, #tpu.memory_space<hbm>> -> memref<20000xi32, #tpu.memory_space<hbm>>
      %dma_start3A_71 = tpu.memref_slice %arg2[%run_scoped3A_5, %mul3A_4] : memref<2x640000xi32, #tpu.memory_space<hbm>> -> memref<1x20000xi32, #tpu.memory_space<hbm>>
      %dma_start3A_72 = tpu.memref_squeeze %dma_start3A_71 : memref<1x20000xi32, #tpu.memory_space<hbm>> -> memref<20000xi32, #tpu.memory_space<hbm>>
      tpu.enqueue_dma source(%dma_start3A_72 : memref<20000xi32, #tpu.memory_space<hbm>>) target(%arg10 : memref<20000xi32, #tpu.memory_space<vmem>>) target_semaphore(%run_scoped3A_68 : memref<!tpu.dma_semaphore, #tpu.memory_space<semaphore_mem>>)
      %dma_wait3A_73 = tpu.memref_slice %arg2[%run_scoped3A_5, %mul3A_4] : memref<2x640000xi32, #tpu.memory_space<hbm>> -> memref<1x20000xi32, #tpu.memory_space<hbm>>
      %dma_wait3A_74 = tpu.memref_squeeze %dma_wait3A_73 : memref<1x20000xi32, #tpu.memory_space<hbm>> -> memref<20000xi32, #tpu.memory_space<hbm>>
      %dma_wait3A_75 = tpu.memref_slice %arg2[%run_scoped3A_5, %mul3A_4] : memref<2x640000xi32, #tpu.memory_space<hbm>> -> memref<1x20000xi32, #tpu.memory_space<hbm>>
      %dma_wait3A_76 = tpu.memref_squeeze %dma_wait3A_75 : memref<1x20000xi32, #tpu.memory_space<hbm>> -> memref<20000xi32, #tpu.memory_space<hbm>>
      tpu.wait_dma2 semaphore(%run_scoped3A_68 : memref<!tpu.dma_semaphore, #tpu.memory_space<semaphore_mem>>) src(%dma_wait3A_76 : memref<20000xi32, #tpu.memory_space<hbm>>) dst(%arg10 : memref<20000xi32, #tpu.memory_space<vmem>>)
      tpu.yield
    }) : () -> ()
    "tpu.region"() ({
      %run_scoped3A_68 = tpu.sem_alloc : memref<!tpu.dma_semaphore, #tpu.memory_space<semaphore_mem>>
      tpu.enqueue_dma source(%arg6 : memref<128x16xf32, #tpu.memory_space<hbm>>) target(%arg13 : memref<128x16xf32, #tpu.memory_space<vmem>>) target_semaphore(%run_scoped3A_68 : memref<!tpu.dma_semaphore, #tpu.memory_space<semaphore_mem>>)
      tpu.wait_dma2 semaphore(%run_scoped3A_68 : memref<!tpu.dma_semaphore, #tpu.memory_space<semaphore_mem>>) src(%arg6 : memref<128x16xf32, #tpu.memory_space<hbm>>) dst(%arg13 : memref<128x16xf32, #tpu.memory_space<vmem>>)
      tpu.yield
    }) : () -> ()
    %barrier3A = arith.constant 0 : index
    tpu.barrier barrier_id(%barrier3A)
    %dma_start3A = arith.constant 0 : i32
    %dma_start3A_6 = tpu.memref_slice %arg9[%dma_start3A] : memref<20000xi32, #tpu.memory_space<vmem>> -> memref<128xi32, #tpu.memory_space<vmem>>
    %dma_start3A_7 = arith.constant 0 : i32
    %dma_start3A_8 = arith.constant 0 : i32
    %dma_start3A_9 = tpu.memref_slice %arg3[%dma_start3A_7, %dma_start3A_8] : memref<10000x64xf32, #tpu.memory_space<hbm>> -> memref<10000x64xf32, #tpu.memory_space<hbm>>
    tpu.enqueue_indirect_dma source(%dma_start3A_9 : memref<10000x64xf32, #tpu.memory_space<hbm>>) target(%arg11 : memref<128x64xf32, #tpu.memory_space<vmem>>) offsets(%dma_start3A_6 : memref<128xi32, #tpu.memory_space<vmem>>) semaphore(%arg16 : memref<!tpu.dma_semaphore, #tpu.memory_space<semaphore_mem>>)
    %dma_start3A_10 = arith.constant 128 : i32
    %dma_start3A_11 = tpu.memref_slice %arg9[%dma_start3A_10] : memref<20000xi32, #tpu.memory_space<vmem>> -> memref<128xi32, #tpu.memory_space<vmem>>
    %dma_start3A_12 = arith.constant 0 : i32
    %dma_start3A_13 = arith.constant 0 : i32
    %dma_start3A_14 = tpu.memref_slice %arg3[%dma_start3A_12, %dma_start3A_13] : memref<10000x64xf32, #tpu.memory_space<hbm>> -> memref<10000x64xf32, #tpu.memory_space<hbm>>
    tpu.enqueue_indirect_dma source(%dma_start3A_14 : memref<10000x64xf32, #tpu.memory_space<hbm>>) target(%arg12 : memref<128x64xf32, #tpu.memory_space<vmem>>) offsets(%dma_start3A_11 : memref<128xi32, #tpu.memory_space<vmem>>) semaphore(%arg16 : memref<!tpu.dma_semaphore, #tpu.memory_space<semaphore_mem>>)
    %scan3A = arith.constant 0 : i32
    %scan3A_15 = arith.constant 0 : i32
    %scan3A_16 = arith.constant 78 : i32
    %scan3A_17 = arith.addi %scan3A_15, %scan3A_16 : i32
    %scan3A_18 = arith.constant 1 : i32
    scf.for %scan3A_68 = %scan3A_15 to %scan3A_17 step %scan3A_18  : i32 {
      %mul3A_69 = arith.constant 2 : i32
      %mul3A_70 = arith.muli %mul3A_69, %scan3A_68 : i32
      %mul3A_71 = arith.constant 128 : i32
      %mul3A_72 = arith.muli %mul3A_70, %mul3A_71 : i32
      %dma_wait3A_73 = tpu.memref_slice %arg9[%mul3A_72] : memref<20000xi32, #tpu.memory_space<vmem>> -> memref<128xi32, #tpu.memory_space<vmem>>
      %dma_wait3A_74 = arith.constant 0 : i32
      %dma_wait3A_75 = arith.constant 0 : i32
      %dma_wait3A_76 = tpu.memref_slice %arg3[%dma_wait3A_74, %dma_wait3A_75] : memref<10000x64xf32, #tpu.memory_space<hbm>> -> memref<10000x64xf32, #tpu.memory_space<hbm>>
      tpu.wait_indirect_dma semaphore(%arg16 : memref<!tpu.dma_semaphore, #tpu.memory_space<semaphore_mem>>) src(%dma_wait3A_76 : memref<10000x64xf32, #tpu.memory_space<hbm>>) dst(%arg11 : memref<128x64xf32, #tpu.memory_space<vmem>>)
      %mul3A_77 = arith.constant 128 : i32
      %mul3A_78 = arith.muli %mul3A_70, %mul3A_77 : i32
      %dma_start3A_79 = tpu.memref_slice %arg10[%mul3A_78] : memref<20000xi32, #tpu.memory_space<vmem>> -> memref<128xi32, #tpu.memory_space<vmem>>
      %dma_start3A_80 = arith.constant 0 : i32
      %dma_start3A_81 = arith.constant 0 : i32
      %dma_start3A_82 = tpu.memref_slice %arg14[%dma_start3A_80, %dma_start3A_81] : memref<10240x64xf32, #tpu.memory_space<vmem_shared>> -> memref<10240x64xf32, #tpu.memory_space<vmem_shared>>
      tpu.enqueue_indirect_dma source(%arg11 : memref<128x64xf32, #tpu.memory_space<vmem>>) target(%dma_start3A_82 : memref<10240x64xf32, #tpu.memory_space<vmem_shared>>) offsets(%dma_start3A_79 : memref<128xi32, #tpu.memory_space<vmem>>) semaphore(%arg17 : memref<!tpu.dma_semaphore, #tpu.memory_space<semaphore_mem>>) {add = true}
      %mul3A_83 = arith.constant 128 : i32
      %mul3A_84 = arith.muli %mul3A_70, %mul3A_83 : i32
      %dma_start3A_85 = tpu.memref_slice %arg10[%mul3A_84] : memref<20000xi32, #tpu.memory_space<vmem>> -> memref<128xi32, #tpu.memory_space<vmem>>
      %dma_start3A_86 = arith.constant 0 : i32
      %dma_start3A_87 = arith.constant 0 : i32
      %dma_start3A_88 = tpu.memref_slice %arg15[%dma_start3A_86, %dma_start3A_87] : memref<10240x16xf32, #tpu.memory_space<vmem_shared>> -> memref<10240x16xf32, #tpu.memory_space<vmem_shared>>
      tpu.enqueue_indirect_dma source(%arg13 : memref<128x16xf32, #tpu.memory_space<vmem>>) target(%dma_start3A_88 : memref<10240x16xf32, #tpu.memory_space<vmem_shared>>) offsets(%dma_start3A_85 : memref<128xi32, #tpu.memory_space<vmem>>) semaphore(%arg17 : memref<!tpu.dma_semaphore, #tpu.memory_space<semaphore_mem>>) {add = true}
      %mul3A_89 = arith.constant 128 : i32
      %mul3A_90 = arith.muli %mul3A_70, %mul3A_89 : i32
      %dma_wait3A_91 = tpu.memref_slice %arg9[%mul3A_90] : memref<20000xi32, #tpu.memory_space<vmem>> -> memref<128xi32, #tpu.memory_space<vmem>>
      %dma_wait3A_92 = arith.constant 0 : i32
      %dma_wait3A_93 = arith.constant 0 : i32
      %dma_wait3A_94 = tpu.memref_slice %arg3[%dma_wait3A_92, %dma_wait3A_93] : memref<10000x64xf32, #tpu.memory_space<hbm>> -> memref<10000x64xf32, #tpu.memory_space<hbm>>
      tpu.wait_indirect_dma semaphore(%arg16 : memref<!tpu.dma_semaphore, #tpu.memory_space<semaphore_mem>>) src(%dma_wait3A_94 : memref<10000x64xf32, #tpu.memory_space<hbm>>) dst(%arg12 : memref<128x64xf32, #tpu.memory_space<vmem>>)
      %dma_wait3A_95 = tpu.memref_slice %arg10[%mul3A_78] : memref<20000xi32, #tpu.memory_space<vmem>> -> memref<128xi32, #tpu.memory_space<vmem>>
      %dma_wait3A_96 = arith.constant 0 : i32
      %dma_wait3A_97 = arith.constant 0 : i32
      %dma_wait3A_98 = tpu.memref_slice %arg14[%dma_wait3A_96, %dma_wait3A_97] : memref<10240x64xf32, #tpu.memory_space<vmem_shared>> -> memref<10240x64xf32, #tpu.memory_space<vmem_shared>>
      tpu.wait_indirect_dma semaphore(%arg17 : memref<!tpu.dma_semaphore, #tpu.memory_space<semaphore_mem>>) src(%arg11 : memref<128x64xf32, #tpu.memory_space<vmem>>) dst(%dma_wait3A_98 : memref<10240x64xf32, #tpu.memory_space<vmem_shared>>)
      %dma_wait3A_99 = tpu.memref_slice %arg10[%mul3A_84] : memref<20000xi32, #tpu.memory_space<vmem>> -> memref<128xi32, #tpu.memory_space<vmem>>
      %dma_wait3A_100 = arith.constant 0 : i32
      %dma_wait3A_101 = arith.constant 0 : i32
      %dma_wait3A_102 = tpu.memref_slice %arg15[%dma_wait3A_100, %dma_wait3A_101] : memref<10240x16xf32, #tpu.memory_space<vmem_shared>> -> memref<10240x16xf32, #tpu.memory_space<vmem_shared>>
      tpu.wait_indirect_dma semaphore(%arg17 : memref<!tpu.dma_semaphore, #tpu.memory_space<semaphore_mem>>) src(%arg13 : memref<128x16xf32, #tpu.memory_space<vmem>>) dst(%dma_wait3A_102 : memref<10240x16xf32, #tpu.memory_space<vmem_shared>>)
      %lt3A = arith.constant 77 : i32
      %lt3A_103 = arith.cmpi slt, %scan3A_68, %lt3A : i32
      %convert_element_type3A = arith.extui %lt3A_103 : i1 to i32
      %cond3A = arith.constant 0 : i32
      %cond3A_104 = arith.cmpi ne, %convert_element_type3A, %cond3A : i32
      scf.if %cond3A_104 {
        %add3A_134 = arith.constant 2 : i32
        %add3A_135 = arith.addi %mul3A_70, %add3A_134 : i32
        %mul3A_136 = arith.constant 128 : i32
        %mul3A_137 = arith.muli %add3A_135, %mul3A_136 : i32
        %dma_start3A_138 = tpu.memref_slice %arg9[%mul3A_137] : memref<20000xi32, #tpu.memory_space<vmem>> -> memref<128xi32, #tpu.memory_space<vmem>>
        %dma_start3A_139 = arith.constant 0 : i32
        %dma_start3A_140 = arith.constant 0 : i32
        %dma_start3A_141 = tpu.memref_slice %arg3[%dma_start3A_139, %dma_start3A_140] : memref<10000x64xf32, #tpu.memory_space<hbm>> -> memref<10000x64xf32, #tpu.memory_space<hbm>>
        tpu.enqueue_indirect_dma source(%dma_start3A_141 : memref<10000x64xf32, #tpu.memory_space<hbm>>) target(%arg11 : memref<128x64xf32, #tpu.memory_space<vmem>>) offsets(%dma_start3A_138 : memref<128xi32, #tpu.memory_space<vmem>>) semaphore(%arg16 : memref<!tpu.dma_semaphore, #tpu.memory_space<semaphore_mem>>)
      } else {
      }
      %add3A_105 = arith.constant 1 : i32
      %add3A_106 = arith.addi %mul3A_70, %add3A_105 : i32
      %mul3A_107 = arith.constant 128 : i32
      %mul3A_108 = arith.muli %add3A_106, %mul3A_107 : i32
      %dma_start3A_109 = tpu.memref_slice %arg10[%mul3A_108] : memref<20000xi32, #tpu.memory_space<vmem>> -> memref<128xi32, #tpu.memory_space<vmem>>
      %dma_start3A_110 = arith.constant 0 : i32
      %dma_start3A_111 = arith.constant 0 : i32
      %dma_start3A_112 = tpu.memref_slice %arg14[%dma_start3A_110, %dma_start3A_111] : memref<10240x64xf32, #tpu.memory_space<vmem_shared>> -> memref<10240x64xf32, #tpu.memory_space<vmem_shared>>
      tpu.enqueue_indirect_dma source(%arg12 : memref<128x64xf32, #tpu.memory_space<vmem>>) target(%dma_start3A_112 : memref<10240x64xf32, #tpu.memory_space<vmem_shared>>) offsets(%dma_start3A_109 : memref<128xi32, #tpu.memory_space<vmem>>) semaphore(%arg17 : memref<!tpu.dma_semaphore, #tpu.memory_space<semaphore_mem>>) {add = true}
      %add3A_113 = arith.constant 1 : i32
      %add3A_114 = arith.addi %mul3A_70, %add3A_113 : i32
      %mul3A_115 = arith.constant 128 : i32
      %mul3A_116 = arith.muli %add3A_114, %mul3A_115 : i32
      %dma_start3A_117 = tpu.memref_slice %arg10[%mul3A_116] : memref<20000xi32, #tpu.memory_space<vmem>> -> memref<128xi32, #tpu.memory_space<vmem>>
      %dma_start3A_118 = arith.constant 0 : i32
      %dma_start3A_119 = arith.constant 0 : i32
      %dma_start3A_120 = tpu.memref_slice %arg15[%dma_start3A_118, %dma_start3A_119] : memref<10240x16xf32, #tpu.memory_space<vmem_shared>> -> memref<10240x16xf32, #tpu.memory_space<vmem_shared>>
      tpu.enqueue_indirect_dma source(%arg13 : memref<128x16xf32, #tpu.memory_space<vmem>>) target(%dma_start3A_120 : memref<10240x16xf32, #tpu.memory_space<vmem_shared>>) offsets(%dma_start3A_117 : memref<128xi32, #tpu.memory_space<vmem>>) semaphore(%arg17 : memref<!tpu.dma_semaphore, #tpu.memory_space<semaphore_mem>>) {add = true}
      %dma_wait3A_121 = tpu.memref_slice %arg10[%mul3A_108] : memref<20000xi32, #tpu.memory_space<vmem>> -> memref<128xi32, #tpu.memory_space<vmem>>
      %dma_wait3A_122 = arith.constant 0 : i32
      %dma_wait3A_123 = arith.constant 0 : i32
      %dma_wait3A_124 = tpu.memref_slice %arg14[%dma_wait3A_122, %dma_wait3A_123] : memref<10240x64xf32, #tpu.memory_space<vmem_shared>> -> memref<10240x64xf32, #tpu.memory_space<vmem_shared>>
      tpu.wait_indirect_dma semaphore(%arg17 : memref<!tpu.dma_semaphore, #tpu.memory_space<semaphore_mem>>) src(%arg12 : memref<128x64xf32, #tpu.memory_space<vmem>>) dst(%dma_wait3A_124 : memref<10240x64xf32, #tpu.memory_space<vmem_shared>>)
      %dma_wait3A_125 = tpu.memref_slice %arg10[%mul3A_116] : memref<20000xi32, #tpu.memory_space<vmem>> -> memref<128xi32, #tpu.memory_space<vmem>>
      %dma_wait3A_126 = arith.constant 0 : i32
      %dma_wait3A_127 = arith.constant 0 : i32
      %dma_wait3A_128 = tpu.memref_slice %arg15[%dma_wait3A_126, %dma_wait3A_127] : memref<10240x16xf32, #tpu.memory_space<vmem_shared>> -> memref<10240x16xf32, #tpu.memory_space<vmem_shared>>
      tpu.wait_indirect_dma semaphore(%arg17 : memref<!tpu.dma_semaphore, #tpu.memory_space<semaphore_mem>>) src(%arg13 : memref<128x16xf32, #tpu.memory_space<vmem>>) dst(%dma_wait3A_128 : memref<10240x16xf32, #tpu.memory_space<vmem_shared>>)
      %lt3A_129 = arith.constant 77 : i32
      %lt3A_130 = arith.cmpi slt, %scan3A_68, %lt3A_129 : i32
      %convert_element_type3A_131 = arith.extui %lt3A_130 : i1 to i32
      %cond3A_132 = arith.constant 0 : i32
      %cond3A_133 = arith.cmpi ne, %convert_element_type3A_131, %cond3A_132 : i32
      scf.if %cond3A_133 {
        %add3A_134 = arith.constant 3 : i32
        %add3A_135 = arith.addi %mul3A_70, %add3A_134 : i32
        %mul3A_136 = arith.constant 128 : i32
        %mul3A_137 = arith.muli %add3A_135, %mul3A_136 : i32
        %dma_start3A_138 = tpu.memref_slice %arg9[%mul3A_137] : memref<20000xi32, #tpu.memory_space<vmem>> -> memref<128xi32, #tpu.memory_space<vmem>>
        %dma_start3A_139 = arith.constant 0 : i32
        %dma_start3A_140 = arith.constant 0 : i32
        %dma_start3A_141 = tpu.memref_slice %arg3[%dma_start3A_139, %dma_start3A_140] : memref<10000x64xf32, #tpu.memory_space<hbm>> -> memref<10000x64xf32, #tpu.memory_space<hbm>>
        tpu.enqueue_indirect_dma source(%dma_start3A_141 : memref<10000x64xf32, #tpu.memory_space<hbm>>) target(%arg12 : memref<128x64xf32, #tpu.memory_space<vmem>>) offsets(%dma_start3A_138 : memref<128xi32, #tpu.memory_space<vmem>>) semaphore(%arg16 : memref<!tpu.dma_semaphore, #tpu.memory_space<semaphore_mem>>)
      } else {
      }
    }
    %scan3A_19 = arith.constant 78 : i32
    %dma_start3A_20 = arith.constant 0 : i32
    %dma_start3A_21 = arith.constant 0 : i32
    %dma_start3A_22 = tpu.memref_slice %arg11[%dma_start3A_20, %dma_start3A_21] : memref<128x64xf32, #tpu.memory_space<vmem>> -> memref<32x64xf32, #tpu.memory_space<vmem>>
    %dma_start3A_23 = arith.constant 19968 : i32
    %dma_start3A_24 = tpu.memref_slice %arg9[%dma_start3A_23] : memref<20000xi32, #tpu.memory_space<vmem>> -> memref<32xi32, #tpu.memory_space<vmem>>
    %dma_start3A_25 = arith.constant 0 : i32
    %dma_start3A_26 = arith.constant 0 : i32
    %dma_start3A_27 = tpu.memref_slice %arg3[%dma_start3A_25, %dma_start3A_26] : memref<10000x64xf32, #tpu.memory_space<hbm>> -> memref<10000x64xf32, #tpu.memory_space<hbm>>
    tpu.enqueue_indirect_dma source(%dma_start3A_27 : memref<10000x64xf32, #tpu.memory_space<hbm>>) target(%dma_start3A_22 : memref<32x64xf32, #tpu.memory_space<vmem>>) offsets(%dma_start3A_24 : memref<32xi32, #tpu.memory_space<vmem>>) semaphore(%arg16 : memref<!tpu.dma_semaphore, #tpu.memory_space<semaphore_mem>>)
    %dma_wait3A = arith.constant 0 : i32
    %dma_wait3A_28 = arith.constant 0 : i32
    %dma_wait3A_29 = tpu.memref_slice %arg11[%dma_wait3A, %dma_wait3A_28] : memref<128x64xf32, #tpu.memory_space<vmem>> -> memref<32x64xf32, #tpu.memory_space<vmem>>
    %dma_wait3A_30 = arith.constant 19968 : i32
    %dma_wait3A_31 = tpu.memref_slice %arg9[%dma_wait3A_30] : memref<20000xi32, #tpu.memory_space<vmem>> -> memref<32xi32, #tpu.memory_space<vmem>>
    %dma_wait3A_32 = arith.constant 0 : i32
    %dma_wait3A_33 = arith.constant 0 : i32
    %dma_wait3A_34 = tpu.memref_slice %arg3[%dma_wait3A_32, %dma_wait3A_33] : memref<10000x64xf32, #tpu.memory_space<hbm>> -> memref<10000x64xf32, #tpu.memory_space<hbm>>
    tpu.wait_indirect_dma semaphore(%arg16 : memref<!tpu.dma_semaphore, #tpu.memory_space<semaphore_mem>>) src(%dma_wait3A_34 : memref<10000x64xf32, #tpu.memory_space<hbm>>) dst(%dma_wait3A_29 : memref<32x64xf32, #tpu.memory_space<vmem>>)
    %dma_start3A_35 = arith.constant 0 : i32
    %dma_start3A_36 = arith.constant 0 : i32
    %dma_start3A_37 = tpu.memref_slice %arg11[%dma_start3A_35, %dma_start3A_36] : memref<128x64xf32, #tpu.memory_space<vmem>> -> memref<32x64xf32, #tpu.memory_space<vmem>>
    %dma_start3A_38 = arith.constant 19968 : i32
    %dma_start3A_39 = tpu.memref_slice %arg10[%dma_start3A_38] : memref<20000xi32, #tpu.memory_space<vmem>> -> memref<32xi32, #tpu.memory_space<vmem>>
    %dma_start3A_40 = arith.constant 0 : i32
    %dma_start3A_41 = arith.constant 0 : i32
    %dma_start3A_42 = tpu.memref_slice %arg14[%dma_start3A_40, %dma_start3A_41] : memref<10240x64xf32, #tpu.memory_space<vmem_shared>> -> memref<10240x64xf32, #tpu.memory_space<vmem_shared>>
    tpu.enqueue_indirect_dma source(%dma_start3A_37 : memref<32x64xf32, #tpu.memory_space<vmem>>) target(%dma_start3A_42 : memref<10240x64xf32, #tpu.memory_space<vmem_shared>>) offsets(%dma_start3A_39 : memref<32xi32, #tpu.memory_space<vmem>>) semaphore(%arg17 : memref<!tpu.dma_semaphore, #tpu.memory_space<semaphore_mem>>) {add = true}
    %dma_start3A_43 = arith.constant 0 : i32
    %dma_start3A_44 = arith.constant 0 : i32
    %dma_start3A_45 = tpu.memref_slice %arg13[%dma_start3A_43, %dma_start3A_44] : memref<128x16xf32, #tpu.memory_space<vmem>> -> memref<32x16xf32, #tpu.memory_space<vmem>>
    %dma_start3A_46 = arith.constant 19968 : i32
    %dma_start3A_47 = tpu.memref_slice %arg10[%dma_start3A_46] : memref<20000xi32, #tpu.memory_space<vmem>> -> memref<32xi32, #tpu.memory_space<vmem>>
    %dma_start3A_48 = arith.constant 0 : i32
    %dma_start3A_49 = arith.constant 0 : i32
    %dma_start3A_50 = tpu.memref_slice %arg15[%dma_start3A_48, %dma_start3A_49] : memref<10240x16xf32, #tpu.memory_space<vmem_shared>> -> memref<10240x16xf32, #tpu.memory_space<vmem_shared>>
    tpu.enqueue_indirect_dma source(%dma_start3A_45 : memref<32x16xf32, #tpu.memory_space<vmem>>) target(%dma_start3A_50 : memref<10240x16xf32, #tpu.memory_space<vmem_shared>>) offsets(%dma_start3A_47 : memref<32xi32, #tpu.memory_space<vmem>>) semaphore(%arg17 : memref<!tpu.dma_semaphore, #tpu.memory_space<semaphore_mem>>) {add = true}
    %dma_wait3A_51 = arith.constant 0 : i32
    %dma_wait3A_52 = arith.constant 0 : i32
    %dma_wait3A_53 = tpu.memref_slice %arg13[%dma_wait3A_51, %dma_wait3A_52] : memref<128x16xf32, #tpu.memory_space<vmem>> -> memref<32x16xf32, #tpu.memory_space<vmem>>
    %dma_wait3A_54 = arith.constant 19968 : i32
    %dma_wait3A_55 = tpu.memref_slice %arg10[%dma_wait3A_54] : memref<20000xi32, #tpu.memory_space<vmem>> -> memref<32xi32, #tpu.memory_space<vmem>>
    %dma_wait3A_56 = arith.constant 0 : i32
    %dma_wait3A_57 = arith.constant 0 : i32
    %dma_wait3A_58 = tpu.memref_slice %arg15[%dma_wait3A_56, %dma_wait3A_57] : memref<10240x16xf32, #tpu.memory_space<vmem_shared>> -> memref<10240x16xf32, #tpu.memory_space<vmem_shared>>
    tpu.wait_indirect_dma semaphore(%arg17 : memref<!tpu.dma_semaphore, #tpu.memory_space<semaphore_mem>>) src(%dma_wait3A_53 : memref<32x16xf32, #tpu.memory_space<vmem>>) dst(%dma_wait3A_58 : memref<10240x16xf32, #tpu.memory_space<vmem_shared>>)
    %dma_wait3A_59 = arith.constant 0 : i32
    %dma_wait3A_60 = arith.constant 0 : i32
    %dma_wait3A_61 = tpu.memref_slice %arg11[%dma_wait3A_59, %dma_wait3A_60] : memref<128x64xf32, #tpu.memory_space<vmem>> -> memref<32x64xf32, #tpu.memory_space<vmem>>
    %dma_wait3A_62 = arith.constant 19968 : i32
    %dma_wait3A_63 = tpu.memref_slice %arg10[%dma_wait3A_62] : memref<20000xi32, #tpu.memory_space<vmem>> -> memref<32xi32, #tpu.memory_space<vmem>>
    %dma_wait3A_64 = arith.constant 0 : i32
    %dma_wait3A_65 = arith.constant 0 : i32
    %dma_wait3A_66 = tpu.memref_slice %arg14[%dma_wait3A_64, %dma_wait3A_65] : memref<10240x64xf32, #tpu.memory_space<vmem_shared>> -> memref<10240x64xf32, #tpu.memory_space<vmem_shared>>
    tpu.wait_indirect_dma semaphore(%arg17 : memref<!tpu.dma_semaphore, #tpu.memory_space<semaphore_mem>>) src(%dma_wait3A_61 : memref<32x64xf32, #tpu.memory_space<vmem>>) dst(%dma_wait3A_66 : memref<10240x64xf32, #tpu.memory_space<vmem_shared>>)
    %barrier3A_67 = arith.constant 0 : index
    tpu.barrier barrier_id(%barrier3A_67)
    "tpu.region"() ({
      %run_scoped3A_68 = tpu.sem_alloc : memref<!tpu.dma_semaphore, #tpu.memory_space<semaphore_mem>>
      %dma_start3A_69 = arith.constant 0 : i32
      %dma_start3A_70 = tpu.memref_slice %arg7[%arg0, %mul3A_2, %dma_start3A_69] : memref<2x10240x64xf32, #tpu.memory_space<hbm>> -> memref<1x640x64xf32, #tpu.memory_space<hbm>>
      %dma_start3A_71 = tpu.memref_squeeze %dma_start3A_70 : memref<1x640x64xf32, #tpu.memory_space<hbm>> -> memref<640x64xf32, #tpu.memory_space<hbm>>
      %dma_start3A_72 = arith.constant 0 : i32
      %dma_start3A_73 = tpu.memref_slice %arg14[%mul3A_2, %dma_start3A_72] : memref<10240x64xf32, #tpu.memory_space<vmem_shared>> -> memref<640x64xf32, #tpu.memory_space<vmem_shared>>
      tpu.enqueue_dma source(%dma_start3A_73 : memref<640x64xf32, #tpu.memory_space<vmem_shared>>) target(%dma_start3A_71 : memref<640x64xf32, #tpu.memory_space<hbm>>) target_semaphore(%run_scoped3A_68 : memref<!tpu.dma_semaphore, #tpu.memory_space<semaphore_mem>>)
      %dma_wait3A_74 = arith.constant 0 : i32
      %dma_wait3A_75 = tpu.memref_slice %arg7[%arg0, %mul3A_2, %dma_wait3A_74] : memref<2x10240x64xf32, #tpu.memory_space<hbm>> -> memref<1x640x64xf32, #tpu.memory_space<hbm>>
      %dma_wait3A_76 = tpu.memref_squeeze %dma_wait3A_75 : memref<1x640x64xf32, #tpu.memory_space<hbm>> -> memref<640x64xf32, #tpu.memory_space<hbm>>
      %dma_wait3A_77 = arith.constant 0 : i32
      %dma_wait3A_78 = tpu.memref_slice %arg14[%mul3A_2, %dma_wait3A_77] : memref<10240x64xf32, #tpu.memory_space<vmem_shared>> -> memref<640x64xf32, #tpu.memory_space<vmem_shared>>
      tpu.wait_dma2 semaphore(%run_scoped3A_68 : memref<!tpu.dma_semaphore, #tpu.memory_space<semaphore_mem>>) src(%dma_wait3A_78 : memref<640x64xf32, #tpu.memory_space<vmem_shared>>) dst(%dma_wait3A_76 : memref<640x64xf32, #tpu.memory_space<hbm>>)
      tpu.yield
    }) : () -> ()
    "tpu.region"() ({
      %run_scoped3A_68 = tpu.sem_alloc : memref<!tpu.dma_semaphore, #tpu.memory_space<semaphore_mem>>
      %dma_start3A_69 = arith.constant 0 : i32
      %dma_start3A_70 = tpu.memref_slice %arg8[%arg0, %mul3A_2, %dma_start3A_69] : memref<2x10240x16xf32, #tpu.memory_space<hbm>> -> memref<1x640x16xf32, #tpu.memory_space<hbm>>
      %dma_start3A_71 = tpu.memref_squeeze %dma_start3A_70 : memref<1x640x16xf32, #tpu.memory_space<hbm>> -> memref<640x16xf32, #tpu.memory_space<hbm>>
      %dma_start3A_72 = arith.constant 0 : i32
      %dma_start3A_73 = tpu.memref_slice %arg15[%mul3A_2, %dma_start3A_72] : memref<10240x16xf32, #tpu.memory_space<vmem_shared>> -> memref<640x16xf32, #tpu.memory_space<vmem_shared>>
      tpu.enqueue_dma source(%dma_start3A_73 : memref<640x16xf32, #tpu.memory_space<vmem_shared>>) target(%dma_start3A_71 : memref<640x16xf32, #tpu.memory_space<hbm>>) target_semaphore(%run_scoped3A_68 : memref<!tpu.dma_semaphore, #tpu.memory_space<semaphore_mem>>)
      %dma_wait3A_74 = arith.constant 0 : i32
      %dma_wait3A_75 = tpu.memref_slice %arg8[%arg0, %mul3A_2, %dma_wait3A_74] : memref<2x10240x16xf32, #tpu.memory_space<hbm>> -> memref<1x640x16xf32, #tpu.memory_space<hbm>>
      %dma_wait3A_76 = tpu.memref_squeeze %dma_wait3A_75 : memref<1x640x16xf32, #tpu.memory_space<hbm>> -> memref<640x16xf32, #tpu.memory_space<hbm>>
      %dma_wait3A_77 = arith.constant 0 : i32
      %dma_wait3A_78 = tpu.memref_slice %arg15[%mul3A_2, %dma_wait3A_77] : memref<10240x16xf32, #tpu.memory_space<vmem_shared>> -> memref<640x16xf32, #tpu.memory_space<vmem_shared>>
      tpu.wait_dma2 semaphore(%run_scoped3A_68 : memref<!tpu.dma_semaphore, #tpu.memory_space<semaphore_mem>>) src(%dma_wait3A_78 : memref<640x16xf32, #tpu.memory_space<vmem_shared>>) dst(%dma_wait3A_76 : memref<640x16xf32, #tpu.memory_space<hbm>>)
      tpu.yield
    }) : () -> ()
    return
  }
}

module attributes {stable_mosaic.version = 14 : i64} {
  func.func @_tc_pre1_body(%arg0: i32, %arg1: memref<1000x128xf32, #tpu.memory_space<vmem>>, %arg2: memref<64x128xf32, #tpu.memory_space<vmem>>, %arg3: memref<1x64xf32, #tpu.memory_space<vmem>>, %arg4: memref<1000x64xf32, #tpu.memory_space<vmem>>) attributes {dimension_semantics = [#tpu.dimension_semantics<arbitrary>], iteration_bounds = array<i64: 10>, scalar_prefetch = 0 : i64, scratch_operands = 0 : i64, tpu.core_type = #tpu.core_type<tc>, window_params = [{transform_indices = @transform_0, window_bounds = array<i64: 1000, 128>}, {pipeline_mode = #tpu.pipeline_mode<synchronous>, transform_indices = @transform_1, window_bounds = array<i64: 64, 128>}, {pipeline_mode = #tpu.pipeline_mode<synchronous>, transform_indices = @transform_2, window_bounds = array<i64: 1, 64>}, {transform_indices = @transform_3, window_bounds = array<i64: 1000, 64>}]} {
    %get3A = arith.constant 0 : index
    %get3A_0 = arith.constant 0 : index
    %get3A_1 = vector.load %arg1[%get3A, %get3A_0] : memref<1000x128xf32, #tpu.memory_space<vmem>>, vector<1000x128xf32>
    %mul3A = arith.mulf %get3A_1, %get3A_1 : vector<1000x128xf32>
    %reduce_sum3A = arith.constant dense<0.000000e+00> : vector<1000xf32>
    %reduce_sum3A_2 = vector.multi_reduction <add>, %mul3A, %reduce_sum3A [1] : vector<1000x128xf32> to vector<1000xf32>
    %broadcast_in_dim3A = vector.shape_cast %reduce_sum3A_2 : vector<1000xf32> to vector<1000x1xf32>
    %sqrt3A = math.sqrt %broadcast_in_dim3A : vector<1000x1xf32>
    %max3A = arith.constant 1.000000e-15 : f32
    %max3A_3 = vector.broadcast %max3A : f32 to vector<1000x1xf32>
    %max3A_4 = arith.maximumf %sqrt3A, %max3A_3 : vector<1000x1xf32>
    %tanh3A = math.tanh %max3A_4 : vector<1000x1xf32>
    %mul3A_5 = vector.broadcast %tanh3A : vector<1000x1xf32> to vector<1000x128xf32>
    %mul3A_6 = arith.mulf %mul3A_5, %get3A_1 : vector<1000x128xf32>
    %div3A = vector.broadcast %max3A_4 : vector<1000x1xf32> to vector<1000x128xf32>
    %div3A_7 = arith.divf %mul3A_6, %div3A : vector<1000x128xf32>
    %mul3A_8 = arith.mulf %div3A_7, %div3A_7 : vector<1000x128xf32>
    %reduce_sum3A_9 = arith.constant dense<0.000000e+00> : vector<1000xf32>
    %reduce_sum3A_10 = vector.multi_reduction <add>, %mul3A_8, %reduce_sum3A_9 [1] : vector<1000x128xf32> to vector<1000xf32>
    %broadcast_in_dim3A_11 = vector.shape_cast %reduce_sum3A_10 : vector<1000xf32> to vector<1000x1xf32>
    %sqrt3A_12 = math.sqrt %broadcast_in_dim3A_11 : vector<1000x1xf32>
    %max3A_13 = arith.constant 1.000000e-15 : f32
    %max3A_14 = vector.broadcast %max3A_13 : f32 to vector<1000x1xf32>
    %max3A_15 = arith.maximumf %sqrt3A_12, %max3A_14 : vector<1000x1xf32>
    %gt3A = arith.constant 0.999989986 : f32
    %gt3A_16 = vector.broadcast %gt3A : f32 to vector<1000x1xf32>
    %gt3A_17 = arith.cmpf ogt, %max3A_15, %gt3A_16 : vector<1000x1xf32>
    %div3A_18 = vector.broadcast %max3A_15 : vector<1000x1xf32> to vector<1000x128xf32>
    %div3A_19 = arith.divf %div3A_7, %div3A_18 : vector<1000x128xf32>
    %mul3A_20 = arith.constant 0.999989986 : f32
    %mul3A_21 = vector.broadcast %mul3A_20 : f32 to vector<1000x128xf32>
    %mul3A_22 = arith.mulf %div3A_19, %mul3A_21 : vector<1000x128xf32>
    %broadcast_in_dim3A_23 = vector.shape_cast %gt3A_17 : vector<1000x1xi1> to vector<1000x1xi1>
    %broadcast_in_dim3A_24 = vector.broadcast %broadcast_in_dim3A_23 : vector<1000x1xi1> to vector<1000x128xi1>
    %select_n3A = arith.select %broadcast_in_dim3A_24, %mul3A_22, %div3A_7 : vector<1000x128xi1>, vector<1000x128xf32>
    %mul3A_25 = arith.mulf %select_n3A, %select_n3A : vector<1000x128xf32>
    %reduce_sum3A_26 = arith.constant dense<0.000000e+00> : vector<1000xf32>
    %reduce_sum3A_27 = vector.multi_reduction <add>, %mul3A_25, %reduce_sum3A_26 [1] : vector<1000x128xf32> to vector<1000xf32>
    %broadcast_in_dim3A_28 = vector.shape_cast %reduce_sum3A_27 : vector<1000xf32> to vector<1000x1xf32>
    %sqrt3A_29 = math.sqrt %broadcast_in_dim3A_28 : vector<1000x1xf32>
    %max3A_30 = arith.constant 1.000000e-15 : f32
    %max3A_31 = vector.broadcast %max3A_30 : f32 to vector<1000x1xf32>
    %max3A_32 = arith.maximumf %sqrt3A_29, %max3A_31 : vector<1000x1xf32>
    %gt3A_33 = arith.constant 0.999989986 : f32
    %gt3A_34 = vector.broadcast %gt3A_33 : f32 to vector<1000x1xf32>
    %gt3A_35 = arith.cmpf ogt, %max3A_32, %gt3A_34 : vector<1000x1xf32>
    %div3A_36 = vector.broadcast %max3A_32 : vector<1000x1xf32> to vector<1000x128xf32>
    %div3A_37 = arith.divf %select_n3A, %div3A_36 : vector<1000x128xf32>
    %mul3A_38 = arith.constant 0.999989986 : f32
    %mul3A_39 = vector.broadcast %mul3A_38 : f32 to vector<1000x128xf32>
    %mul3A_40 = arith.mulf %div3A_37, %mul3A_39 : vector<1000x128xf32>
    %broadcast_in_dim3A_41 = vector.shape_cast %gt3A_35 : vector<1000x1xi1> to vector<1000x1xi1>
    %broadcast_in_dim3A_42 = vector.broadcast %broadcast_in_dim3A_41 : vector<1000x1xi1> to vector<1000x128xi1>
    %select_n3A_43 = arith.select %broadcast_in_dim3A_42, %mul3A_40, %select_n3A : vector<1000x128xi1>, vector<1000x128xf32>
    %get3A_44 = arith.constant 0 : index
    %get3A_45 = arith.constant 0 : index
    %get3A_46 = vector.load %arg2[%get3A_44, %get3A_45] : memref<64x128xf32, #tpu.memory_space<vmem>>, vector<64x128xf32>
    %get3A_47 = arith.constant 0 : index
    %get3A_48 = arith.constant 0 : index
    %get3A_49 = vector.load %arg3[%get3A_47, %get3A_48] : memref<1x64xf32, #tpu.memory_space<vmem>>, vector<1x64xf32>
    %mul3A_50 = arith.mulf %select_n3A_43, %select_n3A_43 : vector<1000x128xf32>
    %reduce_sum3A_51 = arith.constant dense<0.000000e+00> : vector<1000xf32>
    %reduce_sum3A_52 = vector.multi_reduction <add>, %mul3A_50, %reduce_sum3A_51 [1] : vector<1000x128xf32> to vector<1000xf32>
    %broadcast_in_dim3A_53 = vector.shape_cast %reduce_sum3A_52 : vector<1000xf32> to vector<1000x1xf32>
    %sqrt3A_54 = math.sqrt %broadcast_in_dim3A_53 : vector<1000x1xf32>
    %max3A_55 = arith.constant 1.000000e-15 : f32
    %max3A_56 = vector.broadcast %max3A_55 : f32 to vector<1000x1xf32>
    %max3A_57 = arith.maximumf %sqrt3A_54, %max3A_56 : vector<1000x1xf32>
    %dot_general3A = arith.constant dense<0.000000e+00> : vector<1000x64xf32>
    %dot_general3A_58 = tpu.matmul %select_n3A_43, %get3A_46, %dot_general3A {dimension_numbers = #tpu.dot_dimension_numbers<[1], [1], [0], [0], [0, 0, 1, 0], [], []>, precision = #tpu.contract_precision<fp32>, transpose_lhs_hint = false} : vector<1000x128xf32>, vector<64x128xf32>, vector<1000x64xf32> -> vector<1000x64xf32>
    %mul3A_59 = arith.mulf %dot_general3A_58, %dot_general3A_58 : vector<1000x64xf32>
    %reduce_sum3A_60 = arith.constant dense<0.000000e+00> : vector<1000xf32>
    %reduce_sum3A_61 = vector.multi_reduction <add>, %mul3A_59, %reduce_sum3A_60 [1] : vector<1000x64xf32> to vector<1000xf32>
    %broadcast_in_dim3A_62 = vector.shape_cast %reduce_sum3A_61 : vector<1000xf32> to vector<1000x1xf32>
    %sqrt3A_63 = math.sqrt %broadcast_in_dim3A_62 : vector<1000x1xf32>
    %max3A_64 = arith.constant 1.000000e-15 : f32
    %max3A_65 = vector.broadcast %max3A_64 : f32 to vector<1000x1xf32>
    %max3A_66 = arith.maximumf %sqrt3A_63, %max3A_65 : vector<1000x1xf32>
    %div3A_67 = arith.divf %max3A_66, %max3A_57 : vector<1000x1xf32>
    %jit3A = arith.constant -0.99999988 : f32
    %jit3A_68 = arith.constant 0.99999988 : f32
    %max3A_69 = vector.broadcast %jit3A : f32 to vector<1000x1xf32>
    %max3A_70 = arith.maximumf %max3A_69, %max3A_57 : vector<1000x1xf32>
    %min3A = vector.broadcast %jit3A_68 : f32 to vector<1000x1xf32>
    %min3A_71 = arith.minimumf %min3A, %max3A_70 : vector<1000x1xf32>
    %add3A = arith.constant 1.000000e+00 : f32
    %add3A_72 = vector.broadcast %add3A : f32 to vector<1000x1xf32>
    %add3A_73 = arith.addf %add3A_72, %min3A_71 : vector<1000x1xf32>
    %sub3A = arith.constant 1.000000e+00 : f32
    %sub3A_74 = vector.broadcast %sub3A : f32 to vector<1000x1xf32>
    %sub3A_75 = arith.subf %sub3A_74, %min3A_71 : vector<1000x1xf32>
    %div3A_76 = arith.divf %add3A_73, %sub3A_75 : vector<1000x1xf32>
    %log3A = math.log %div3A_76 : vector<1000x1xf32>
    %mul3A_77 = arith.constant 5.000000e-01 : f32
    %mul3A_78 = vector.broadcast %mul3A_77 : f32 to vector<1000x1xf32>
    %mul3A_79 = arith.mulf %mul3A_78, %log3A : vector<1000x1xf32>
    %mul3A_80 = arith.mulf %div3A_67, %mul3A_79 : vector<1000x1xf32>
    %tanh3A_81 = math.tanh %mul3A_80 : vector<1000x1xf32>
    %mul3A_82 = vector.broadcast %tanh3A_81 : vector<1000x1xf32> to vector<1000x64xf32>
    %mul3A_83 = arith.mulf %mul3A_82, %dot_general3A_58 : vector<1000x64xf32>
    %div3A_84 = vector.broadcast %max3A_66 : vector<1000x1xf32> to vector<1000x64xf32>
    %div3A_85 = arith.divf %mul3A_83, %div3A_84 : vector<1000x64xf32>
    %mul3A_86 = arith.mulf %div3A_85, %div3A_85 : vector<1000x64xf32>
    %reduce_sum3A_87 = arith.constant dense<0.000000e+00> : vector<1000xf32>
    %reduce_sum3A_88 = vector.multi_reduction <add>, %mul3A_86, %reduce_sum3A_87 [1] : vector<1000x64xf32> to vector<1000xf32>
    %broadcast_in_dim3A_89 = vector.shape_cast %reduce_sum3A_88 : vector<1000xf32> to vector<1000x1xf32>
    %sqrt3A_90 = math.sqrt %broadcast_in_dim3A_89 : vector<1000x1xf32>
    %max3A_91 = arith.constant 1.000000e-15 : f32
    %max3A_92 = vector.broadcast %max3A_91 : f32 to vector<1000x1xf32>
    %max3A_93 = arith.maximumf %sqrt3A_90, %max3A_92 : vector<1000x1xf32>
    %gt3A_94 = arith.constant 0.999989986 : f32
    %gt3A_95 = vector.broadcast %gt3A_94 : f32 to vector<1000x1xf32>
    %gt3A_96 = arith.cmpf ogt, %max3A_93, %gt3A_95 : vector<1000x1xf32>
    %div3A_97 = vector.broadcast %max3A_93 : vector<1000x1xf32> to vector<1000x64xf32>
    %div3A_98 = arith.divf %div3A_85, %div3A_97 : vector<1000x64xf32>
    %mul3A_99 = arith.constant 0.999989986 : f32
    %mul3A_100 = vector.broadcast %mul3A_99 : f32 to vector<1000x64xf32>
    %mul3A_101 = arith.mulf %div3A_98, %mul3A_100 : vector<1000x64xf32>
    %broadcast_in_dim3A_102 = vector.shape_cast %gt3A_96 : vector<1000x1xi1> to vector<1000x1xi1>
    %broadcast_in_dim3A_103 = vector.broadcast %broadcast_in_dim3A_102 : vector<1000x1xi1> to vector<1000x64xi1>
    %select_n3A_104 = arith.select %broadcast_in_dim3A_103, %mul3A_101, %div3A_85 : vector<1000x64xi1>, vector<1000x64xf32>
    %mul3A_105 = arith.mulf %get3A_49, %get3A_49 : vector<1x64xf32>
    %reduce_sum3A_106 = arith.constant dense<0.000000e+00> : vector<1xf32>
    %reduce_sum3A_107 = vector.multi_reduction <add>, %mul3A_105, %reduce_sum3A_106 [1] : vector<1x64xf32> to vector<1xf32>
    %broadcast_in_dim3A_108 = vector.shape_cast %reduce_sum3A_107 : vector<1xf32> to vector<1x1xf32>
    %sqrt3A_109 = math.sqrt %broadcast_in_dim3A_108 : vector<1x1xf32>
    %max3A_110 = arith.constant 1.000000e-15 : f32
    %max3A_111 = vector.broadcast %max3A_110 : f32 to vector<1x1xf32>
    %max3A_112 = arith.maximumf %sqrt3A_109, %max3A_111 : vector<1x1xf32>
    %tanh3A_113 = math.tanh %max3A_112 : vector<1x1xf32>
    %mul3A_114 = vector.broadcast %tanh3A_113 : vector<1x1xf32> to vector<1x64xf32>
    %mul3A_115 = arith.mulf %mul3A_114, %get3A_49 : vector<1x64xf32>
    %div3A_116 = vector.broadcast %max3A_112 : vector<1x1xf32> to vector<1x64xf32>
    %div3A_117 = arith.divf %mul3A_115, %div3A_116 : vector<1x64xf32>
    %mul3A_118 = arith.mulf %div3A_117, %div3A_117 : vector<1x64xf32>
    %reduce_sum3A_119 = arith.constant dense<0.000000e+00> : vector<1xf32>
    %reduce_sum3A_120 = vector.multi_reduction <add>, %mul3A_118, %reduce_sum3A_119 [1] : vector<1x64xf32> to vector<1xf32>
    %broadcast_in_dim3A_121 = vector.shape_cast %reduce_sum3A_120 : vector<1xf32> to vector<1x1xf32>
    %sqrt3A_122 = math.sqrt %broadcast_in_dim3A_121 : vector<1x1xf32>
    %max3A_123 = arith.constant 1.000000e-15 : f32
    %max3A_124 = vector.broadcast %max3A_123 : f32 to vector<1x1xf32>
    %max3A_125 = arith.maximumf %sqrt3A_122, %max3A_124 : vector<1x1xf32>
    %gt3A_126 = arith.constant 0.999989986 : f32
    %gt3A_127 = vector.broadcast %gt3A_126 : f32 to vector<1x1xf32>
    %gt3A_128 = arith.cmpf ogt, %max3A_125, %gt3A_127 : vector<1x1xf32>
    %div3A_129 = vector.broadcast %max3A_125 : vector<1x1xf32> to vector<1x64xf32>
    %div3A_130 = arith.divf %div3A_117, %div3A_129 : vector<1x64xf32>
    %mul3A_131 = arith.constant 0.999989986 : f32
    %mul3A_132 = vector.broadcast %mul3A_131 : f32 to vector<1x64xf32>
    %mul3A_133 = arith.mulf %div3A_130, %mul3A_132 : vector<1x64xf32>
    %broadcast_in_dim3A_134 = vector.shape_cast %gt3A_128 : vector<1x1xi1> to vector<1x1xi1>
    %broadcast_in_dim3A_135 = vector.broadcast %broadcast_in_dim3A_134 : vector<1x1xi1> to vector<1x64xi1>
    %select_n3A_136 = arith.select %broadcast_in_dim3A_135, %mul3A_133, %div3A_117 : vector<1x64xi1>, vector<1x64xf32>
    %mul3A_137 = arith.mulf %select_n3A_136, %select_n3A_136 : vector<1x64xf32>
    %reduce_sum3A_138 = arith.constant dense<0.000000e+00> : vector<1xf32>
    %reduce_sum3A_139 = vector.multi_reduction <add>, %mul3A_137, %reduce_sum3A_138 [1] : vector<1x64xf32> to vector<1xf32>
    %broadcast_in_dim3A_140 = vector.shape_cast %reduce_sum3A_139 : vector<1xf32> to vector<1x1xf32>
    %sqrt3A_141 = math.sqrt %broadcast_in_dim3A_140 : vector<1x1xf32>
    %max3A_142 = arith.constant 1.000000e-15 : f32
    %max3A_143 = vector.broadcast %max3A_142 : f32 to vector<1x1xf32>
    %max3A_144 = arith.maximumf %sqrt3A_141, %max3A_143 : vector<1x1xf32>
    %gt3A_145 = arith.constant 0.999989986 : f32
    %gt3A_146 = vector.broadcast %gt3A_145 : f32 to vector<1x1xf32>
    %gt3A_147 = arith.cmpf ogt, %max3A_144, %gt3A_146 : vector<1x1xf32>
    %div3A_148 = vector.broadcast %max3A_144 : vector<1x1xf32> to vector<1x64xf32>
    %div3A_149 = arith.divf %select_n3A_136, %div3A_148 : vector<1x64xf32>
    %mul3A_150 = arith.constant 0.999989986 : f32
    %mul3A_151 = vector.broadcast %mul3A_150 : f32 to vector<1x64xf32>
    %mul3A_152 = arith.mulf %div3A_149, %mul3A_151 : vector<1x64xf32>
    %broadcast_in_dim3A_153 = vector.shape_cast %gt3A_147 : vector<1x1xi1> to vector<1x1xi1>
    %broadcast_in_dim3A_154 = vector.broadcast %broadcast_in_dim3A_153 : vector<1x1xi1> to vector<1x64xi1>
    %select_n3A_155 = arith.select %broadcast_in_dim3A_154, %mul3A_152, %select_n3A_136 : vector<1x64xi1>, vector<1x64xf32>
    %mul3A_156 = arith.mulf %select_n3A_104, %select_n3A_104 : vector<1000x64xf32>
    %reduce_sum3A_157 = arith.constant dense<0.000000e+00> : vector<1000xf32>
    %reduce_sum3A_158 = vector.multi_reduction <add>, %mul3A_156, %reduce_sum3A_157 [1] : vector<1000x64xf32> to vector<1000xf32>
    %broadcast_in_dim3A_159 = vector.shape_cast %reduce_sum3A_158 : vector<1000xf32> to vector<1000x1xf32>
    %mul3A_160 = arith.mulf %select_n3A_155, %select_n3A_155 : vector<1x64xf32>
    %reduce_sum3A_161 = arith.constant dense<0.000000e+00> : vector<1xf32>
    %reduce_sum3A_162 = vector.multi_reduction <add>, %mul3A_160, %reduce_sum3A_161 [1] : vector<1x64xf32> to vector<1xf32>
    %broadcast_in_dim3A_163 = vector.shape_cast %reduce_sum3A_162 : vector<1xf32> to vector<1x1xf32>
    %mul3A_164 = vector.broadcast %select_n3A_155 : vector<1x64xf32> to vector<1000x64xf32>
    %mul3A_165 = arith.mulf %select_n3A_104, %mul3A_164 : vector<1000x64xf32>
    %reduce_sum3A_166 = arith.constant dense<0.000000e+00> : vector<1000xf32>
    %reduce_sum3A_167 = vector.multi_reduction <add>, %mul3A_165, %reduce_sum3A_166 [1] : vector<1000x64xf32> to vector<1000xf32>
    %broadcast_in_dim3A_168 = vector.shape_cast %reduce_sum3A_167 : vector<1000xf32> to vector<1000x1xf32>
    %mul3A_169 = arith.constant 2.000000e+00 : f32
    %mul3A_170 = vector.broadcast %mul3A_169 : f32 to vector<1000x1xf32>
    %mul3A_171 = arith.mulf %mul3A_170, %broadcast_in_dim3A_168 : vector<1000x1xf32>
    %add3A_172 = arith.constant 1.000000e+00 : f32
    %add3A_173 = vector.broadcast %add3A_172 : f32 to vector<1000x1xf32>
    %add3A_174 = arith.addf %add3A_173, %mul3A_171 : vector<1000x1xf32>
    %add3A_175 = vector.broadcast %broadcast_in_dim3A_163 : vector<1x1xf32> to vector<1000x1xf32>
    %add3A_176 = arith.addf %add3A_174, %add3A_175 : vector<1000x1xf32>
    %mul3A_177 = vector.broadcast %add3A_176 : vector<1000x1xf32> to vector<1000x64xf32>
    %mul3A_178 = arith.mulf %mul3A_177, %select_n3A_104 : vector<1000x64xf32>
    %sub3A_179 = arith.constant 1.000000e+00 : f32
    %sub3A_180 = vector.broadcast %sub3A_179 : f32 to vector<1000x1xf32>
    %sub3A_181 = arith.subf %sub3A_180, %broadcast_in_dim3A_159 : vector<1000x1xf32>
    %mul3A_182 = vector.broadcast %sub3A_181 : vector<1000x1xf32> to vector<1000x64xf32>
    %mul3A_183 = vector.broadcast %select_n3A_155 : vector<1x64xf32> to vector<1000x64xf32>
    %mul3A_184 = arith.mulf %mul3A_182, %mul3A_183 : vector<1000x64xf32>
    %add3A_185 = arith.addf %mul3A_178, %mul3A_184 : vector<1000x64xf32>
    %mul3A_186 = arith.constant 2.000000e+00 : f32
    %mul3A_187 = vector.broadcast %mul3A_186 : f32 to vector<1000x1xf32>
    %mul3A_188 = arith.mulf %mul3A_187, %broadcast_in_dim3A_168 : vector<1000x1xf32>
    %add3A_189 = arith.constant 1.000000e+00 : f32
    %add3A_190 = vector.broadcast %add3A_189 : f32 to vector<1000x1xf32>
    %add3A_191 = arith.addf %add3A_190, %mul3A_188 : vector<1000x1xf32>
    %mul3A_192 = vector.broadcast %broadcast_in_dim3A_163 : vector<1x1xf32> to vector<1000x1xf32>
    %mul3A_193 = arith.mulf %broadcast_in_dim3A_159, %mul3A_192 : vector<1000x1xf32>
    %add3A_194 = arith.addf %add3A_191, %mul3A_193 : vector<1000x1xf32>
    %max3A_195 = arith.constant 1.000000e-15 : f32
    %max3A_196 = vector.broadcast %max3A_195 : f32 to vector<1000x1xf32>
    %max3A_197 = arith.maximumf %add3A_194, %max3A_196 : vector<1000x1xf32>
    %div3A_198 = vector.broadcast %max3A_197 : vector<1000x1xf32> to vector<1000x64xf32>
    %div3A_199 = arith.divf %add3A_185, %div3A_198 : vector<1000x64xf32>
    %mul3A_200 = arith.mulf %div3A_199, %div3A_199 : vector<1000x64xf32>
    %reduce_sum3A_201 = arith.constant dense<0.000000e+00> : vector<1000xf32>
    %reduce_sum3A_202 = vector.multi_reduction <add>, %mul3A_200, %reduce_sum3A_201 [1] : vector<1000x64xf32> to vector<1000xf32>
    %broadcast_in_dim3A_203 = vector.shape_cast %reduce_sum3A_202 : vector<1000xf32> to vector<1000x1xf32>
    %sqrt3A_204 = math.sqrt %broadcast_in_dim3A_203 : vector<1000x1xf32>
    %max3A_205 = arith.constant 1.000000e-15 : f32
    %max3A_206 = vector.broadcast %max3A_205 : f32 to vector<1000x1xf32>
    %max3A_207 = arith.maximumf %sqrt3A_204, %max3A_206 : vector<1000x1xf32>
    %gt3A_208 = arith.constant 0.999989986 : f32
    %gt3A_209 = vector.broadcast %gt3A_208 : f32 to vector<1000x1xf32>
    %gt3A_210 = arith.cmpf ogt, %max3A_207, %gt3A_209 : vector<1000x1xf32>
    %div3A_211 = vector.broadcast %max3A_207 : vector<1000x1xf32> to vector<1000x64xf32>
    %div3A_212 = arith.divf %div3A_199, %div3A_211 : vector<1000x64xf32>
    %mul3A_213 = arith.constant 0.999989986 : f32
    %mul3A_214 = vector.broadcast %mul3A_213 : f32 to vector<1000x64xf32>
    %mul3A_215 = arith.mulf %div3A_212, %mul3A_214 : vector<1000x64xf32>
    %broadcast_in_dim3A_216 = vector.shape_cast %gt3A_210 : vector<1000x1xi1> to vector<1000x1xi1>
    %broadcast_in_dim3A_217 = vector.broadcast %broadcast_in_dim3A_216 : vector<1000x1xi1> to vector<1000x64xi1>
    %select_n3A_218 = arith.select %broadcast_in_dim3A_217, %mul3A_215, %div3A_199 : vector<1000x64xi1>, vector<1000x64xf32>
    %mul3A_219 = arith.mulf %select_n3A_218, %select_n3A_218 : vector<1000x64xf32>
    %reduce_sum3A_220 = arith.constant dense<0.000000e+00> : vector<1000xf32>
    %reduce_sum3A_221 = vector.multi_reduction <add>, %mul3A_219, %reduce_sum3A_220 [1] : vector<1000x64xf32> to vector<1000xf32>
    %broadcast_in_dim3A_222 = vector.shape_cast %reduce_sum3A_221 : vector<1000xf32> to vector<1000x1xf32>
    %sqrt3A_223 = math.sqrt %broadcast_in_dim3A_222 : vector<1000x1xf32>
    %max3A_224 = arith.constant 1.000000e-15 : f32
    %max3A_225 = vector.broadcast %max3A_224 : f32 to vector<1000x1xf32>
    %max3A_226 = arith.maximumf %sqrt3A_223, %max3A_225 : vector<1000x1xf32>
    %jit3A_227 = arith.constant -0.99999988 : f32
    %jit3A_228 = arith.constant 0.99999988 : f32
    %max3A_229 = vector.broadcast %jit3A_227 : f32 to vector<1000x1xf32>
    %max3A_230 = arith.maximumf %max3A_229, %max3A_226 : vector<1000x1xf32>
    %min3A_231 = vector.broadcast %jit3A_228 : f32 to vector<1000x1xf32>
    %min3A_232 = arith.minimumf %min3A_231, %max3A_230 : vector<1000x1xf32>
    %add3A_233 = arith.constant 1.000000e+00 : f32
    %add3A_234 = vector.broadcast %add3A_233 : f32 to vector<1000x1xf32>
    %add3A_235 = arith.addf %add3A_234, %min3A_232 : vector<1000x1xf32>
    %sub3A_236 = arith.constant 1.000000e+00 : f32
    %sub3A_237 = vector.broadcast %sub3A_236 : f32 to vector<1000x1xf32>
    %sub3A_238 = arith.subf %sub3A_237, %min3A_232 : vector<1000x1xf32>
    %div3A_239 = arith.divf %add3A_235, %sub3A_238 : vector<1000x1xf32>
    %log3A_240 = math.log %div3A_239 : vector<1000x1xf32>
    %mul3A_241 = arith.constant 5.000000e-01 : f32
    %mul3A_242 = vector.broadcast %mul3A_241 : f32 to vector<1000x1xf32>
    %mul3A_243 = arith.mulf %mul3A_242, %log3A_240 : vector<1000x1xf32>
    %mul3A_244 = vector.broadcast %mul3A_243 : vector<1000x1xf32> to vector<1000x64xf32>
    %mul3A_245 = arith.mulf %mul3A_244, %select_n3A_218 : vector<1000x64xf32>
    %div3A_246 = vector.broadcast %max3A_226 : vector<1000x1xf32> to vector<1000x64xf32>
    %div3A_247 = arith.divf %mul3A_245, %div3A_246 : vector<1000x64xf32>
    %swap3A = arith.constant 0 : index
    %swap3A_248 = arith.constant 0 : index
    %swap3A_249 = vector.load %arg4[%swap3A, %swap3A_248] : memref<1000x64xf32, #tpu.memory_space<vmem>>, vector<1000x64xf32>
    tpu.vector_store %arg4[%swap3A, %swap3A_248], %div3A_247 {strides = array<i32>} : memref<1000x64xf32, #tpu.memory_space<vmem>>, vector<1000x64xf32>,
    return
  }
  func.func @transform_0(%arg0: i32) -> (i32, i32) {
    %c0_i32 = arith.constant 0 : i32
    %c0_i32_0 = arith.constant 0 : i32
    return %arg0, %c0_i32 : i32, i32
  }
  func.func @transform_1(%arg0: i32) -> (i32, i32) {
    %c0_i32 = arith.constant 0 : i32
    %c0_i32_0 = arith.constant 0 : i32
    %c0_i32_1 = arith.constant 0 : i32
    return %c0_i32, %c0_i32_0 : i32, i32
  }
  func.func @transform_2(%arg0: i32) -> (i32, i32) {
    %c0_i32 = arith.constant 0 : i32
    %c0_i32_0 = arith.constant 0 : i32
    %c0_i32_1 = arith.constant 0 : i32
    return %c0_i32, %c0_i32_0 : i32, i32
  }
  func.func @transform_3(%arg0: i32) -> (i32, i32) {
    %c0_i32 = arith.constant 0 : i32
    %c0_i32_0 = arith.constant 0 : i32
    return %arg0, %c0_i32 : i32, i32
  }
}

module attributes {stable_mosaic.version = 14 : i64} {
  func.func @_tc_mid_body(%arg0: i32, %arg1: memref<2x1000x64xf32, #tpu.memory_space<vmem>>, %arg2: memref<2x1000x16xf32, #tpu.memory_space<vmem>>, %arg3: memref<64x64xf32, #tpu.memory_space<vmem>>, %arg4: memref<1x64xf32, #tpu.memory_space<vmem>>, %arg5: memref<1000x64xf32, #tpu.memory_space<vmem>>) attributes {dimension_semantics = [#tpu.dimension_semantics<arbitrary>], iteration_bounds = array<i64: 10>, scalar_prefetch = 0 : i64, scratch_operands = 0 : i64, tpu.core_type = #tpu.core_type<tc>, window_params = [{transform_indices = @transform_0, window_bounds = array<i64: 2, 1000, 64>}, {transform_indices = @transform_1, window_bounds = array<i64: 2, 1000, 16>}, {pipeline_mode = #tpu.pipeline_mode<synchronous>, transform_indices = @transform_2, window_bounds = array<i64: 64, 64>}, {pipeline_mode = #tpu.pipeline_mode<synchronous>, transform_indices = @transform_3, window_bounds = array<i64: 1, 64>}, {transform_indices = @transform_4, window_bounds = array<i64: 1000, 64>}]} {
    %get3A = arith.constant 0 : index
    %get3A_0 = arith.constant 0 : index
    %get3A_1 = arith.constant 0 : index
    %get3A_2 = vector.load %arg1[%get3A, %get3A_0, %get3A_1] : memref<2x1000x64xf32, #tpu.memory_space<vmem>>, vector<2x1000x64xf32>
    %get3A_3 = arith.constant 0 : index
    %get3A_4 = arith.constant 0 : index
    %get3A_5 = arith.constant 0 : index
    %get3A_6 = vector.load %arg2[%get3A_3, %get3A_4, %get3A_5] : memref<2x1000x16xf32, #tpu.memory_space<vmem>>, vector<2x1000x16xf32>
    %slice3A = vector.extract_strided_slice %get3A_6 {offsets = [0, 0, 0], sizes = [1, 1000, 1], strides = [1, 1, 1]} : vector<2x1000x16xf32> to vector<1x1000x1xf32>
    %squeeze3A = vector.shape_cast %slice3A : vector<1x1000x1xf32> to vector<1000x1xf32>
    %slice3A_7 = vector.extract_strided_slice %get3A_6 {offsets = [1, 0, 0], sizes = [1, 1000, 1], strides = [1, 1, 1]} : vector<2x1000x16xf32> to vector<1x1000x1xf32>
    %squeeze3A_8 = vector.shape_cast %slice3A_7 : vector<1x1000x1xf32> to vector<1000x1xf32>
    %add3A = arith.addf %squeeze3A, %squeeze3A_8 : vector<1000x1xf32>
    %slice3A_9 = vector.extract_strided_slice %get3A_2 {offsets = [0, 0, 0], sizes = [1, 1000, 64], strides = [1, 1, 1]} : vector<2x1000x64xf32> to vector<1x1000x64xf32>
    %squeeze3A_10 = vector.shape_cast %slice3A_9 : vector<1x1000x64xf32> to vector<1000x64xf32>
    %slice3A_11 = vector.extract_strided_slice %get3A_2 {offsets = [1, 0, 0], sizes = [1, 1000, 64], strides = [1, 1, 1]} : vector<2x1000x64xf32> to vector<1x1000x64xf32>
    %squeeze3A_12 = vector.shape_cast %slice3A_11 : vector<1x1000x64xf32> to vector<1000x64xf32>
    %add3A_13 = arith.addf %squeeze3A_10, %squeeze3A_12 : vector<1000x64xf32>
    %max3A = arith.constant 1.000000e+00 : f32
    %max3A_14 = vector.broadcast %max3A : f32 to vector<1000x1xf32>
    %max3A_15 = arith.maximumf %add3A, %max3A_14 : vector<1000x1xf32>
    %div3A = vector.broadcast %max3A_15 : vector<1000x1xf32> to vector<1000x64xf32>
    %div3A_16 = arith.divf %add3A_13, %div3A : vector<1000x64xf32>
    %mul3A = arith.mulf %div3A_16, %div3A_16 : vector<1000x64xf32>
    %reduce_sum3A = arith.constant dense<0.000000e+00> : vector<1000xf32>
    %reduce_sum3A_17 = vector.multi_reduction <add>, %mul3A, %reduce_sum3A [1] : vector<1000x64xf32> to vector<1000xf32>
    %broadcast_in_dim3A = vector.shape_cast %reduce_sum3A_17 : vector<1000xf32> to vector<1000x1xf32>
    %sqrt3A = math.sqrt %broadcast_in_dim3A : vector<1000x1xf32>
    %max3A_18 = arith.constant 1.000000e-15 : f32
    %max3A_19 = vector.broadcast %max3A_18 : f32 to vector<1000x1xf32>
    %max3A_20 = arith.maximumf %sqrt3A, %max3A_19 : vector<1000x1xf32>
    %tanh3A = math.tanh %max3A_20 : vector<1000x1xf32>
    %mul3A_21 = vector.broadcast %tanh3A : vector<1000x1xf32> to vector<1000x64xf32>
    %mul3A_22 = arith.mulf %mul3A_21, %div3A_16 : vector<1000x64xf32>
    %div3A_23 = vector.broadcast %max3A_20 : vector<1000x1xf32> to vector<1000x64xf32>
    %div3A_24 = arith.divf %mul3A_22, %div3A_23 : vector<1000x64xf32>
    %mul3A_25 = arith.mulf %div3A_24, %div3A_24 : vector<1000x64xf32>
    %reduce_sum3A_26 = arith.constant dense<0.000000e+00> : vector<1000xf32>
    %reduce_sum3A_27 = vector.multi_reduction <add>, %mul3A_25, %reduce_sum3A_26 [1] : vector<1000x64xf32> to vector<1000xf32>
    %broadcast_in_dim3A_28 = vector.shape_cast %reduce_sum3A_27 : vector<1000xf32> to vector<1000x1xf32>
    %sqrt3A_29 = math.sqrt %broadcast_in_dim3A_28 : vector<1000x1xf32>
    %max3A_30 = arith.constant 1.000000e-15 : f32
    %max3A_31 = vector.broadcast %max3A_30 : f32 to vector<1000x1xf32>
    %max3A_32 = arith.maximumf %sqrt3A_29, %max3A_31 : vector<1000x1xf32>
    %gt3A = arith.constant 0.999989986 : f32
    %gt3A_33 = vector.broadcast %gt3A : f32 to vector<1000x1xf32>
    %gt3A_34 = arith.cmpf ogt, %max3A_32, %gt3A_33 : vector<1000x1xf32>
    %div3A_35 = vector.broadcast %max3A_32 : vector<1000x1xf32> to vector<1000x64xf32>
    %div3A_36 = arith.divf %div3A_24, %div3A_35 : vector<1000x64xf32>
    %mul3A_37 = arith.constant 0.999989986 : f32
    %mul3A_38 = vector.broadcast %mul3A_37 : f32 to vector<1000x64xf32>
    %mul3A_39 = arith.mulf %div3A_36, %mul3A_38 : vector<1000x64xf32>
    %broadcast_in_dim3A_40 = vector.shape_cast %gt3A_34 : vector<1000x1xi1> to vector<1000x1xi1>
    %broadcast_in_dim3A_41 = vector.broadcast %broadcast_in_dim3A_40 : vector<1000x1xi1> to vector<1000x64xi1>
    %select_n3A = arith.select %broadcast_in_dim3A_41, %mul3A_39, %div3A_24 : vector<1000x64xi1>, vector<1000x64xf32>
    %mul3A_42 = arith.mulf %select_n3A, %select_n3A : vector<1000x64xf32>
    %reduce_sum3A_43 = arith.constant dense<0.000000e+00> : vector<1000xf32>
    %reduce_sum3A_44 = vector.multi_reduction <add>, %mul3A_42, %reduce_sum3A_43 [1] : vector<1000x64xf32> to vector<1000xf32>
    %broadcast_in_dim3A_45 = vector.shape_cast %reduce_sum3A_44 : vector<1000xf32> to vector<1000x1xf32>
    %sqrt3A_46 = math.sqrt %broadcast_in_dim3A_45 : vector<1000x1xf32>
    %max3A_47 = arith.constant 1.000000e-15 : f32
    %max3A_48 = vector.broadcast %max3A_47 : f32 to vector<1000x1xf32>
    %max3A_49 = arith.maximumf %sqrt3A_46, %max3A_48 : vector<1000x1xf32>
    %gt3A_50 = arith.constant 0.999989986 : f32
    %gt3A_51 = vector.broadcast %gt3A_50 : f32 to vector<1000x1xf32>
    %gt3A_52 = arith.cmpf ogt, %max3A_49, %gt3A_51 : vector<1000x1xf32>
    %div3A_53 = vector.broadcast %max3A_49 : vector<1000x1xf32> to vector<1000x64xf32>
    %div3A_54 = arith.divf %select_n3A, %div3A_53 : vector<1000x64xf32>
    %mul3A_55 = arith.constant 0.999989986 : f32
    %mul3A_56 = vector.broadcast %mul3A_55 : f32 to vector<1000x64xf32>
    %mul3A_57 = arith.mulf %div3A_54, %mul3A_56 : vector<1000x64xf32>
    %broadcast_in_dim3A_58 = vector.shape_cast %gt3A_52 : vector<1000x1xi1> to vector<1000x1xi1>
    %broadcast_in_dim3A_59 = vector.broadcast %broadcast_in_dim3A_58 : vector<1000x1xi1> to vector<1000x64xi1>
    %select_n3A_60 = arith.select %broadcast_in_dim3A_59, %mul3A_57, %select_n3A : vector<1000x64xi1>, vector<1000x64xf32>
    %mul3A_61 = arith.mulf %select_n3A_60, %select_n3A_60 : vector<1000x64xf32>
    %reduce_sum3A_62 = arith.constant dense<0.000000e+00> : vector<1000xf32>
    %reduce_sum3A_63 = vector.multi_reduction <add>, %mul3A_61, %reduce_sum3A_62 [1] : vector<1000x64xf32> to vector<1000xf32>
    %broadcast_in_dim3A_64 = vector.shape_cast %reduce_sum3A_63 : vector<1000xf32> to vector<1000x1xf32>
    %sqrt3A_65 = math.sqrt %broadcast_in_dim3A_64 : vector<1000x1xf32>
    %max3A_66 = arith.constant 1.000000e-15 : f32
    %max3A_67 = vector.broadcast %max3A_66 : f32 to vector<1000x1xf32>
    %max3A_68 = arith.maximumf %sqrt3A_65, %max3A_67 : vector<1000x1xf32>
    %jit3A = arith.constant -0.99999988 : f32
    %jit3A_69 = arith.constant 0.99999988 : f32
    %max3A_70 = vector.broadcast %jit3A : f32 to vector<1000x1xf32>
    %max3A_71 = arith.maximumf %max3A_70, %max3A_68 : vector<1000x1xf32>
    %min3A = vector.broadcast %jit3A_69 : f32 to vector<1000x1xf32>
    %min3A_72 = arith.minimumf %min3A, %max3A_71 : vector<1000x1xf32>
    %add3A_73 = arith.constant 1.000000e+00 : f32
    %add3A_74 = vector.broadcast %add3A_73 : f32 to vector<1000x1xf32>
    %add3A_75 = arith.addf %add3A_74, %min3A_72 : vector<1000x1xf32>
    %sub3A = arith.constant 1.000000e+00 : f32
    %sub3A_76 = vector.broadcast %sub3A : f32 to vector<1000x1xf32>
    %sub3A_77 = arith.subf %sub3A_76, %min3A_72 : vector<1000x1xf32>
    %div3A_78 = arith.divf %add3A_75, %sub3A_77 : vector<1000x1xf32>
    %log3A = math.log %div3A_78 : vector<1000x1xf32>
    %mul3A_79 = arith.constant 5.000000e-01 : f32
    %mul3A_80 = vector.broadcast %mul3A_79 : f32 to vector<1000x1xf32>
    %mul3A_81 = arith.mulf %mul3A_80, %log3A : vector<1000x1xf32>
    %mul3A_82 = vector.broadcast %mul3A_81 : vector<1000x1xf32> to vector<1000x64xf32>
    %mul3A_83 = arith.mulf %mul3A_82, %select_n3A_60 : vector<1000x64xf32>
    %div3A_84 = vector.broadcast %max3A_68 : vector<1000x1xf32> to vector<1000x64xf32>
    %div3A_85 = arith.divf %mul3A_83, %div3A_84 : vector<1000x64xf32>
    %max3A_86 = arith.constant 0.000000e+00 : f32
    %max3A_87 = vector.broadcast %max3A_86 : f32 to vector<1000x64xf32>
    %max3A_88 = arith.maximumf %div3A_85, %max3A_87 : vector<1000x64xf32>
    %mul3A_89 = arith.mulf %max3A_88, %max3A_88 : vector<1000x64xf32>
    %reduce_sum3A_90 = arith.constant dense<0.000000e+00> : vector<1000xf32>
    %reduce_sum3A_91 = vector.multi_reduction <add>, %mul3A_89, %reduce_sum3A_90 [1] : vector<1000x64xf32> to vector<1000xf32>
    %broadcast_in_dim3A_92 = vector.shape_cast %reduce_sum3A_91 : vector<1000xf32> to vector<1000x1xf32>
    %sqrt3A_93 = math.sqrt %broadcast_in_dim3A_92 : vector<1000x1xf32>
    %max3A_94 = arith.constant 1.000000e-15 : f32
    %max3A_95 = vector.broadcast %max3A_94 : f32 to vector<1000x1xf32>
    %max3A_96 = arith.maximumf %sqrt3A_93, %max3A_95 : vector<1000x1xf32>
    %tanh3A_97 = math.tanh %max3A_96 : vector<1000x1xf32>
    %mul3A_98 = vector.broadcast %tanh3A_97 : vector<1000x1xf32> to vector<1000x64xf32>
    %mul3A_99 = arith.mulf %mul3A_98, %max3A_88 : vector<1000x64xf32>
    %div3A_100 = vector.broadcast %max3A_96 : vector<1000x1xf32> to vector<1000x64xf32>
    %div3A_101 = arith.divf %mul3A_99, %div3A_100 : vector<1000x64xf32>
    %mul3A_102 = arith.mulf %div3A_101, %div3A_101 : vector<1000x64xf32>
    %reduce_sum3A_103 = arith.constant dense<0.000000e+00> : vector<1000xf32>
    %reduce_sum3A_104 = vector.multi_reduction <add>, %mul3A_102, %reduce_sum3A_103 [1] : vector<1000x64xf32> to vector<1000xf32>
    %broadcast_in_dim3A_105 = vector.shape_cast %reduce_sum3A_104 : vector<1000xf32> to vector<1000x1xf32>
    %sqrt3A_106 = math.sqrt %broadcast_in_dim3A_105 : vector<1000x1xf32>
    %max3A_107 = arith.constant 1.000000e-15 : f32
    %max3A_108 = vector.broadcast %max3A_107 : f32 to vector<1000x1xf32>
    %max3A_109 = arith.maximumf %sqrt3A_106, %max3A_108 : vector<1000x1xf32>
    %gt3A_110 = arith.constant 0.999989986 : f32
    %gt3A_111 = vector.broadcast %gt3A_110 : f32 to vector<1000x1xf32>
    %gt3A_112 = arith.cmpf ogt, %max3A_109, %gt3A_111 : vector<1000x1xf32>
    %div3A_113 = vector.broadcast %max3A_109 : vector<1000x1xf32> to vector<1000x64xf32>
    %div3A_114 = arith.divf %div3A_101, %div3A_113 : vector<1000x64xf32>
    %mul3A_115 = arith.constant 0.999989986 : f32
    %mul3A_116 = vector.broadcast %mul3A_115 : f32 to vector<1000x64xf32>
    %mul3A_117 = arith.mulf %div3A_114, %mul3A_116 : vector<1000x64xf32>
    %broadcast_in_dim3A_118 = vector.shape_cast %gt3A_112 : vector<1000x1xi1> to vector<1000x1xi1>
    %broadcast_in_dim3A_119 = vector.broadcast %broadcast_in_dim3A_118 : vector<1000x1xi1> to vector<1000x64xi1>
    %select_n3A_120 = arith.select %broadcast_in_dim3A_119, %mul3A_117, %div3A_101 : vector<1000x64xi1>, vector<1000x64xf32>
    %mul3A_121 = arith.mulf %select_n3A_120, %select_n3A_120 : vector<1000x64xf32>
    %reduce_sum3A_122 = arith.constant dense<0.000000e+00> : vector<1000xf32>
    %reduce_sum3A_123 = vector.multi_reduction <add>, %mul3A_121, %reduce_sum3A_122 [1] : vector<1000x64xf32> to vector<1000xf32>
    %broadcast_in_dim3A_124 = vector.shape_cast %reduce_sum3A_123 : vector<1000xf32> to vector<1000x1xf32>
    %sqrt3A_125 = math.sqrt %broadcast_in_dim3A_124 : vector<1000x1xf32>
    %max3A_126 = arith.constant 1.000000e-15 : f32
    %max3A_127 = vector.broadcast %max3A_126 : f32 to vector<1000x1xf32>
    %max3A_128 = arith.maximumf %sqrt3A_125, %max3A_127 : vector<1000x1xf32>
    %gt3A_129 = arith.constant 0.999989986 : f32
    %gt3A_130 = vector.broadcast %gt3A_129 : f32 to vector<1000x1xf32>
    %gt3A_131 = arith.cmpf ogt, %max3A_128, %gt3A_130 : vector<1000x1xf32>
    %div3A_132 = vector.broadcast %max3A_128 : vector<1000x1xf32> to vector<1000x64xf32>
    %div3A_133 = arith.divf %select_n3A_120, %div3A_132 : vector<1000x64xf32>
    %mul3A_134 = arith.constant 0.999989986 : f32
    %mul3A_135 = vector.broadcast %mul3A_134 : f32 to vector<1000x64xf32>
    %mul3A_136 = arith.mulf %div3A_133, %mul3A_135 : vector<1000x64xf32>
    %broadcast_in_dim3A_137 = vector.shape_cast %gt3A_131 : vector<1000x1xi1> to vector<1000x1xi1>
    %broadcast_in_dim3A_138 = vector.broadcast %broadcast_in_dim3A_137 : vector<1000x1xi1> to vector<1000x64xi1>
    %select_n3A_139 = arith.select %broadcast_in_dim3A_138, %mul3A_136, %select_n3A_120 : vector<1000x64xi1>, vector<1000x64xf32>
    %get3A_140 = arith.constant 0 : index
    %get3A_141 = arith.constant 0 : index
    %get3A_142 = vector.load %arg3[%get3A_140, %get3A_141] : memref<64x64xf32, #tpu.memory_space<vmem>>, vector<64x64xf32>
    %get3A_143 = arith.constant 0 : index
    %get3A_144 = arith.constant 0 : index
    %get3A_145 = vector.load %arg4[%get3A_143, %get3A_144] : memref<1x64xf32, #tpu.memory_space<vmem>>, vector<1x64xf32>
    %mul3A_146 = arith.mulf %select_n3A_139, %select_n3A_139 : vector<1000x64xf32>
    %reduce_sum3A_147 = arith.constant dense<0.000000e+00> : vector<1000xf32>
    %reduce_sum3A_148 = vector.multi_reduction <add>, %mul3A_146, %reduce_sum3A_147 [1] : vector<1000x64xf32> to vector<1000xf32>
    %broadcast_in_dim3A_149 = vector.shape_cast %reduce_sum3A_148 : vector<1000xf32> to vector<1000x1xf32>
    %sqrt3A_150 = math.sqrt %broadcast_in_dim3A_149 : vector<1000x1xf32>
    %max3A_151 = arith.constant 1.000000e-15 : f32
    %max3A_152 = vector.broadcast %max3A_151 : f32 to vector<1000x1xf32>
    %max3A_153 = arith.maximumf %sqrt3A_150, %max3A_152 : vector<1000x1xf32>
    %dot_general3A = arith.constant dense<0.000000e+00> : vector<1000x64xf32>
    %dot_general3A_154 = tpu.matmul %select_n3A_139, %get3A_142, %dot_general3A {dimension_numbers = #tpu.dot_dimension_numbers<[1], [1], [0], [0], [0, 0, 1, 0], [], []>, precision = #tpu.contract_precision<fp32>, transpose_lhs_hint = false} : vector<1000x64xf32>, vector<64x64xf32>, vector<1000x64xf32> -> vector<1000x64xf32>
    %mul3A_155 = arith.mulf %dot_general3A_154, %dot_general3A_154 : vector<1000x64xf32>
    %reduce_sum3A_156 = arith.constant dense<0.000000e+00> : vector<1000xf32>
    %reduce_sum3A_157 = vector.multi_reduction <add>, %mul3A_155, %reduce_sum3A_156 [1] : vector<1000x64xf32> to vector<1000xf32>
    %broadcast_in_dim3A_158 = vector.shape_cast %reduce_sum3A_157 : vector<1000xf32> to vector<1000x1xf32>
    %sqrt3A_159 = math.sqrt %broadcast_in_dim3A_158 : vector<1000x1xf32>
    %max3A_160 = arith.constant 1.000000e-15 : f32
    %max3A_161 = vector.broadcast %max3A_160 : f32 to vector<1000x1xf32>
    %max3A_162 = arith.maximumf %sqrt3A_159, %max3A_161 : vector<1000x1xf32>
    %div3A_163 = arith.divf %max3A_162, %max3A_153 : vector<1000x1xf32>
    %jit3A_164 = arith.constant -0.99999988 : f32
    %jit3A_165 = arith.constant 0.99999988 : f32
    %max3A_166 = vector.broadcast %jit3A_164 : f32 to vector<1000x1xf32>
    %max3A_167 = arith.maximumf %max3A_166, %max3A_153 : vector<1000x1xf32>
    %min3A_168 = vector.broadcast %jit3A_165 : f32 to vector<1000x1xf32>
    %min3A_169 = arith.minimumf %min3A_168, %max3A_167 : vector<1000x1xf32>
    %add3A_170 = arith.constant 1.000000e+00 : f32
    %add3A_171 = vector.broadcast %add3A_170 : f32 to vector<1000x1xf32>
    %add3A_172 = arith.addf %add3A_171, %min3A_169 : vector<1000x1xf32>
    %sub3A_173 = arith.constant 1.000000e+00 : f32
    %sub3A_174 = vector.broadcast %sub3A_173 : f32 to vector<1000x1xf32>
    %sub3A_175 = arith.subf %sub3A_174, %min3A_169 : vector<1000x1xf32>
    %div3A_176 = arith.divf %add3A_172, %sub3A_175 : vector<1000x1xf32>
    %log3A_177 = math.log %div3A_176 : vector<1000x1xf32>
    %mul3A_178 = arith.constant 5.000000e-01 : f32
    %mul3A_179 = vector.broadcast %mul3A_178 : f32 to vector<1000x1xf32>
    %mul3A_180 = arith.mulf %mul3A_179, %log3A_177 : vector<1000x1xf32>
    %mul3A_181 = arith.mulf %div3A_163, %mul3A_180 : vector<1000x1xf32>
    %tanh3A_182 = math.tanh %mul3A_181 : vector<1000x1xf32>
    %mul3A_183 = vector.broadcast %tanh3A_182 : vector<1000x1xf32> to vector<1000x64xf32>
    %mul3A_184 = arith.mulf %mul3A_183, %dot_general3A_154 : vector<1000x64xf32>
    %div3A_185 = vector.broadcast %max3A_162 : vector<1000x1xf32> to vector<1000x64xf32>
    %div3A_186 = arith.divf %mul3A_184, %div3A_185 : vector<1000x64xf32>
    %mul3A_187 = arith.mulf %div3A_186, %div3A_186 : vector<1000x64xf32>
    %reduce_sum3A_188 = arith.constant dense<0.000000e+00> : vector<1000xf32>
    %reduce_sum3A_189 = vector.multi_reduction <add>, %mul3A_187, %reduce_sum3A_188 [1] : vector<1000x64xf32> to vector<1000xf32>
    %broadcast_in_dim3A_190 = vector.shape_cast %reduce_sum3A_189 : vector<1000xf32> to vector<1000x1xf32>
    %sqrt3A_191 = math.sqrt %broadcast_in_dim3A_190 : vector<1000x1xf32>
    %max3A_192 = arith.constant 1.000000e-15 : f32
    %max3A_193 = vector.broadcast %max3A_192 : f32 to vector<1000x1xf32>
    %max3A_194 = arith.maximumf %sqrt3A_191, %max3A_193 : vector<1000x1xf32>
    %gt3A_195 = arith.constant 0.999989986 : f32
    %gt3A_196 = vector.broadcast %gt3A_195 : f32 to vector<1000x1xf32>
    %gt3A_197 = arith.cmpf ogt, %max3A_194, %gt3A_196 : vector<1000x1xf32>
    %div3A_198 = vector.broadcast %max3A_194 : vector<1000x1xf32> to vector<1000x64xf32>
    %div3A_199 = arith.divf %div3A_186, %div3A_198 : vector<1000x64xf32>
    %mul3A_200 = arith.constant 0.999989986 : f32
    %mul3A_201 = vector.broadcast %mul3A_200 : f32 to vector<1000x64xf32>
    %mul3A_202 = arith.mulf %div3A_199, %mul3A_201 : vector<1000x64xf32>
    %broadcast_in_dim3A_203 = vector.shape_cast %gt3A_197 : vector<1000x1xi1> to vector<1000x1xi1>
    %broadcast_in_dim3A_204 = vector.broadcast %broadcast_in_dim3A_203 : vector<1000x1xi1> to vector<1000x64xi1>
    %select_n3A_205 = arith.select %broadcast_in_dim3A_204, %mul3A_202, %div3A_186 : vector<1000x64xi1>, vector<1000x64xf32>
    %mul3A_206 = arith.mulf %get3A_145, %get3A_145 : vector<1x64xf32>
    %reduce_sum3A_207 = arith.constant dense<0.000000e+00> : vector<1xf32>
    %reduce_sum3A_208 = vector.multi_reduction <add>, %mul3A_206, %reduce_sum3A_207 [1] : vector<1x64xf32> to vector<1xf32>
    %broadcast_in_dim3A_209 = vector.shape_cast %reduce_sum3A_208 : vector<1xf32> to vector<1x1xf32>
    %sqrt3A_210 = math.sqrt %broadcast_in_dim3A_209 : vector<1x1xf32>
    %max3A_211 = arith.constant 1.000000e-15 : f32
    %max3A_212 = vector.broadcast %max3A_211 : f32 to vector<1x1xf32>
    %max3A_213 = arith.maximumf %sqrt3A_210, %max3A_212 : vector<1x1xf32>
    %tanh3A_214 = math.tanh %max3A_213 : vector<1x1xf32>
    %mul3A_215 = vector.broadcast %tanh3A_214 : vector<1x1xf32> to vector<1x64xf32>
    %mul3A_216 = arith.mulf %mul3A_215, %get3A_145 : vector<1x64xf32>
    %div3A_217 = vector.broadcast %max3A_213 : vector<1x1xf32> to vector<1x64xf32>
    %div3A_218 = arith.divf %mul3A_216, %div3A_217 : vector<1x64xf32>
    %mul3A_219 = arith.mulf %div3A_218, %div3A_218 : vector<1x64xf32>
    %reduce_sum3A_220 = arith.constant dense<0.000000e+00> : vector<1xf32>
    %reduce_sum3A_221 = vector.multi_reduction <add>, %mul3A_219, %reduce_sum3A_220 [1] : vector<1x64xf32> to vector<1xf32>
    %broadcast_in_dim3A_222 = vector.shape_cast %reduce_sum3A_221 : vector<1xf32> to vector<1x1xf32>
    %sqrt3A_223 = math.sqrt %broadcast_in_dim3A_222 : vector<1x1xf32>
    %max3A_224 = arith.constant 1.000000e-15 : f32
    %max3A_225 = vector.broadcast %max3A_224 : f32 to vector<1x1xf32>
    %max3A_226 = arith.maximumf %sqrt3A_223, %max3A_225 : vector<1x1xf32>
    %gt3A_227 = arith.constant 0.999989986 : f32
    %gt3A_228 = vector.broadcast %gt3A_227 : f32 to vector<1x1xf32>
    %gt3A_229 = arith.cmpf ogt, %max3A_226, %gt3A_228 : vector<1x1xf32>
    %div3A_230 = vector.broadcast %max3A_226 : vector<1x1xf32> to vector<1x64xf32>
    %div3A_231 = arith.divf %div3A_218, %div3A_230 : vector<1x64xf32>
    %mul3A_232 = arith.constant 0.999989986 : f32
    %mul3A_233 = vector.broadcast %mul3A_232 : f32 to vector<1x64xf32>
    %mul3A_234 = arith.mulf %div3A_231, %mul3A_233 : vector<1x64xf32>
    %broadcast_in_dim3A_235 = vector.shape_cast %gt3A_229 : vector<1x1xi1> to vector<1x1xi1>
    %broadcast_in_dim3A_236 = vector.broadcast %broadcast_in_dim3A_235 : vector<1x1xi1> to vector<1x64xi1>
    %select_n3A_237 = arith.select %broadcast_in_dim3A_236, %mul3A_234, %div3A_218 : vector<1x64xi1>, vector<1x64xf32>
    %mul3A_238 = arith.mulf %select_n3A_237, %select_n3A_237 : vector<1x64xf32>
    %reduce_sum3A_239 = arith.constant dense<0.000000e+00> : vector<1xf32>
    %reduce_sum3A_240 = vector.multi_reduction <add>, %mul3A_238, %reduce_sum3A_239 [1] : vector<1x64xf32> to vector<1xf32>
    %broadcast_in_dim3A_241 = vector.shape_cast %reduce_sum3A_240 : vector<1xf32> to vector<1x1xf32>
    %sqrt3A_242 = math.sqrt %broadcast_in_dim3A_241 : vector<1x1xf32>
    %max3A_243 = arith.constant 1.000000e-15 : f32
    %max3A_244 = vector.broadcast %max3A_243 : f32 to vector<1x1xf32>
    %max3A_245 = arith.maximumf %sqrt3A_242, %max3A_244 : vector<1x1xf32>
    %gt3A_246 = arith.constant 0.999989986 : f32
    %gt3A_247 = vector.broadcast %gt3A_246 : f32 to vector<1x1xf32>
    %gt3A_248 = arith.cmpf ogt, %max3A_245, %gt3A_247 : vector<1x1xf32>
    %div3A_249 = vector.broadcast %max3A_245 : vector<1x1xf32> to vector<1x64xf32>
    %div3A_250 = arith.divf %select_n3A_237, %div3A_249 : vector<1x64xf32>
    %mul3A_251 = arith.constant 0.999989986 : f32
    %mul3A_252 = vector.broadcast %mul3A_251 : f32 to vector<1x64xf32>
    %mul3A_253 = arith.mulf %div3A_250, %mul3A_252 : vector<1x64xf32>
    %broadcast_in_dim3A_254 = vector.shape_cast %gt3A_248 : vector<1x1xi1> to vector<1x1xi1>
    %broadcast_in_dim3A_255 = vector.broadcast %broadcast_in_dim3A_254 : vector<1x1xi1> to vector<1x64xi1>
    %select_n3A_256 = arith.select %broadcast_in_dim3A_255, %mul3A_253, %select_n3A_237 : vector<1x64xi1>, vector<1x64xf32>
    %mul3A_257 = arith.mulf %select_n3A_205, %select_n3A_205 : vector<1000x64xf32>
    %reduce_sum3A_258 = arith.constant dense<0.000000e+00> : vector<1000xf32>
    %reduce_sum3A_259 = vector.multi_reduction <add>, %mul3A_257, %reduce_sum3A_258 [1] : vector<1000x64xf32> to vector<1000xf32>
    %broadcast_in_dim3A_260 = vector.shape_cast %reduce_sum3A_259 : vector<1000xf32> to vector<1000x1xf32>
    %mul3A_261 = arith.mulf %select_n3A_256, %select_n3A_256 : vector<1x64xf32>
    %reduce_sum3A_262 = arith.constant dense<0.000000e+00> : vector<1xf32>
    %reduce_sum3A_263 = vector.multi_reduction <add>, %mul3A_261, %reduce_sum3A_262 [1] : vector<1x64xf32> to vector<1xf32>
    %broadcast_in_dim3A_264 = vector.shape_cast %reduce_sum3A_263 : vector<1xf32> to vector<1x1xf32>
    %mul3A_265 = vector.broadcast %select_n3A_256 : vector<1x64xf32> to vector<1000x64xf32>
    %mul3A_266 = arith.mulf %select_n3A_205, %mul3A_265 : vector<1000x64xf32>
    %reduce_sum3A_267 = arith.constant dense<0.000000e+00> : vector<1000xf32>
    %reduce_sum3A_268 = vector.multi_reduction <add>, %mul3A_266, %reduce_sum3A_267 [1] : vector<1000x64xf32> to vector<1000xf32>
    %broadcast_in_dim3A_269 = vector.shape_cast %reduce_sum3A_268 : vector<1000xf32> to vector<1000x1xf32>
    %mul3A_270 = arith.constant 2.000000e+00 : f32
    %mul3A_271 = vector.broadcast %mul3A_270 : f32 to vector<1000x1xf32>
    %mul3A_272 = arith.mulf %mul3A_271, %broadcast_in_dim3A_269 : vector<1000x1xf32>
    %add3A_273 = arith.constant 1.000000e+00 : f32
    %add3A_274 = vector.broadcast %add3A_273 : f32 to vector<1000x1xf32>
    %add3A_275 = arith.addf %add3A_274, %mul3A_272 : vector<1000x1xf32>
    %add3A_276 = vector.broadcast %broadcast_in_dim3A_264 : vector<1x1xf32> to vector<1000x1xf32>
    %add3A_277 = arith.addf %add3A_275, %add3A_276 : vector<1000x1xf32>
    %mul3A_278 = vector.broadcast %add3A_277 : vector<1000x1xf32> to vector<1000x64xf32>
    %mul3A_279 = arith.mulf %mul3A_278, %select_n3A_205 : vector<1000x64xf32>
    %sub3A_280 = arith.constant 1.000000e+00 : f32
    %sub3A_281 = vector.broadcast %sub3A_280 : f32 to vector<1000x1xf32>
    %sub3A_282 = arith.subf %sub3A_281, %broadcast_in_dim3A_260 : vector<1000x1xf32>
    %mul3A_283 = vector.broadcast %sub3A_282 : vector<1000x1xf32> to vector<1000x64xf32>
    %mul3A_284 = vector.broadcast %select_n3A_256 : vector<1x64xf32> to vector<1000x64xf32>
    %mul3A_285 = arith.mulf %mul3A_283, %mul3A_284 : vector<1000x64xf32>
    %add3A_286 = arith.addf %mul3A_279, %mul3A_285 : vector<1000x64xf32>
    %mul3A_287 = arith.constant 2.000000e+00 : f32
    %mul3A_288 = vector.broadcast %mul3A_287 : f32 to vector<1000x1xf32>
    %mul3A_289 = arith.mulf %mul3A_288, %broadcast_in_dim3A_269 : vector<1000x1xf32>
    %add3A_290 = arith.constant 1.000000e+00 : f32
    %add3A_291 = vector.broadcast %add3A_290 : f32 to vector<1000x1xf32>
    %add3A_292 = arith.addf %add3A_291, %mul3A_289 : vector<1000x1xf32>
    %mul3A_293 = vector.broadcast %broadcast_in_dim3A_264 : vector<1x1xf32> to vector<1000x1xf32>
    %mul3A_294 = arith.mulf %broadcast_in_dim3A_260, %mul3A_293 : vector<1000x1xf32>
    %add3A_295 = arith.addf %add3A_292, %mul3A_294 : vector<1000x1xf32>
    %max3A_296 = arith.constant 1.000000e-15 : f32
    %max3A_297 = vector.broadcast %max3A_296 : f32 to vector<1000x1xf32>
    %max3A_298 = arith.maximumf %add3A_295, %max3A_297 : vector<1000x1xf32>
    %div3A_299 = vector.broadcast %max3A_298 : vector<1000x1xf32> to vector<1000x64xf32>
    %div3A_300 = arith.divf %add3A_286, %div3A_299 : vector<1000x64xf32>
    %mul3A_301 = arith.mulf %div3A_300, %div3A_300 : vector<1000x64xf32>
    %reduce_sum3A_302 = arith.constant dense<0.000000e+00> : vector<1000xf32>
    %reduce_sum3A_303 = vector.multi_reduction <add>, %mul3A_301, %reduce_sum3A_302 [1] : vector<1000x64xf32> to vector<1000xf32>
    %broadcast_in_dim3A_304 = vector.shape_cast %reduce_sum3A_303 : vector<1000xf32> to vector<1000x1xf32>
    %sqrt3A_305 = math.sqrt %broadcast_in_dim3A_304 : vector<1000x1xf32>
    %max3A_306 = arith.constant 1.000000e-15 : f32
    %max3A_307 = vector.broadcast %max3A_306 : f32 to vector<1000x1xf32>
    %max3A_308 = arith.maximumf %sqrt3A_305, %max3A_307 : vector<1000x1xf32>
    %gt3A_309 = arith.constant 0.999989986 : f32
    %gt3A_310 = vector.broadcast %gt3A_309 : f32 to vector<1000x1xf32>
    %gt3A_311 = arith.cmpf ogt, %max3A_308, %gt3A_310 : vector<1000x1xf32>
    %div3A_312 = vector.broadcast %max3A_308 : vector<1000x1xf32> to vector<1000x64xf32>
    %div3A_313 = arith.divf %div3A_300, %div3A_312 : vector<1000x64xf32>
    %mul3A_314 = arith.constant 0.999989986 : f32
    %mul3A_315 = vector.broadcast %mul3A_314 : f32 to vector<1000x64xf32>
    %mul3A_316 = arith.mulf %div3A_313, %mul3A_315 : vector<1000x64xf32>
    %broadcast_in_dim3A_317 = vector.shape_cast %gt3A_311 : vector<1000x1xi1> to vector<1000x1xi1>
    %broadcast_in_dim3A_318 = vector.broadcast %broadcast_in_dim3A_317 : vector<1000x1xi1> to vector<1000x64xi1>
    %select_n3A_319 = arith.select %broadcast_in_dim3A_318, %mul3A_316, %div3A_300 : vector<1000x64xi1>, vector<1000x64xf32>
    %mul3A_320 = arith.mulf %select_n3A_319, %select_n3A_319 : vector<1000x64xf32>
    %reduce_sum3A_321 = arith.constant dense<0.000000e+00> : vector<1000xf32>
    %reduce_sum3A_322 = vector.multi_reduction <add>, %mul3A_320, %reduce_sum3A_321 [1] : vector<1000x64xf32> to vector<1000xf32>
    %broadcast_in_dim3A_323 = vector.shape_cast %reduce_sum3A_322 : vector<1000xf32> to vector<1000x1xf32>
    %sqrt3A_324 = math.sqrt %broadcast_in_dim3A_323 : vector<1000x1xf32>
    %max3A_325 = arith.constant 1.000000e-15 : f32
    %max3A_326 = vector.broadcast %max3A_325 : f32 to vector<1000x1xf32>
    %max3A_327 = arith.maximumf %sqrt3A_324, %max3A_326 : vector<1000x1xf32>
    %jit3A_328 = arith.constant -0.99999988 : f32
    %jit3A_329 = arith.constant 0.99999988 : f32
    %max3A_330 = vector.broadcast %jit3A_328 : f32 to vector<1000x1xf32>
    %max3A_331 = arith.maximumf %max3A_330, %max3A_327 : vector<1000x1xf32>
    %min3A_332 = vector.broadcast %jit3A_329 : f32 to vector<1000x1xf32>
    %min3A_333 = arith.minimumf %min3A_332, %max3A_331 : vector<1000x1xf32>
    %add3A_334 = arith.constant 1.000000e+00 : f32
    %add3A_335 = vector.broadcast %add3A_334 : f32 to vector<1000x1xf32>
    %add3A_336 = arith.addf %add3A_335, %min3A_333 : vector<1000x1xf32>
    %sub3A_337 = arith.constant 1.000000e+00 : f32
    %sub3A_338 = vector.broadcast %sub3A_337 : f32 to vector<1000x1xf32>
    %sub3A_339 = arith.subf %sub3A_338, %min3A_333 : vector<1000x1xf32>
    %div3A_340 = arith.divf %add3A_336, %sub3A_339 : vector<1000x1xf32>
    %log3A_341 = math.log %div3A_340 : vector<1000x1xf32>
    %mul3A_342 = arith.constant 5.000000e-01 : f32
    %mul3A_343 = vector.broadcast %mul3A_342 : f32 to vector<1000x1xf32>
    %mul3A_344 = arith.mulf %mul3A_343, %log3A_341 : vector<1000x1xf32>
    %mul3A_345 = vector.broadcast %mul3A_344 : vector<1000x1xf32> to vector<1000x64xf32>
    %mul3A_346 = arith.mulf %mul3A_345, %select_n3A_319 : vector<1000x64xf32>
    %div3A_347 = vector.broadcast %max3A_327 : vector<1000x1xf32> to vector<1000x64xf32>
    %div3A_348 = arith.divf %mul3A_346, %div3A_347 : vector<1000x64xf32>
    %swap3A = arith.constant 0 : index
    %swap3A_349 = arith.constant 0 : index
    %swap3A_350 = vector.load %arg5[%swap3A, %swap3A_349] : memref<1000x64xf32, #tpu.memory_space<vmem>>, vector<1000x64xf32>
    tpu.vector_store %arg5[%swap3A, %swap3A_349], %div3A_348 {strides = array<i32>} : memref<1000x64xf32, #tpu.memory_space<vmem>>, vector<1000x64xf32>,
    return
  }
  func.func @transform_0(%arg0: i32) -> (i32, i32, i32) {
    %c0_i32 = arith.constant 0 : i32
    %c0_i32_0 = arith.constant 0 : i32
    %c0_i32_1 = arith.constant 0 : i32
    return %c0_i32, %arg0, %c0_i32_0 : i32, i32, i32
  }
  func.func @transform_1(%arg0: i32) -> (i32, i32, i32) {
    %c0_i32 = arith.constant 0 : i32
    %c0_i32_0 = arith.constant 0 : i32
    %c0_i32_1 = arith.constant 0 : i32
    return %c0_i32, %arg0, %c0_i32_0 : i32, i32, i32
  }
  func.func @transform_2(%arg0: i32) -> (i32, i32) {
    %c0_i32 = arith.constant 0 : i32
    %c0_i32_0 = arith.constant 0 : i32
    %c0_i32_1 = arith.constant 0 : i32
    return %c0_i32, %c0_i32_0 : i32, i32
  }
  func.func @transform_3(%arg0: i32) -> (i32, i32) {
    %c0_i32 = arith.constant 0 : i32
    %c0_i32_0 = arith.constant 0 : i32
    %c0_i32_1 = arith.constant 0 : i32
    return %c0_i32, %c0_i32_0 : i32, i32
  }
  func.func @transform_4(%arg0: i32) -> (i32, i32) {
    %c0_i32 = arith.constant 0 : i32
    %c0_i32_0 = arith.constant 0 : i32
    return %arg0, %c0_i32 : i32, i32
  }
}

module attributes {stable_mosaic.version = 14 : i64} {
  func.func @_tc_final_body(%arg0: i32, %arg1: memref<2x10240x64xf32, #tpu.memory_space<vmem>>, %arg2: memref<2x10240x16xf32, #tpu.memory_space<vmem>>, %arg3: memref<128x10000xf32, #tpu.memory_space<vmem>>, %arg4: memref<128x64xf32, #tpu.memory_space<vmem>>, %arg5: memref<128x1xf32, #tpu.memory_space<vmem>>, %arg6: memref<10000x64xf32, #tpu.memory_space<vmem>>) attributes {dimension_semantics = [#tpu.dimension_semantics<arbitrary>], iteration_bounds = array<i64: 8>, scalar_prefetch = 0 : i64, scratch_operands = 1 : i64, tpu.core_type = #tpu.core_type<tc>, window_params = [{pipeline_mode = #tpu.pipeline_mode<synchronous>, transform_indices = @transform_0, window_bounds = array<i64: 2, 10240, 64>}, {pipeline_mode = #tpu.pipeline_mode<synchronous>, transform_indices = @transform_1, window_bounds = array<i64: 2, 10240, 16>}, {transform_indices = @transform_2, window_bounds = array<i64: 128, 10000>}, {transform_indices = @transform_3, window_bounds = array<i64: 128, 64>}, {transform_indices = @transform_4, window_bounds = array<i64: 128, 1>}]} {
    %eq3A = arith.constant 0 : i32
    %eq3A_0 = arith.cmpi eq, %arg0, %eq3A : i32
    %convert_element_type3A = arith.extui %eq3A_0 : i1 to i32
    %cond3A = arith.constant 0 : i32
    %cond3A_1 = arith.cmpi ne, %convert_element_type3A, %cond3A : i32
    scf.if %cond3A_1 {
      %get3A_149 = arith.constant 0 : index
      %get3A_150 = arith.constant 0 : index
      %get3A_151 = arith.constant 0 : index
      %get3A_152 = vector.load %arg1[%get3A_149, %get3A_150, %get3A_151] : memref<2x10240x64xf32, #tpu.memory_space<vmem>>, vector<2x10000x64xf32>
      %get3A_153 = arith.constant 0 : index
      %get3A_154 = arith.constant 0 : index
      %get3A_155 = arith.constant 0 : index
      %get3A_156 = vector.load %arg2[%get3A_153, %get3A_154, %get3A_155] : memref<2x10240x16xf32, #tpu.memory_space<vmem>>, vector<2x10000x16xf32>
      %slice3A = vector.extract_strided_slice %get3A_156 {offsets = [0, 0, 0], sizes = [1, 10000, 1], strides = [1, 1, 1]} : vector<2x10000x16xf32> to vector<1x10000x1xf32>
      %squeeze3A = vector.shape_cast %slice3A : vector<1x10000x1xf32> to vector<10000x1xf32>
      %slice3A_157 = vector.extract_strided_slice %get3A_156 {offsets = [1, 0, 0], sizes = [1, 10000, 1], strides = [1, 1, 1]} : vector<2x10000x16xf32> to vector<1x10000x1xf32>
      %squeeze3A_158 = vector.shape_cast %slice3A_157 : vector<1x10000x1xf32> to vector<10000x1xf32>
      %add3A_159 = arith.addf %squeeze3A, %squeeze3A_158 : vector<10000x1xf32>
      %slice3A_160 = vector.extract_strided_slice %get3A_152 {offsets = [0, 0, 0], sizes = [1, 10000, 64], strides = [1, 1, 1]} : vector<2x10000x64xf32> to vector<1x10000x64xf32>
      %squeeze3A_161 = vector.shape_cast %slice3A_160 : vector<1x10000x64xf32> to vector<10000x64xf32>
      %slice3A_162 = vector.extract_strided_slice %get3A_152 {offsets = [1, 0, 0], sizes = [1, 10000, 64], strides = [1, 1, 1]} : vector<2x10000x64xf32> to vector<1x10000x64xf32>
      %squeeze3A_163 = vector.shape_cast %slice3A_162 : vector<1x10000x64xf32> to vector<10000x64xf32>
      %add3A_164 = arith.addf %squeeze3A_161, %squeeze3A_163 : vector<10000x64xf32>
      %max3A_165 = arith.constant 1.000000e+00 : f32
      %max3A_166 = vector.broadcast %max3A_165 : f32 to vector<10000x1xf32>
      %max3A_167 = arith.maximumf %add3A_159, %max3A_166 : vector<10000x1xf32>
      %div3A_168 = vector.broadcast %max3A_167 : vector<10000x1xf32> to vector<10000x64xf32>
      %div3A_169 = arith.divf %add3A_164, %div3A_168 : vector<10000x64xf32>
      %mul3A_170 = arith.mulf %div3A_169, %div3A_169 : vector<10000x64xf32>
      %reduce_sum3A_171 = arith.constant dense<0.000000e+00> : vector<10000xf32>
      %reduce_sum3A_172 = vector.multi_reduction <add>, %mul3A_170, %reduce_sum3A_171 [1] : vector<10000x64xf32> to vector<10000xf32>
      %broadcast_in_dim3A_173 = vector.shape_cast %reduce_sum3A_172 : vector<10000xf32> to vector<10000x1xf32>
      %sqrt3A_174 = math.sqrt %broadcast_in_dim3A_173 : vector<10000x1xf32>
      %max3A_175 = arith.constant 1.000000e-15 : f32
      %max3A_176 = vector.broadcast %max3A_175 : f32 to vector<10000x1xf32>
      %max3A_177 = arith.maximumf %sqrt3A_174, %max3A_176 : vector<10000x1xf32>
      %tanh3A_178 = math.tanh %max3A_177 : vector<10000x1xf32>
      %mul3A_179 = vector.broadcast %tanh3A_178 : vector<10000x1xf32> to vector<10000x64xf32>
      %mul3A_180 = arith.mulf %mul3A_179, %div3A_169 : vector<10000x64xf32>
      %div3A_181 = vector.broadcast %max3A_177 : vector<10000x1xf32> to vector<10000x64xf32>
      %div3A_182 = arith.divf %mul3A_180, %div3A_181 : vector<10000x64xf32>
      %mul3A_183 = arith.mulf %div3A_182, %div3A_182 : vector<10000x64xf32>
      %reduce_sum3A_184 = arith.constant dense<0.000000e+00> : vector<10000xf32>
      %reduce_sum3A_185 = vector.multi_reduction <add>, %mul3A_183, %reduce_sum3A_184 [1] : vector<10000x64xf32> to vector<10000xf32>
      %broadcast_in_dim3A_186 = vector.shape_cast %reduce_sum3A_185 : vector<10000xf32> to vector<10000x1xf32>
      %sqrt3A_187 = math.sqrt %broadcast_in_dim3A_186 : vector<10000x1xf32>
      %max3A_188 = arith.constant 1.000000e-15 : f32
      %max3A_189 = vector.broadcast %max3A_188 : f32 to vector<10000x1xf32>
      %max3A_190 = arith.maximumf %sqrt3A_187, %max3A_189 : vector<10000x1xf32>
      %gt3A_191 = arith.constant 0.999989986 : f32
      %gt3A_192 = vector.broadcast %gt3A_191 : f32 to vector<10000x1xf32>
      %gt3A_193 = arith.cmpf ogt, %max3A_190, %gt3A_192 : vector<10000x1xf32>
      %div3A_194 = vector.broadcast %max3A_190 : vector<10000x1xf32> to vector<10000x64xf32>
      %div3A_195 = arith.divf %div3A_182, %div3A_194 : vector<10000x64xf32>
      %mul3A_196 = arith.constant 0.999989986 : f32
      %mul3A_197 = vector.broadcast %mul3A_196 : f32 to vector<10000x64xf32>
      %mul3A_198 = arith.mulf %div3A_195, %mul3A_197 : vector<10000x64xf32>
      %broadcast_in_dim3A_199 = vector.shape_cast %gt3A_193 : vector<10000x1xi1> to vector<10000x1xi1>
      %broadcast_in_dim3A_200 = vector.broadcast %broadcast_in_dim3A_199 : vector<10000x1xi1> to vector<10000x64xi1>
      %select_n3A_201 = arith.select %broadcast_in_dim3A_200, %mul3A_198, %div3A_182 : vector<10000x64xi1>, vector<10000x64xf32>
      %mul3A_202 = arith.mulf %select_n3A_201, %select_n3A_201 : vector<10000x64xf32>
      %reduce_sum3A_203 = arith.constant dense<0.000000e+00> : vector<10000xf32>
      %reduce_sum3A_204 = vector.multi_reduction <add>, %mul3A_202, %reduce_sum3A_203 [1] : vector<10000x64xf32> to vector<10000xf32>
      %broadcast_in_dim3A_205 = vector.shape_cast %reduce_sum3A_204 : vector<10000xf32> to vector<10000x1xf32>
      %sqrt3A_206 = math.sqrt %broadcast_in_dim3A_205 : vector<10000x1xf32>
      %max3A_207 = arith.constant 1.000000e-15 : f32
      %max3A_208 = vector.broadcast %max3A_207 : f32 to vector<10000x1xf32>
      %max3A_209 = arith.maximumf %sqrt3A_206, %max3A_208 : vector<10000x1xf32>
      %gt3A_210 = arith.constant 0.999989986 : f32
      %gt3A_211 = vector.broadcast %gt3A_210 : f32 to vector<10000x1xf32>
      %gt3A_212 = arith.cmpf ogt, %max3A_209, %gt3A_211 : vector<10000x1xf32>
      %div3A_213 = vector.broadcast %max3A_209 : vector<10000x1xf32> to vector<10000x64xf32>
      %div3A_214 = arith.divf %select_n3A_201, %div3A_213 : vector<10000x64xf32>
      %mul3A_215 = arith.constant 0.999989986 : f32
      %mul3A_216 = vector.broadcast %mul3A_215 : f32 to vector<10000x64xf32>
      %mul3A_217 = arith.mulf %div3A_214, %mul3A_216 : vector<10000x64xf32>
      %broadcast_in_dim3A_218 = vector.shape_cast %gt3A_212 : vector<10000x1xi1> to vector<10000x1xi1>
      %broadcast_in_dim3A_219 = vector.broadcast %broadcast_in_dim3A_218 : vector<10000x1xi1> to vector<10000x64xi1>
      %select_n3A_220 = arith.select %broadcast_in_dim3A_219, %mul3A_217, %select_n3A_201 : vector<10000x64xi1>, vector<10000x64xf32>
      %mul3A_221 = arith.mulf %select_n3A_220, %select_n3A_220 : vector<10000x64xf32>
      %reduce_sum3A_222 = arith.constant dense<0.000000e+00> : vector<10000xf32>
      %reduce_sum3A_223 = vector.multi_reduction <add>, %mul3A_221, %reduce_sum3A_222 [1] : vector<10000x64xf32> to vector<10000xf32>
      %broadcast_in_dim3A_224 = vector.shape_cast %reduce_sum3A_223 : vector<10000xf32> to vector<10000x1xf32>
      %sqrt3A_225 = math.sqrt %broadcast_in_dim3A_224 : vector<10000x1xf32>
      %max3A_226 = arith.constant 1.000000e-15 : f32
      %max3A_227 = vector.broadcast %max3A_226 : f32 to vector<10000x1xf32>
      %max3A_228 = arith.maximumf %sqrt3A_225, %max3A_227 : vector<10000x1xf32>
      %jit3A_229 = arith.constant -0.99999988 : f32
      %jit3A_230 = arith.constant 0.99999988 : f32
      %max3A_231 = vector.broadcast %jit3A_229 : f32 to vector<10000x1xf32>
      %max3A_232 = arith.maximumf %max3A_231, %max3A_228 : vector<10000x1xf32>
      %min3A_233 = vector.broadcast %jit3A_230 : f32 to vector<10000x1xf32>
      %min3A_234 = arith.minimumf %min3A_233, %max3A_232 : vector<10000x1xf32>
      %add3A_235 = arith.constant 1.000000e+00 : f32
      %add3A_236 = vector.broadcast %add3A_235 : f32 to vector<10000x1xf32>
      %add3A_237 = arith.addf %add3A_236, %min3A_234 : vector<10000x1xf32>
      %sub3A_238 = arith.constant 1.000000e+00 : f32
      %sub3A_239 = vector.broadcast %sub3A_238 : f32 to vector<10000x1xf32>
      %sub3A_240 = arith.subf %sub3A_239, %min3A_234 : vector<10000x1xf32>
      %div3A_241 = arith.divf %add3A_237, %sub3A_240 : vector<10000x1xf32>
      %log3A_242 = math.log %div3A_241 : vector<10000x1xf32>
      %mul3A_243 = arith.constant 5.000000e-01 : f32
      %mul3A_244 = vector.broadcast %mul3A_243 : f32 to vector<10000x1xf32>
      %mul3A_245 = arith.mulf %mul3A_244, %log3A_242 : vector<10000x1xf32>
      %mul3A_246 = vector.broadcast %mul3A_245 : vector<10000x1xf32> to vector<10000x64xf32>
      %mul3A_247 = arith.mulf %mul3A_246, %select_n3A_220 : vector<10000x64xf32>
      %div3A_248 = vector.broadcast %max3A_228 : vector<10000x1xf32> to vector<10000x64xf32>
      %div3A_249 = arith.divf %mul3A_247, %div3A_248 : vector<10000x64xf32>
      %max3A_250 = arith.constant 0.000000e+00 : f32
      %max3A_251 = vector.broadcast %max3A_250 : f32 to vector<10000x64xf32>
      %max3A_252 = arith.maximumf %div3A_249, %max3A_251 : vector<10000x64xf32>
      %mul3A_253 = arith.mulf %max3A_252, %max3A_252 : vector<10000x64xf32>
      %reduce_sum3A_254 = arith.constant dense<0.000000e+00> : vector<10000xf32>
      %reduce_sum3A_255 = vector.multi_reduction <add>, %mul3A_253, %reduce_sum3A_254 [1] : vector<10000x64xf32> to vector<10000xf32>
      %broadcast_in_dim3A_256 = vector.shape_cast %reduce_sum3A_255 : vector<10000xf32> to vector<10000x1xf32>
      %sqrt3A_257 = math.sqrt %broadcast_in_dim3A_256 : vector<10000x1xf32>
      %max3A_258 = arith.constant 1.000000e-15 : f32
      %max3A_259 = vector.broadcast %max3A_258 : f32 to vector<10000x1xf32>
      %max3A_260 = arith.maximumf %sqrt3A_257, %max3A_259 : vector<10000x1xf32>
      %tanh3A_261 = math.tanh %max3A_260 : vector<10000x1xf32>
      %mul3A_262 = vector.broadcast %tanh3A_261 : vector<10000x1xf32> to vector<10000x64xf32>
      %mul3A_263 = arith.mulf %mul3A_262, %max3A_252 : vector<10000x64xf32>
      %div3A_264 = vector.broadcast %max3A_260 : vector<10000x1xf32> to vector<10000x64xf32>
      %div3A_265 = arith.divf %mul3A_263, %div3A_264 : vector<10000x64xf32>
      %mul3A_266 = arith.mulf %div3A_265, %div3A_265 : vector<10000x64xf32>
      %reduce_sum3A_267 = arith.constant dense<0.000000e+00> : vector<10000xf32>
      %reduce_sum3A_268 = vector.multi_reduction <add>, %mul3A_266, %reduce_sum3A_267 [1] : vector<10000x64xf32> to vector<10000xf32>
      %broadcast_in_dim3A_269 = vector.shape_cast %reduce_sum3A_268 : vector<10000xf32> to vector<10000x1xf32>
      %sqrt3A_270 = math.sqrt %broadcast_in_dim3A_269 : vector<10000x1xf32>
      %max3A_271 = arith.constant 1.000000e-15 : f32
      %max3A_272 = vector.broadcast %max3A_271 : f32 to vector<10000x1xf32>
      %max3A_273 = arith.maximumf %sqrt3A_270, %max3A_272 : vector<10000x1xf32>
      %gt3A_274 = arith.constant 0.999989986 : f32
      %gt3A_275 = vector.broadcast %gt3A_274 : f32 to vector<10000x1xf32>
      %gt3A_276 = arith.cmpf ogt, %max3A_273, %gt3A_275 : vector<10000x1xf32>
      %div3A_277 = vector.broadcast %max3A_273 : vector<10000x1xf32> to vector<10000x64xf32>
      %div3A_278 = arith.divf %div3A_265, %div3A_277 : vector<10000x64xf32>
      %mul3A_279 = arith.constant 0.999989986 : f32
      %mul3A_280 = vector.broadcast %mul3A_279 : f32 to vector<10000x64xf32>
      %mul3A_281 = arith.mulf %div3A_278, %mul3A_280 : vector<10000x64xf32>
      %broadcast_in_dim3A_282 = vector.shape_cast %gt3A_276 : vector<10000x1xi1> to vector<10000x1xi1>
      %broadcast_in_dim3A_283 = vector.broadcast %broadcast_in_dim3A_282 : vector<10000x1xi1> to vector<10000x64xi1>
      %select_n3A_284 = arith.select %broadcast_in_dim3A_283, %mul3A_281, %div3A_265 : vector<10000x64xi1>, vector<10000x64xf32>
      %mul3A_285 = arith.mulf %select_n3A_284, %select_n3A_284 : vector<10000x64xf32>
      %reduce_sum3A_286 = arith.constant dense<0.000000e+00> : vector<10000xf32>
      %reduce_sum3A_287 = vector.multi_reduction <add>, %mul3A_285, %reduce_sum3A_286 [1] : vector<10000x64xf32> to vector<10000xf32>
      %broadcast_in_dim3A_288 = vector.shape_cast %reduce_sum3A_287 : vector<10000xf32> to vector<10000x1xf32>
      %sqrt3A_289 = math.sqrt %broadcast_in_dim3A_288 : vector<10000x1xf32>
      %max3A_290 = arith.constant 1.000000e-15 : f32
      %max3A_291 = vector.broadcast %max3A_290 : f32 to vector<10000x1xf32>
      %max3A_292 = arith.maximumf %sqrt3A_289, %max3A_291 : vector<10000x1xf32>
      %gt3A_293 = arith.constant 0.999989986 : f32
      %gt3A_294 = vector.broadcast %gt3A_293 : f32 to vector<10000x1xf32>
      %gt3A_295 = arith.cmpf ogt, %max3A_292, %gt3A_294 : vector<10000x1xf32>
      %div3A_296 = vector.broadcast %max3A_292 : vector<10000x1xf32> to vector<10000x64xf32>
      %div3A_297 = arith.divf %select_n3A_284, %div3A_296 : vector<10000x64xf32>
      %mul3A_298 = arith.constant 0.999989986 : f32
      %mul3A_299 = vector.broadcast %mul3A_298 : f32 to vector<10000x64xf32>
      %mul3A_300 = arith.mulf %div3A_297, %mul3A_299 : vector<10000x64xf32>
      %broadcast_in_dim3A_301 = vector.shape_cast %gt3A_295 : vector<10000x1xi1> to vector<10000x1xi1>
      %broadcast_in_dim3A_302 = vector.broadcast %broadcast_in_dim3A_301 : vector<10000x1xi1> to vector<10000x64xi1>
      %select_n3A_303 = arith.select %broadcast_in_dim3A_302, %mul3A_300, %select_n3A_284 : vector<10000x64xi1>, vector<10000x64xf32>
      %swap3A_304 = arith.constant 0 : index
      %swap3A_305 = arith.constant 0 : index
      %swap3A_306 = vector.load %arg6[%swap3A_304, %swap3A_305] : memref<10000x64xf32, #tpu.memory_space<vmem>>, vector<10000x64xf32>
      tpu.vector_store %arg6[%swap3A_304, %swap3A_305], %select_n3A_303 {strides = array<i32>} : memref<10000x64xf32, #tpu.memory_space<vmem>>, vector<10000x64xf32>,
    } else {
    }
    %get3A = arith.constant 0 : index
    %get3A_2 = arith.constant 0 : index
    %get3A_3 = vector.load %arg3[%get3A, %get3A_2] : memref<128x10000xf32, #tpu.memory_space<vmem>>, vector<128x10000xf32>
    %get3A_4 = arith.constant 0 : index
    %get3A_5 = arith.constant 0 : index
    %get3A_6 = vector.load %arg6[%get3A_4, %get3A_5] : memref<10000x64xf32, #tpu.memory_space<vmem>>, vector<10000x64xf32>
    %dot_general3A = arith.constant dense<0.000000e+00> : vector<128x64xf32>
    %dot_general3A_7 = tpu.matmul %get3A_3, %get3A_6, %dot_general3A {dimension_numbers = #tpu.dot_dimension_numbers<[1], [0], [0], [1], [0, 0, 1, 1], [], []>, transpose_lhs_hint = false} : vector<128x10000xf32>, vector<10000x64xf32>, vector<128x64xf32> -> vector<128x64xf32>
    %get3A_8 = arith.constant 0 : index
    %get3A_9 = arith.constant 0 : index
    %get3A_10 = vector.load %arg4[%get3A_8, %get3A_9] : memref<128x64xf32, #tpu.memory_space<vmem>>, vector<128x64xf32>
    %mul3A = arith.mulf %get3A_10, %get3A_10 : vector<128x64xf32>
    %reduce_sum3A = arith.constant dense<0.000000e+00> : vector<128xf32>
    %reduce_sum3A_11 = vector.multi_reduction <add>, %mul3A, %reduce_sum3A [1] : vector<128x64xf32> to vector<128xf32>
    %broadcast_in_dim3A = vector.shape_cast %reduce_sum3A_11 : vector<128xf32> to vector<128x1xf32>
    %sqrt3A = math.sqrt %broadcast_in_dim3A : vector<128x1xf32>
    %max3A = arith.constant 1.000000e-15 : f32
    %max3A_12 = vector.broadcast %max3A : f32 to vector<128x1xf32>
    %max3A_13 = arith.maximumf %sqrt3A, %max3A_12 : vector<128x1xf32>
    %tanh3A = math.tanh %max3A_13 : vector<128x1xf32>
    %mul3A_14 = vector.broadcast %tanh3A : vector<128x1xf32> to vector<128x64xf32>
    %mul3A_15 = arith.mulf %mul3A_14, %get3A_10 : vector<128x64xf32>
    %div3A = vector.broadcast %max3A_13 : vector<128x1xf32> to vector<128x64xf32>
    %div3A_16 = arith.divf %mul3A_15, %div3A : vector<128x64xf32>
    %mul3A_17 = arith.mulf %div3A_16, %div3A_16 : vector<128x64xf32>
    %reduce_sum3A_18 = arith.constant dense<0.000000e+00> : vector<128xf32>
    %reduce_sum3A_19 = vector.multi_reduction <add>, %mul3A_17, %reduce_sum3A_18 [1] : vector<128x64xf32> to vector<128xf32>
    %broadcast_in_dim3A_20 = vector.shape_cast %reduce_sum3A_19 : vector<128xf32> to vector<128x1xf32>
    %sqrt3A_21 = math.sqrt %broadcast_in_dim3A_20 : vector<128x1xf32>
    %max3A_22 = arith.constant 1.000000e-15 : f32
    %max3A_23 = vector.broadcast %max3A_22 : f32 to vector<128x1xf32>
    %max3A_24 = arith.maximumf %sqrt3A_21, %max3A_23 : vector<128x1xf32>
    %gt3A = arith.constant 0.999989986 : f32
    %gt3A_25 = vector.broadcast %gt3A : f32 to vector<128x1xf32>
    %gt3A_26 = arith.cmpf ogt, %max3A_24, %gt3A_25 : vector<128x1xf32>
    %div3A_27 = vector.broadcast %max3A_24 : vector<128x1xf32> to vector<128x64xf32>
    %div3A_28 = arith.divf %div3A_16, %div3A_27 : vector<128x64xf32>
    %mul3A_29 = arith.constant 0.999989986 : f32
    %mul3A_30 = vector.broadcast %mul3A_29 : f32 to vector<128x64xf32>
    %mul3A_31 = arith.mulf %div3A_28, %mul3A_30 : vector<128x64xf32>
    %broadcast_in_dim3A_32 = vector.shape_cast %gt3A_26 : vector<128x1xi1> to vector<128x1xi1>
    %broadcast_in_dim3A_33 = vector.broadcast %broadcast_in_dim3A_32 : vector<128x1xi1> to vector<128x64xi1>
    %select_n3A = arith.select %broadcast_in_dim3A_33, %mul3A_31, %div3A_16 : vector<128x64xi1>, vector<128x64xf32>
    %mul3A_34 = arith.mulf %select_n3A, %select_n3A : vector<128x64xf32>
    %reduce_sum3A_35 = arith.constant dense<0.000000e+00> : vector<128xf32>
    %reduce_sum3A_36 = vector.multi_reduction <add>, %mul3A_34, %reduce_sum3A_35 [1] : vector<128x64xf32> to vector<128xf32>
    %broadcast_in_dim3A_37 = vector.shape_cast %reduce_sum3A_36 : vector<128xf32> to vector<128x1xf32>
    %sqrt3A_38 = math.sqrt %broadcast_in_dim3A_37 : vector<128x1xf32>
    %max3A_39 = arith.constant 1.000000e-15 : f32
    %max3A_40 = vector.broadcast %max3A_39 : f32 to vector<128x1xf32>
    %max3A_41 = arith.maximumf %sqrt3A_38, %max3A_40 : vector<128x1xf32>
    %gt3A_42 = arith.constant 0.999989986 : f32
    %gt3A_43 = vector.broadcast %gt3A_42 : f32 to vector<128x1xf32>
    %gt3A_44 = arith.cmpf ogt, %max3A_41, %gt3A_43 : vector<128x1xf32>
    %div3A_45 = vector.broadcast %max3A_41 : vector<128x1xf32> to vector<128x64xf32>
    %div3A_46 = arith.divf %select_n3A, %div3A_45 : vector<128x64xf32>
    %mul3A_47 = arith.constant 0.999989986 : f32
    %mul3A_48 = vector.broadcast %mul3A_47 : f32 to vector<128x64xf32>
    %mul3A_49 = arith.mulf %div3A_46, %mul3A_48 : vector<128x64xf32>
    %broadcast_in_dim3A_50 = vector.shape_cast %gt3A_44 : vector<128x1xi1> to vector<128x1xi1>
    %broadcast_in_dim3A_51 = vector.broadcast %broadcast_in_dim3A_50 : vector<128x1xi1> to vector<128x64xi1>
    %select_n3A_52 = arith.select %broadcast_in_dim3A_51, %mul3A_49, %select_n3A : vector<128x64xi1>, vector<128x64xf32>
    %mul3A_53 = arith.mulf %dot_general3A_7, %dot_general3A_7 : vector<128x64xf32>
    %reduce_sum3A_54 = arith.constant dense<0.000000e+00> : vector<128xf32>
    %reduce_sum3A_55 = vector.multi_reduction <add>, %mul3A_53, %reduce_sum3A_54 [1] : vector<128x64xf32> to vector<128xf32>
    %broadcast_in_dim3A_56 = vector.shape_cast %reduce_sum3A_55 : vector<128xf32> to vector<128x1xf32>
    %sqrt3A_57 = math.sqrt %broadcast_in_dim3A_56 : vector<128x1xf32>
    %max3A_58 = arith.constant 1.000000e-15 : f32
    %max3A_59 = vector.broadcast %max3A_58 : f32 to vector<128x1xf32>
    %max3A_60 = arith.maximumf %sqrt3A_57, %max3A_59 : vector<128x1xf32>
    %gt3A_61 = arith.constant 0.999989986 : f32
    %gt3A_62 = vector.broadcast %gt3A_61 : f32 to vector<128x1xf32>
    %gt3A_63 = arith.cmpf ogt, %max3A_60, %gt3A_62 : vector<128x1xf32>
    %div3A_64 = vector.broadcast %max3A_60 : vector<128x1xf32> to vector<128x64xf32>
    %div3A_65 = arith.divf %dot_general3A_7, %div3A_64 : vector<128x64xf32>
    %mul3A_66 = arith.constant 0.999989986 : f32
    %mul3A_67 = vector.broadcast %mul3A_66 : f32 to vector<128x64xf32>
    %mul3A_68 = arith.mulf %div3A_65, %mul3A_67 : vector<128x64xf32>
    %broadcast_in_dim3A_69 = vector.shape_cast %gt3A_63 : vector<128x1xi1> to vector<128x1xi1>
    %broadcast_in_dim3A_70 = vector.broadcast %broadcast_in_dim3A_69 : vector<128x1xi1> to vector<128x64xi1>
    %select_n3A_71 = arith.select %broadcast_in_dim3A_70, %mul3A_68, %dot_general3A_7 : vector<128x64xi1>, vector<128x64xf32>
    %neg3A = arith.constant 0.000000e+00 : f32
    %neg3A_72 = vector.broadcast %neg3A : f32 to vector<128x64xf32>
    %neg3A_73 = arith.subf %neg3A_72, %select_n3A_52 : vector<128x64xf32>
    %mul3A_74 = arith.mulf %neg3A_73, %neg3A_73 : vector<128x64xf32>
    %reduce_sum3A_75 = arith.constant dense<0.000000e+00> : vector<128xf32>
    %reduce_sum3A_76 = vector.multi_reduction <add>, %mul3A_74, %reduce_sum3A_75 [1] : vector<128x64xf32> to vector<128xf32>
    %broadcast_in_dim3A_77 = vector.shape_cast %reduce_sum3A_76 : vector<128xf32> to vector<128x1xf32>
    %mul3A_78 = arith.mulf %select_n3A_71, %select_n3A_71 : vector<128x64xf32>
    %reduce_sum3A_79 = arith.constant dense<0.000000e+00> : vector<128xf32>
    %reduce_sum3A_80 = vector.multi_reduction <add>, %mul3A_78, %reduce_sum3A_79 [1] : vector<128x64xf32> to vector<128xf32>
    %broadcast_in_dim3A_81 = vector.shape_cast %reduce_sum3A_80 : vector<128xf32> to vector<128x1xf32>
    %mul3A_82 = arith.mulf %neg3A_73, %select_n3A_71 : vector<128x64xf32>
    %reduce_sum3A_83 = arith.constant dense<0.000000e+00> : vector<128xf32>
    %reduce_sum3A_84 = vector.multi_reduction <add>, %mul3A_82, %reduce_sum3A_83 [1] : vector<128x64xf32> to vector<128xf32>
    %broadcast_in_dim3A_85 = vector.shape_cast %reduce_sum3A_84 : vector<128xf32> to vector<128x1xf32>
    %mul3A_86 = arith.constant 2.000000e+00 : f32
    %mul3A_87 = vector.broadcast %mul3A_86 : f32 to vector<128x1xf32>
    %mul3A_88 = arith.mulf %mul3A_87, %broadcast_in_dim3A_85 : vector<128x1xf32>
    %add3A = arith.constant 1.000000e+00 : f32
    %add3A_89 = vector.broadcast %add3A : f32 to vector<128x1xf32>
    %add3A_90 = arith.addf %add3A_89, %mul3A_88 : vector<128x1xf32>
    %add3A_91 = arith.addf %add3A_90, %broadcast_in_dim3A_81 : vector<128x1xf32>
    %mul3A_92 = vector.broadcast %add3A_91 : vector<128x1xf32> to vector<128x64xf32>
    %mul3A_93 = arith.mulf %mul3A_92, %neg3A_73 : vector<128x64xf32>
    %sub3A = arith.constant 1.000000e+00 : f32
    %sub3A_94 = vector.broadcast %sub3A : f32 to vector<128x1xf32>
    %sub3A_95 = arith.subf %sub3A_94, %broadcast_in_dim3A_77 : vector<128x1xf32>
    %mul3A_96 = vector.broadcast %sub3A_95 : vector<128x1xf32> to vector<128x64xf32>
    %mul3A_97 = arith.mulf %mul3A_96, %select_n3A_71 : vector<128x64xf32>
    %add3A_98 = arith.addf %mul3A_93, %mul3A_97 : vector<128x64xf32>
    %mul3A_99 = arith.constant 2.000000e+00 : f32
    %mul3A_100 = vector.broadcast %mul3A_99 : f32 to vector<128x1xf32>
    %mul3A_101 = arith.mulf %mul3A_100, %broadcast_in_dim3A_85 : vector<128x1xf32>
    %add3A_102 = arith.constant 1.000000e+00 : f32
    %add3A_103 = vector.broadcast %add3A_102 : f32 to vector<128x1xf32>
    %add3A_104 = arith.addf %add3A_103, %mul3A_101 : vector<128x1xf32>
    %mul3A_105 = arith.mulf %broadcast_in_dim3A_77, %broadcast_in_dim3A_81 : vector<128x1xf32>
    %add3A_106 = arith.addf %add3A_104, %mul3A_105 : vector<128x1xf32>
    %max3A_107 = arith.constant 1.000000e-15 : f32
    %max3A_108 = vector.broadcast %max3A_107 : f32 to vector<128x1xf32>
    %max3A_109 = arith.maximumf %add3A_106, %max3A_108 : vector<128x1xf32>
    %div3A_110 = vector.broadcast %max3A_109 : vector<128x1xf32> to vector<128x64xf32>
    %div3A_111 = arith.divf %add3A_98, %div3A_110 : vector<128x64xf32>
    %mul3A_112 = arith.mulf %div3A_111, %div3A_111 : vector<128x64xf32>
    %reduce_sum3A_113 = arith.constant dense<0.000000e+00> : vector<128xf32>
    %reduce_sum3A_114 = vector.multi_reduction <add>, %mul3A_112, %reduce_sum3A_113 [1] : vector<128x64xf32> to vector<128xf32>
    %broadcast_in_dim3A_115 = vector.shape_cast %reduce_sum3A_114 : vector<128xf32> to vector<128x1xf32>
    %max3A_116 = arith.constant 1.000000e-30 : f32
    %max3A_117 = vector.broadcast %max3A_116 : f32 to vector<128x1xf32>
    %max3A_118 = arith.maximumf %broadcast_in_dim3A_115, %max3A_117 : vector<128x1xf32>
    %sqrt3A_119 = math.sqrt %max3A_118 : vector<128x1xf32>
    %jit3A = arith.constant -0.99999988 : f32
    %jit3A_120 = arith.constant 0.99999988 : f32
    %max3A_121 = vector.broadcast %jit3A : f32 to vector<128x1xf32>
    %max3A_122 = arith.maximumf %max3A_121, %sqrt3A_119 : vector<128x1xf32>
    %min3A = vector.broadcast %jit3A_120 : f32 to vector<128x1xf32>
    %min3A_123 = arith.minimumf %min3A, %max3A_122 : vector<128x1xf32>
    %add3A_124 = arith.constant 1.000000e+00 : f32
    %add3A_125 = vector.broadcast %add3A_124 : f32 to vector<128x1xf32>
    %add3A_126 = arith.addf %add3A_125, %min3A_123 : vector<128x1xf32>
    %sub3A_127 = arith.constant 1.000000e+00 : f32
    %sub3A_128 = vector.broadcast %sub3A_127 : f32 to vector<128x1xf32>
    %sub3A_129 = arith.subf %sub3A_128, %min3A_123 : vector<128x1xf32>
    %div3A_130 = arith.divf %add3A_126, %sub3A_129 : vector<128x1xf32>
    %log3A = math.log %div3A_130 : vector<128x1xf32>
    %mul3A_131 = arith.constant 5.000000e-01 : f32
    %mul3A_132 = vector.broadcast %mul3A_131 : f32 to vector<128x1xf32>
    %mul3A_133 = arith.mulf %mul3A_132, %log3A : vector<128x1xf32>
    %mul3A_134 = arith.constant 2.000000e+00 : f32
    %mul3A_135 = vector.broadcast %mul3A_134 : f32 to vector<128x1xf32>
    %mul3A_136 = arith.mulf %mul3A_135, %mul3A_133 : vector<128x1xf32>
    %mul3A_137 = arith.mulf %mul3A_136, %mul3A_136 : vector<128x1xf32>
    %sub3A_138 = arith.constant 2.000000e+00 : f32
    %sub3A_139 = vector.broadcast %sub3A_138 : f32 to vector<128x1xf32>
    %sub3A_140 = arith.subf %mul3A_137, %sub3A_139 : vector<128x1xf32>
    %exp3A = math.exp %sub3A_140 : vector<128x1xf32>
    %add3A_141 = arith.constant 1.000000e+00 : f32
    %add3A_142 = vector.broadcast %add3A_141 : f32 to vector<128x1xf32>
    %add3A_143 = arith.addf %exp3A, %add3A_142 : vector<128x1xf32>
    %div3A_144 = arith.constant 1.000000e+00 : f32
    %div3A_145 = vector.broadcast %div3A_144 : f32 to vector<128x1xf32>
    %div3A_146 = arith.divf %div3A_145, %add3A_143 : vector<128x1xf32>
    %swap3A = arith.constant 0 : index
    %swap3A_147 = arith.constant 0 : index
    %swap3A_148 = vector.load %arg5[%swap3A, %swap3A_147] : memref<128x1xf32, #tpu.memory_space<vmem>>, vector<128x1xf32>
    tpu.vector_store %arg5[%swap3A, %swap3A_147], %div3A_146 {strides = array<i32>} : memref<128x1xf32, #tpu.memory_space<vmem>>, vector<128x1xf32>,
    return
  }
  func.func @transform_0(%arg0: i32) -> (i32, i32, i32) {
    %c0_i32 = arith.constant 0 : i32
    %c0_i32_0 = arith.constant 0 : i32
    %c0_i32_1 = arith.constant 0 : i32
    %c0_i32_2 = arith.constant 0 : i32
    return %c0_i32, %c0_i32_0, %c0_i32_1 : i32, i32, i32
  }
  func.func @transform_1(%arg0: i32) -> (i32, i32, i32) {
    %c0_i32 = arith.constant 0 : i32
    %c0_i32_0 = arith.constant 0 : i32
    %c0_i32_1 = arith.constant 0 : i32
    %c0_i32_2 = arith.constant 0 : i32
    return %c0_i32, %c0_i32_0, %c0_i32_1 : i32, i32, i32
  }
  func.func @transform_2(%arg0: i32) -> (i32, i32) {
    %c0_i32 = arith.constant 0 : i32
    %c0_i32_0 = arith.constant 0 : i32
    return %arg0, %c0_i32 : i32, i32
  }
  func.func @transform_3(%arg0: i32) -> (i32, i32) {
    %c0_i32 = arith.constant 0 : i32
    %c0_i32_0 = arith.constant 0 : i32
    return %arg0, %c0_i32 : i32, i32
  }
  func.func @transform_4(%arg0: i32) -> (i32, i32) {
    %c0_i32 = arith.constant 0 : i32
    %c0_i32_0 = arith.constant 0 : i32
    return %arg0, %c0_i32 : i32, i32
  }
}

</mosaic_0001>

<sc_bundles>
// kernel: kernel.11.cloned.1.call-start
scs
__scs_entry_jumppad:
0x0: {  	(pc) =	sbr.rel $0x88, $3  }
0x1: {  	(tag) =	ssettag $0x0;
	lr =	simm.s32 $0x1  }
0x2: {  	[smem:$0x3F98] =	sst lr;
	_ =	strace $0xD0000000  }
0x3: {  	_ = 	snop  }
0x4: {  	_ = 	snop  }
0x5: {  	_ = 	snop  }
0x6: {  	_ = 	snop  }
0x7: {  	_ = 	snop  }
__scs_overlays_trampoline_lowered:
0x8: {  	[smem:$0x3FA7] =	sst s0  }
0x9: {  	[smem:$0x3FA8] =	sst s1  }
0xa: {  	[smem:$0x3FA9] =	sst s2  }
0xb: {  	[smem:$0x3FAA] =	sst s3  }
0xc: {  	[smem:$0x3FAB] =	sst s4  }
0xd: {  	[smem:$0x3FAC] =	sst s5  }
0xe: {  	[smem:$0x3FAD] =	sst s6  }
0xf: {  	[smem:$0x3FAE] =	sst s7  }
0x10: {  	[smem:$0x3FAF] =	sst s8  }
0x11: {  	[smem:$0x3FB0] =	sst s9;
	s0 =	simm.s32 @!p0 $0x0  }
0x12: {  	s1 =	sld [smem:$0x3F96];
	s0 =	simm.s32 @p0 $0x1  }
0x13: {  	[smem:$0x3FB1] =	sst s0;
	s0 =	simm.s32 @!p1 $0x0  }
0x14: {  	s2 =	sld [smem:$0x3F95];
	s0 =	simm.s32 @p1 $0x1  }
0x15: {  	[smem:$0x3FB2] =	sst s0;
	s0 =	simm.s32 @!p2 $0x0  }
0x16: {  	s3 =	sld [smem:$0x3FDB];
	s0 =	simm.s32 @p2 $0x1  }
0x17: {  	s4 =	simm.s32 $0x1BF5;
	[smem:$0x3FB4] =	sst s0  }
0x18: {  	s0 =	sld [smem:$0x3F97];
	_ =	swait.ge [sflag:s4], $0x0  }
0x19: {  	s7 =	sld [smem:$0x3F98]  }
0x1a: {  	s8 =	sadd.s32 $0xFFFFE003, lr  }
0x1b: {  	s9 =	sadd.s32 $0xFFFFFEF7, lr;
	s5 =	simm.s32 $0xFFFFFFFF;
	p2 =	slt.u32 s8, $0xFFFFF086  }
0x1c: {  	p1 =	slt.u32 s9, $0xF7A;
	s5 =	simm.s32 @!p2 $0x0  }
0x1d: {  	s5 =	simm.s32 @p1 $0x1;
	p0 =	seq.s32 s7, s2  }
0x1e: {  	s7 =	smul.u32 @!p0 $0xF7A, s2;
	p2 =	seq.s32 @!p0 s5, $0x0  }
0x1f: {  	s9 =	smul.u32 $0xF7A, s1;
	s8 =	simm.s32 @!p0 $0x1BF5;
	p2 =	por !p2, p0  }
0x20: {  	[sflag:s8] =	ssyncset.s32 @!p0 $0xFFFFF086;
	s6 =	sadd.s32 @!p0 s3, s7;
	s7 =	simm.s32 @!p0 $0x108  }
0x21: {  	s3 =	sadd.s32 s3, s9;
	s6 =	sadd.s32 @!p0 $0x88, s6;
	s7 =	simm.s32 @p2 $0x1082  }
0x22: {  	[simem:s7], [sflag:s8] =	dma.local @!p0 [hbm:s6], $0xF7A  }
0x23: {  	s9 =	sor.u32 $0xD0000000, s2;
	s6 =	simm.s32 $0x108;
	_ =	swait.ge @!p0 [sflag:s8], $0x0  }
0x24: {  	s3 =	sadd.s32 $0x88, s3;
	s6 =	simm.s32 @!p1 $0x1082;
	[sflag:s4] =	ssyncset.s32 $0xFFFFF086  }
0x25: {  	[simem:s6], [sflag:s4] =	dma.local [hbm:s3], $0xF7A  }
0x26: {  	[smem:$0x3F98] =	sst s1;
	(tag) =	ssettag s2;
	_ =	strace s9  }
0x27: {  	s1 =	sld [smem:$0x3FA8]  }
0x28: {  	s2 =	sld [smem:$0x3FA9]  }
0x29: {  	s4 =	sld [smem:$0x3FAB]  }
0x2a: {  	p0 =	seq.s32 s5, $0x0;
	s5 =	sld [smem:$0x3FAC]  }
0x2b: {  	s6 =	sld [smem:$0x3FAD]  }
0x2c: {  	s7 =	sld [smem:$0x3FAE]  }
0x2d: {  	s3 =	simm.s32 $0x108;
	s8 =	sld [smem:$0x3FAF]  }
0x2e: {  	s3 =	simm.s32 @!p0 $0x1082;
	s9 =	sld [smem:$0x3FB0]  }
0x2f: {  	lr =	sadd.s32 s0, s3;
	s0 =	sld [smem:$0x3FA7]  }
0x30: {  	s3 =	sld [smem:$0x3FAA]  }
0x31: {  	[smem:$0x3FB3] =	sst s10  }
0x32: {  	s10 =	sld [smem:$0x3FB1];
	_ =	sdelay $0x3  }
0x33: {  	p0 =	seq.s32 s10, $0x1;
	s10 =	sld [smem:$0x3FB3];
	_ =	sdelay $0x3  }
0x34: {  	[smem:$0x3FB3] =	sst s10  }
0x35: {  	s10 =	sld [smem:$0x3FB2];
	_ =	sdelay $0x3  }
0x36: {  	p1 =	seq.s32 s10, $0x1;
	s10 =	sld [smem:$0x3FB3];
	_ =	sdelay $0x3  }
0x37: {  	[smem:$0x3FB3] =	sst s10  }
0x38: {  	s10 =	sld [smem:$0x3FB4]  }
0x39: {  	_ = 	snop;
	(pc) =	sbr.ind lr, $3  }
0x3a: {  	_ = 	snop  }
0x3b: {  	_ = 	snop  }
0x3c: {  	p2 =	seq.s32 s10, $0x1;
	s10 =	sld [smem:$0x3FB3]  }
0x3d: {  	_ =	shalt  }
0x3e: {  	_ =	shalt  }
0x3f: {  	_ =	shalt  }
0x40: {  	_ =	shalt  }
0x41: {  	_ =	shalt  }
0x42: {  	_ =	shalt  }
0x43: {  	_ =	shalt  }
0x44: {  	_ =	shalt  }
0x45: {  	_ =	shalt  }
0x46: {  	_ =	shalt  }
0x47: {  	_ =	shalt  }
0x48: {  	_ =	shalt  }
0x49: {  	_ =	shalt  }
0x4a: {  	_ =	shalt  }
0x4b: {  	_ =	shalt  }
0x4c: {  	_ =	shalt  }
0x4d: {  	_ =	shalt  }
0x4e: {  	_ =	shalt  }
0x4f: {  	_ =	shalt  }
0x50: {  	_ =	shalt  }
0x51: {  	_ =	shalt  }
0x52: {  	_ =	shalt  }
0x53: {  	_ =	shalt  }
0x54: {  	_ =	shalt  }
0x55: {  	_ =	shalt  }
0x56: {  	_ =	shalt  }
0x57: {  	_ =	shalt  }
0x58: {  	_ =	shalt  }
0x59: {  	_ =	shalt  }
0x5a: {  	_ =	shalt  }
0x5b: {  	_ =	shalt  }
0x5c: {  	_ =	shalt  }
0x5d: {  	_ =	shalt  }
0x5e: {  	_ =	shalt  }
0x5f: {  	_ =	shalt  }
0x60: {  	_ =	shalt  }
0x61: {  	_ =	shalt  }
0x62: {  	_ =	shalt  }
0x63: {  	_ =	shalt  }
0x64: {  	_ =	shalt  }
0x65: {  	_ =	shalt  }
0x66: {  	_ =	shalt  }
0x67: {  	_ =	shalt  }
0x68: {  	_ =	shalt  }
0x69: {  	_ =	shalt  }
0x6a: {  	_ =	shalt  }
0x6b: {  	_ =	shalt  }
0x6c: {  	_ =	shalt  }
0x6d: {  	_ =	shalt  }
0x6e: {  	_ =	shalt  }
0x6f: {  	_ =	shalt  }
0x70: {  	_ =	shalt  }
0x71: {  	_ =	shalt  }
0x72: {  	_ =	shalt  }
0x73: {  	_ =	shalt  }
0x74: {  	_ =	shalt  }
0x75: {  	_ =	shalt  }
0x76: {  	_ =	shalt  }
0x77: {  	_ =	shalt  }
0x78: {  	_ =	shalt  }
0x79: {  	_ =	shalt  }
0x7a: {  	_ =	shalt  }
0x7b: {  	_ =	shalt  }
0x7c: {  	_ =	shalt  }
0x7d: {  	_ =	shalt  }
0x7e: {  	_ =	shalt  }
0x7f: {  	_ =	shalt  }
0x80: {  	_ =	shalt  }
0x81: {  	_ =	shalt  }
0x82: {  	_ =	shalt  }
0x83: {  	_ =	shalt  }
0x84: {  	_ =	shalt  }
0x85: {  	_ =	shalt  }
0x86: {  	_ =	shalt  }
0x87: {  	_ =	shalt  }
.Lfunc_end0:
.L_simem_size_0:
called_computation.1_lowered:
.L_overlay_start_0:
0x88: {  	s2 =	sld [smem:$0x3FD9]  }
0x89: {  	s3 =	sld [smem:$0x3FFE];
	_ =	sdelay $0x1  }
0x8a: {  	s1 =	srdreg.scid  }
0x8b: {  	s0 =	sand.u32 $0x1, s1  }
0x8c: {  	s16 =	sshll.u32 s0, $0xA;
	s2 =	sadd.s32 s3, s2  }
0x8d: {  	s2 =	sadd.s32 s2, s16  }
0x8e: {  	[smem:$0x3FBF] =	sst s2  }
0x8f: {  	_ = 	snop  }
0x90: {  	(tm) =	ssettm $0x1  }
0x91: {  	s17 =	sld [smem:$0x3FFB];
	_ =	sdelay $0x3  }
0x92: {  	_ =	strace s17  }
0x93: {  	s2 =	sld [smem:$0x3FFC];
	_ =	sdelay $0x3  }
0x94: {  	_ =	strace s2  }
0x95: {  	s2 =	sld [smem:$0x3FFD];
	_ =	sdelay $0x3  }
0x96: {  	_ =	strace s2  }
0x97: {  	_ =	strace $0x8FFFFFFF  }
0x98: {  	s18 =	sld [smem:$0x3FDB];
	_ =	sdelay $0x1  }
0x99: {  	s19 =	simm.s32 $_scs_section_size  }
0x9a: {  	s4 =	simm.s32 $_size__tile_overlayer_lowered;
	s5 =	simm.s32 $_tile_overlayer_lowered  }
0x9b: {  	s22 =	simm.s32 $0x1BFF;
	s21 =	sshll.u32 s5, $0x1;
	s2 =	sadd.s32 s19, s18  }
0x9c: {  	s6 =	simm.s32 $0x0;
	s20 =	sshll.u32 s4, $0x1;
	s4 =	sadd.s32 s21, s2  }
0x9d: {  	[timem:s6], [sflag:s22] =	dma.local [hbm:s4], s20  }
0x9e: {  	_ =	swait.ge [sflag:s22], s20  }
0x9f: {  	s3 =	ssub.s32 $0x0, s20;
	[sflag:s22] =	ssyncset.done $0x0  }
0xa0: {  	[sflag:s22] =	ssyncadd.s32 s3;
	_ =	sdelay $0x1  }
0xa1: {  	s23 =	simm.s32 $0x1B8B  }
0xa2: {  	_ =	swait.ge [sflag:s23], $0x1  }
0xa3: {  	[sflag:s23] =	ssyncset.done $0x0  }
0xa4: {  	s25 =	simm.s32 $0x1B8E;
	s24 =	sld [smem:$0x3FFE];
	[sflag:s23] =	ssyncadd.s32 $0xFFFFFFFF  }
0xa5: {  	s26 =	simm.s32 $execute0_lowered;
	[smem:$0x3FD2] =	sst s25  }
0xa6: {  	s4 =	sshll.u32 s26, $0x1;
	_ =	strace $0x80000046;
	[dreg:$0x1] =	wrdreg $0xFFFFFFFF  }
0xa7: {  	s28 =	simm.s32 $_size_execute0_lowered;
	s2 =	sadd.s32 s2, s4;
	[dreg:$0x0] =	wrdreg $0x0  }
0xa8: {  	s4 =	sshll.u32 s28, $0x1;
	[dreg:$0x2] =	wrdreg s2  }
0xa9: {  	[dreg:$0x3] =	wrdreg s4  }
0xaa: {  	[dreg:$0x4] =	wrdreg $0xC0  }
0xab: {  	_ =	task [dreg:s6], $0x5FFFF  }
0xac: {  	[dreg:$0x1] =	wrdreg $0xFFFFFFFF  }
0xad: {  	[dreg:$0x0] =	wrdreg $0x60  }
0xae: {  	[dreg:$0x2] =	wrdreg s24  }
0xaf: {  	[dreg:$0x3] =	wrdreg $0xE4400  }
0xb0: {  	[dreg:$0x4] =	wrdreg $0x184400  }
0xb1: {  	[dreg:$0x5] =	wrdreg $0xA  }
0xb2: {  	_ =	task.clear_ibuf [dreg:s6], $0x6FFFF;
	_ =	strace $0x90000046  }
0xb3: {  	s29 =	simm.s32 $0xA;
	_ =	strace $0x80000048  }
0xb4: {  	_ =	swait.ge [sflag:s29], $0x1  }
0xb5: {  	[sflag:s29] =	ssyncadd.s32 $0xFFFFFFFF  }
0xb6: {  	_ =	strace $0x90000048  }
0xb7: {  	_ =	sfence  }
0xb8: {  	s30 =	sld [smem:$0x0];
	_ =	sdelay $0x2  }
0xb9: {  	s31 =	sshll.u32 s1, $0xD;
	s1 =	sshrl.u32 s1, $0x2  }
0xba: {  	s3 =	sand.u32 $0x4000, s31;
	s1 =	sadd.s32 s1, s30  }
0xbb: {  	s0 =	sor.u32 s3, s0;
	s1 =	sshll.u32 s1, $0x11  }
0xbc: {  	s0 =	sor.u32 s1, s0  }
0xbd: {  	s0 =	sadd.s32 $0x8F2B, s0  }
0xbe: {  	[sflag:s0] =	ssyncadd.remote.s32 $0x1  }
0xbf: {  	_ =	sfence.sel $0xFFFF  }
0xc0: {  	[dreg:$0x0] =	wrdreg $0xFFFFFFFF;
	(pc) =	sbr.abs _section_cstart, $3  }
0xc1: {  	[dreg:$0x1] =	wrdreg $0xFFFFFFFF  }
0xc2: {  	_ =	task.clear_ibuf [dreg:s6], $0x2FFFF;
	_ =	strace $0x9FFFFFFF  }
0xc3: {  	(tm) =	ssettm $0x7FFFFFFF  }
tec
execute0_lowered:
.L_overlay_start_1:
0x0: {  	(tag) =	ssettag $0x1  }
0x1: {  	s0 =	rddreg [dreg:$0x0]  }
0x2: {  	s1 =	srdreg.scid;
	s2 =	rddreg [dreg:$0x1]  }
0x3: {  	s17 =	stileid.u32;
	s3 =	rddreg [dreg:$0x2]  }
0x4: {  	s19 =	simm.s32 $0xDC40;
	s20 =	simm.s32 $0x80;
	s21 =	simm.s32 $0x9C40  }
0x5: {  	s22 =	simm.s32 $0xBC40;
	s23 =	simm.s32 $0x1;
	s24 =	simm.s32 $0x2  }
0x6: {  	s28 =	simm.s32 $0x20;
	s29 =	simm.s32 $0x4E00;
	s7 =	smul.u32 $0xA000, s17  }
0x7: {  	s30 =	simm.s32 $0x9C20;
	s1 =	sand.u32 $0x1, s1;
	s9 =	smul.u32 $0x2800, s17  }
0x8: {  	s31 =	simm.s32 $0x0;
	s4 =	sshll.u32 s17, $0x1;
	s8 =	smul.u32 $0xA0000, s1  }
0x9: {  	s25 =	sshll.u32 s17, $0x6;
	s5 =	sor.u32 s1, s4;
	s12 =	smul.u32 $0x28000, s1  }
0xa: {  	s4 =	simm.s32 $0x0;
	s1 =	ssub.s32 $0x2, s1;
	s5 =	smul.u32 $0x4E20, s5  }
0xb: {  	[smem:$0x7FF] =	sst s4;
	s6 =	sshrl.u32 s7, $0x3;
	s10 =	sshrl.u32 s9, $0x3  }
0xc: {  	s14 =	sshrl.u32 s1, $0x1;
	s16 =	sadd.s32 s7, s2;
	s26 =	sadd.s32 s9, s3  }
0xd: {  	_ =	strace $0x80000047;
	s13 =	sadd.s32 s6, s0;
	s10 =	sadd.s32 s10, s0  }
0xe: {  	s6 =	sadd.s32 $0x58200, s0;
	s8 =	sadd.s32 s7, s8;
	s12 =	sadd.s32 s9, s12  }
0xf: {  	s1 =	ssub.s32 s1, s14;
	s17 =	sshrl.u32 s26, $0x3;
	s26 =	simm.s32 $0x9BA0  }
0x10: {  	s5 =	sshrl.u32 s5, $0x3;
	s8 =	sshrl.u32 s8, $0x3;
	s12 =	sshrl.u32 s12, $0x3  }
0x11: {  	s7 =	sadd.s32 $0x3F200, s13;
	s9 =	sadd.s32 $0x53200, s10;
	s14 =	smax.u32 s1, $0x1  }
0x12: {  	s11 =	sadd.s32 s5, s0;
	s5 =	sadd.s32 $0x2B800, s0;
	s15 =	sadd.s32 s8, s0  }
0x13: {  	s0 =	sadd.s32 s12, s0;
	s8 =	sor.u32 $0x1C03, s25;
	s25 =	simm.s32 $0x9B20  }
0x14: {  	s10 =	sadd.s32 $0x4600, s11;
	s11 =	sadd.s32 $0x17E80, s11;
	s12 =	sadd.s32 $0x62400, s15  }
0x15: {  	s13 =	sadd.s32 $0x58400, s0;
	s15 =	sshrl.u32 s16, $0x3;
	s16 =	simm.s32 $0x3  }
.LBB2_1:
0x16: {  	[spmem:s15], [sflag:s8] =	dma.local [hbm:s7], $0x1400  }
0x17: {  	_ =	swait.ge [sflag:s16], $0x1400  }
0x18: {  	[sflag:s16] =	ssyncset.done $0x0  }
0x19: {  	[sflag:s16] =	ssyncadd.s32 $0xFFFFEC00  }
0x1a: {  	[spmem:s17], [sflag:s8] =	dma.local [hbm:s9], $0x500  }
0x1b: {  	_ =	swait.ge [sflag:s16], $0x500  }
0x1c: {  	[sflag:s16] =	ssyncset.done $0x0  }
0x1d: {  	[sflag:s16] =	ssyncadd.s32 $0xFFFFFB00  }
0x1e: {  	[tilespmem:s4], [sflag:$0x3] =	stream.linear.gather [hbm4b:s10+s4], $0x4E20, $0x38;
	[tilespmem:$0x1AC40] =	vst v63  }
0x1f: {  	_ =	swait.ge [sflag:s16], $0x4E20  }
0x20: {  	[sflag:s16] =	ssyncset.done $0x0  }
0x21: {  	s0 =	simm.s32 $0x4E20;
	[sflag:s16] =	ssyncadd.s32 $0xFFFFB1E0  }
0x22: {  	[tilespmem:s0], [sflag:$0x3] =	stream.linear.gather [hbm4b:s11+s4], $0x4E20, $0x38;
	[tilespmem:$0x1AC40] =	vst v63  }
0x23: {  	_ =	swait.ge [sflag:s16], $0x4E20  }
0x24: {  	[sflag:s16] =	ssyncset.done $0x0  }
0x25: {  	[sflag:s16] =	ssyncadd.s32 $0xFFFFB1E0  }
0x26: {  	[tilespmem:s19], [sflag:$0x3] =	stream.linear.gather [hbm4b:s6+s4], $0x800, $0x38;
	[tilespmem:$0x1AC40] =	vst v63  }
0x27: {  	_ =	swait.ge [sflag:s16], $0x800  }
0x28: {  	[sflag:s16] =	ssyncset.done $0x0  }
0x29: {  	[sflag:s16] =	ssyncadd.s32 $0xFFFFF800  }
0x2a: {  	[bflag:$0x0] =	sbarrier.arrive $0xFFFF  }
0x2b: {  	[tilespmem:s21], [sflag:$0x1] =	stream.indirect.gather [hbm4b:s5+s20], $0x40, s4, s20, $0xb8;
	[tilespmem:$0x1AC40] =	vst v63  }
0x2c: {  	_ = 	snop  }
0x2d: {  	[tilespmem:s22], [sflag:$0x1] =	stream.indirect.gather [hbm4b:s5+s20], $0x40, s20, s20, $0xb8;
	[tilespmem:$0x1AC40] =	vst v63  }
0x2e: {  	_ =	swait.ge [sflag:s23], $0x2000  }
0x2f: {  	[sflag:s23] =	ssyncset.done $0x0  }
0x30: {  	s18 =	simm.s32 $0x4E20;
	[sflag:s23] =	ssyncadd.s32 $0xFFFFE000  }
0x31: {  	[spmem:s2] =	stream.indirect.scatter.add.f32 [tilespmem:s21], [sflag:$0x2], $0x40, s18, s20, $0xb8;
	[tilespmem:$0x1AC40] =	vst v63  }
0x32: {  	_ = 	snop  }
0x33: {  	[spmem:s3] =	stream.indirect.scatter.add.f32 [tilespmem:s19], [sflag:$0x2], $0x10, s18, s20, $0xb8;
	[tilespmem:$0x1AC40] =	vst v63  }
0x34: {  	_ =	swait.ge [sflag:s23], $0x2000  }
0x35: {  	[sflag:s23] =	ssyncset.done $0x0  }
0x36: {  	[sflag:s23] =	ssyncadd.s32 $0xFFFFE000  }
0x37: {  	_ =	swait.ge [sflag:s24], $0x2000  }
0x38: {  	[sflag:s24] =	ssyncset.done $0x0  }
0x39: {  	[sflag:s24] =	ssyncadd.s32 $0xFFFFE000  }
0x3a: {  	_ =	swait.ge [sflag:s24], $0x800  }
0x3b: {  	[sflag:s24] =	ssyncset.done $0x0  }
0x3c: {  	s1 =	simm.s32 $0x100;
	[sflag:s24] =	ssyncadd.s32 $0xFFFFF800  }
0x3d: {  	[tilespmem:s21], [sflag:$0x1] =	stream.indirect.gather [hbm4b:s5+s20], $0x40, s1, s20, $0xb8;
	[tilespmem:$0x1AC40] =	vst v63  }
0x3e: {  	s18 =	simm.s32 $0x4EA0  }
0x3f: {  	[spmem:s2] =	stream.indirect.scatter.add.f32 [tilespmem:s22], [sflag:$0x2], $0x40, s18, s20, $0xb8;
	[tilespmem:$0x1AC40] =	vst v63  }
0x40: {  	_ = 	snop  }
0x41: {  	[spmem:s3] =	stream.indirect.scatter.add.f32 [tilespmem:s19], [sflag:$0x2], $0x10, s18, s20, $0xb8;
	[tilespmem:$0x1AC40] =	vst v63  }
0x42: {  	_ =	swait.ge [sflag:s24], $0x2000  }
0x43: {  	[sflag:s24] =	ssyncset.done $0x0  }
0x44: {  	[sflag:s24] =	ssyncadd.s32 $0xFFFFE000  }
0x45: {  	_ =	swait.ge [sflag:s24], $0x800  }
0x46: {  	[sflag:s24] =	ssyncset.done $0x0  }
0x47: {  	s0 =	simm.s32 $0x180;
	s1 =	simm.s32 $0x400;
	[sflag:s24] =	ssyncadd.s32 $0xFFFFF800  }
.LBB2_2:
0x48: {  	[tilespmem:s22], [sflag:$0x1] =	stream.indirect.gather [hbm4b:s5+s20], $0x40, s0, s20, $0xb8;
	[tilespmem:$0x1AC40] =	vst v63  }
0x49: {  	s0 =	smov.u32 s1  }
0x4a: {  	p0 =	sne.s32 s1, $0x13000;
	s1 =	sadd.s32 $0x400, s1;
	_ =	swait.ge [sflag:s23], $0x2000  }
0x4b: {  	s0 =	sshra.s32 s0, $0x2;
	[sflag:s23] =	ssyncset.done $0x0  }
0x4c: {  	s18 =	sadd.s32 $0x4E20, s0;
	[sflag:s23] =	ssyncadd.s32 $0xFFFFE000  }
0x4d: {  	[spmem:s2] =	stream.indirect.scatter.add.f32 [tilespmem:s21], [sflag:$0x2], $0x40, s18, s20, $0xb8;
	[tilespmem:$0x1AC40] =	vst v63  }
0x4e: {  	_ = 	snop  }
0x4f: {  	[spmem:s3] =	stream.indirect.scatter.add.f32 [tilespmem:s19], [sflag:$0x2], $0x10, s18, s20, $0xb8;
	[tilespmem:$0x1AC40] =	vst v63  }
0x50: {  	_ =	swait.ge [sflag:s23], $0x2000  }
0x51: {  	[sflag:s23] =	ssyncset.done $0x0  }
0x52: {  	[sflag:s23] =	ssyncadd.s32 $0xFFFFE000  }
0x53: {  	_ =	swait.ge [sflag:s24], $0x2000  }
0x54: {  	[sflag:s24] =	ssyncset.done $0x0  }
0x55: {  	[sflag:s24] =	ssyncadd.s32 $0xFFFFE000  }
0x56: {  	_ =	swait.ge [sflag:s24], $0x800  }
0x57: {  	[sflag:s24] =	ssyncset.done $0x0  }
0x58: {  	s18 =	sadd.s32 $0x100, s0;
	[sflag:s24] =	ssyncadd.s32 $0xFFFFF800  }
0x59: {  	[tilespmem:s21], [sflag:$0x1] =	stream.indirect.gather [hbm4b:s5+s20], $0x40, s18, s20, $0xb8;
	[tilespmem:$0x1AC40] =	vst v63  }
0x5a: {  	s18 =	sadd.s32 $0x4EA0, s0  }
0x5b: {  	[spmem:s2] =	stream.indirect.scatter.add.f32 [tilespmem:s22], [sflag:$0x2], $0x40, s18, s20, $0xb8;
	[tilespmem:$0x1AC40] =	vst v63  }
0x5c: {  	_ = 	snop  }
0x5d: {  	[spmem:s3] =	stream.indirect.scatter.add.f32 [tilespmem:s19], [sflag:$0x2], $0x10, s18, s20, $0xb8;
	[tilespmem:$0x1AC40] =	vst v63  }
0x5e: {  	_ =	swait.ge [sflag:s24], $0x2000  }
.Ltmp0:
0x5f: {  	[sflag:s24] =	ssyncset.done $0x0;
	(pc) =	sbr.rel @p0 .LBB2_2-.Ltmp0, $4  }
0x60: {  	[sflag:s24] =	ssyncadd.s32 $0xFFFFE000  }
0x61: {  	_ =	swait.ge [sflag:s24], $0x800  }
0x62: {  	[sflag:s24] =	ssyncset.done $0x0  }
0x63: {  	s0 =	sadd.s32 $0x180, s0;
	[sflag:s24] =	ssyncadd.s32 $0xFFFFF800  }
0x64: {  	[tilespmem:s22], [sflag:$0x1] =	stream.indirect.gather [hbm4b:s5+s20], $0x40, s0, s20, $0xb8;
	[tilespmem:$0x1AC40] =	vst v63  }
0x65: {  	_ =	swait.ge [sflag:s23], $0x2000  }
0x66: {  	[sflag:s23] =	ssyncset.done $0x0  }
0x67: {  	[sflag:s23] =	ssyncadd.s32 $0xFFFFE000  }
0x68: {  	[spmem:s2] =	stream.indirect.scatter.add.f32 [tilespmem:s21], [sflag:$0x2], $0x40, s25, s20, $0xb8;
	[tilespmem:$0x1AC40] =	vst v63  }
0x69: {  	_ = 	snop  }
0x6a: {  	[spmem:s3] =	stream.indirect.scatter.add.f32 [tilespmem:s19], [sflag:$0x2], $0x10, s25, s20, $0xb8;
	[tilespmem:$0x1AC40] =	vst v63  }
0x6b: {  	_ =	swait.ge [sflag:s23], $0x2000  }
0x6c: {  	[sflag:s23] =	ssyncset.done $0x0  }
0x6d: {  	[sflag:s23] =	ssyncadd.s32 $0xFFFFE000  }
0x6e: {  	_ =	swait.ge [sflag:s24], $0x2000  }
0x6f: {  	[sflag:s24] =	ssyncset.done $0x0  }
0x70: {  	[sflag:s24] =	ssyncadd.s32 $0xFFFFE000  }
0x71: {  	_ =	swait.ge [sflag:s24], $0x800  }
0x72: {  	[sflag:s24] =	ssyncset.done $0x0  }
0x73: {  	[sflag:s24] =	ssyncadd.s32 $0xFFFFF800  }
0x74: {  	[spmem:s2] =	stream.indirect.scatter.add.f32 [tilespmem:s22], [sflag:$0x2], $0x40, s26, s20, $0xb8;
	[tilespmem:$0x1AC40] =	vst v63  }
0x75: {  	_ = 	snop  }
0x76: {  	[spmem:s3] =	stream.indirect.scatter.add.f32 [tilespmem:s19], [sflag:$0x2], $0x10, s26, s20, $0xb8;
	[tilespmem:$0x1AC40] =	vst v63  }
0x77: {  	_ =	swait.ge [sflag:s24], $0x2000  }
0x78: {  	[sflag:s24] =	ssyncset.done $0x0  }
0x79: {  	[sflag:s24] =	ssyncadd.s32 $0xFFFFE000  }
0x7a: {  	_ =	swait.ge [sflag:s24], $0x800  }
0x7b: {  	[sflag:s24] =	ssyncset.done $0x0  }
0x7c: {  	[sflag:s24] =	ssyncadd.s32 $0xFFFFF800  }
0x7d: {  	[tilespmem:s21], [sflag:$0x1] =	stream.indirect.gather [hbm4b:s5+s28], $0x40, s29, s28, $0xb8;
	[tilespmem:$0x1AC40] =	vst v63  }
0x7e: {  	_ =	swait.ge [sflag:s23], $0x800  }
0x7f: {  	[sflag:s23] =	ssyncset.done $0x0  }
0x80: {  	[sflag:s23] =	ssyncadd.s32 $0xFFFFF800  }
0x81: {  	[spmem:s2] =	stream.indirect.scatter.add.f32 [tilespmem:s21], [sflag:$0x2], $0x40, s30, s28, $0xb8;
	[tilespmem:$0x1AC40] =	vst v63  }
0x82: {  	_ = 	snop  }
0x83: {  	[spmem:s3] =	stream.indirect.scatter.add.f32 [tilespmem:s19], [sflag:$0x2], $0x10, s30, s28, $0xb8;
	[tilespmem:$0x1AC40] =	vst v63  }
0x84: {  	_ =	swait.ge [sflag:s24], $0x200  }
0x85: {  	[sflag:s24] =	ssyncset.done $0x0  }
0x86: {  	[sflag:s24] =	ssyncadd.s32 $0xFFFFFE00  }
0x87: {  	_ =	swait.ge [sflag:s24], $0x800  }
0x88: {  	[sflag:s24] =	ssyncset.done $0x0  }
0x89: {  	[sflag:s24] =	ssyncadd.s32 $0xFFFFF800  }
0x8a: {  	[bflag:$0x0] =	sbarrier.arrive $0xFFFF  }
0x8b: {  	[hbm:s12], [sflag:s8] =	dma.local [spmem:s15], $0x1400  }
0x8c: {  	s31 =	sadd.s32 $0x1, s31;
	_ =	swait.ge [sflag:s16], $0x1400  }
0x8d: {  	p0 =	sne.s32 s31, s14;
	[sflag:s16] =	ssyncset.done $0x0  }
.Ltmp1:
0x8e: {  	[sflag:s16] =	ssyncadd.s32 $0xFFFFEC00;
	(pc) =	sbr.rel @p0 .LBB2_1-.Ltmp1, $4  }
0x8f: {  	[hbm:s13], [sflag:s8] =	dma.local [spmem:s17], $0x500  }
0x90: {  	_ =	swait.ge [sflag:s16], $0x500  }
0x91: {  	[sflag:s16] =	ssyncset.done $0x0  }
0x92: {  	[sflag:s16] =	ssyncadd.s32 $0xFFFFFB00  }
0x93: {  	_ =	sfence.sel $0x180000  }
0x94: {  	[bflag:$0x0] =	sbarrier.arrive $0xFFFF  }
0x95: {  	_ =	strace $0x90000047  }
0x96: {  	s0 =	stileid.u32;
	[bflag:$0x2] =	sbarrier.arrive $0xFFFF  }
0x97: {  	p0 =	sne.s32 s0, $0x0;
	s0 =	rddreg [dreg:$0x3]  }
0x98: {  	s0 =	sadd.s32 @!p0 $0x100000, s0  }
0x99: {  	[sflag:s0] =	ssyncadd.tile.s32 @!p0 $0x1;
	_ =	shalt  }
.Lfunc_end2:
_tile_overlayer_lowered:
.L_overlay_start_2:
0x9a: {  	(tag) =	ssettag $0x2  }
0x9b: {  	s0 =	rddreg [dreg:$0x0];
	s2 =	stileid.u32  }
0x9c: {  	s1 =	rddreg [dreg:$0x1];
	p0 =	sne.s32 s2, $0x0  }
0x9d: {  	s3 =	rddreg [dreg:$0x2];
	[bflag:$0x3] =	sbarrier.arrive $0xFFFF;
	s2 =	simm.s32 @!p0 $0x1C03  }
0x9e: {  	[timem:s3], [sflag:s2] =	dma.local @!p0 [hbm:s0], s1  }
0x9f: {  	s0 =	simm.s32 @!p0 $0x3  }
0xa0: {  	_ =	swait.ge @!p0 [sflag:s0], s1  }
0xa1: {  	s1 =	ssub.s32 @!p0 $0x0, s1;
	[sflag:s0] =	ssyncset.done @!p0 $0x0  }
0xa2: {  	[sflag:s0] =	ssyncadd.s32 @!p0 s1  }
0xa3: {  	[bflag:$0x3] =	sbarrier.arrive $0xFFFF  }
0xa4: {  	_ =	shalt  }

// kernel: kernel.14.cloned.1.call-start
scs
__scs_entry_jumppad:
0x0: {  	(pc) =	sbr.rel $0x88, $3  }
0x1: {  	(tag) =	ssettag $0x0;
	lr =	simm.s32 $0x1  }
0x2: {  	[smem:$0x3F98] =	sst lr;
	_ =	strace $0xD0000000  }
0x3: {  	_ = 	snop  }
0x4: {  	_ = 	snop  }
0x5: {  	_ = 	snop  }
0x6: {  	_ = 	snop  }
0x7: {  	_ = 	snop  }
__scs_overlays_trampoline_lowered:
0x8: {  	[smem:$0x3FA7] =	sst s0  }
0x9: {  	[smem:$0x3FA8] =	sst s1  }
0xa: {  	[smem:$0x3FA9] =	sst s2  }
0xb: {  	[smem:$0x3FAA] =	sst s3  }
0xc: {  	[smem:$0x3FAB] =	sst s4  }
0xd: {  	[smem:$0x3FAC] =	sst s5  }
0xe: {  	[smem:$0x3FAD] =	sst s6  }
0xf: {  	[smem:$0x3FAE] =	sst s7  }
0x10: {  	[smem:$0x3FAF] =	sst s8  }
0x11: {  	[smem:$0x3FB0] =	sst s9;
	s0 =	simm.s32 @!p0 $0x0  }
0x12: {  	s1 =	sld [smem:$0x3F96];
	s0 =	simm.s32 @p0 $0x1  }
0x13: {  	[smem:$0x3FB1] =	sst s0;
	s0 =	simm.s32 @!p1 $0x0  }
0x14: {  	s2 =	sld [smem:$0x3F95];
	s0 =	simm.s32 @p1 $0x1  }
0x15: {  	[smem:$0x3FB2] =	sst s0;
	s0 =	simm.s32 @!p2 $0x0  }
0x16: {  	s3 =	sld [smem:$0x3FDB];
	s0 =	simm.s32 @p2 $0x1  }
0x17: {  	s4 =	simm.s32 $0x1BF5;
	[smem:$0x3FB4] =	sst s0  }
0x18: {  	s0 =	sld [smem:$0x3F97];
	_ =	swait.ge [sflag:s4], $0x0  }
0x19: {  	s7 =	sld [smem:$0x3F98]  }
0x1a: {  	s8 =	sadd.s32 $0xFFFFE003, lr  }
0x1b: {  	s9 =	sadd.s32 $0xFFFFFEF7, lr;
	s5 =	simm.s32 $0xFFFFFFFF;
	p2 =	slt.u32 s8, $0xFFFFF086  }
0x1c: {  	p1 =	slt.u32 s9, $0xF7A;
	s5 =	simm.s32 @!p2 $0x0  }
0x1d: {  	s5 =	simm.s32 @p1 $0x1;
	p0 =	seq.s32 s7, s2  }
0x1e: {  	s7 =	smul.u32 @!p0 $0xF7A, s2;
	p2 =	seq.s32 @!p0 s5, $0x0  }
0x1f: {  	s9 =	smul.u32 $0xF7A, s1;
	s8 =	simm.s32 @!p0 $0x1BF5;
	p2 =	por !p2, p0  }
0x20: {  	[sflag:s8] =	ssyncset.s32 @!p0 $0xFFFFF086;
	s6 =	sadd.s32 @!p0 s3, s7;
	s7 =	simm.s32 @!p0 $0x108  }
0x21: {  	s3 =	sadd.s32 s3, s9;
	s6 =	sadd.s32 @!p0 $0x88, s6;
	s7 =	simm.s32 @p2 $0x1082  }
0x22: {  	[simem:s7], [sflag:s8] =	dma.local @!p0 [hbm:s6], $0xF7A  }
0x23: {  	s9 =	sor.u32 $0xD0000000, s2;
	s6 =	simm.s32 $0x108;
	_ =	swait.ge @!p0 [sflag:s8], $0x0  }
0x24: {  	s3 =	sadd.s32 $0x88, s3;
	s6 =	simm.s32 @!p1 $0x1082;
	[sflag:s4] =	ssyncset.s32 $0xFFFFF086  }
0x25: {  	[simem:s6], [sflag:s4] =	dma.local [hbm:s3], $0xF7A  }
0x26: {  	[smem:$0x3F98] =	sst s1;
	(tag) =	ssettag s2;
	_ =	strace s9  }
0x27: {  	s1 =	sld [smem:$0x3FA8]  }
0x28: {  	s2 =	sld [smem:$0x3FA9]  }
0x29: {  	s4 =	sld [smem:$0x3FAB]  }
0x2a: {  	p0 =	seq.s32 s5, $0x0;
	s5 =	sld [smem:$0x3FAC]  }
0x2b: {  	s6 =	sld [smem:$0x3FAD]  }
0x2c: {  	s7 =	sld [smem:$0x3FAE]  }
0x2d: {  	s3 =	simm.s32 $0x108;
	s8 =	sld [smem:$0x3FAF]  }
0x2e: {  	s3 =	simm.s32 @!p0 $0x1082;
	s9 =	sld [smem:$0x3FB0]  }
0x2f: {  	lr =	sadd.s32 s0, s3;
	s0 =	sld [smem:$0x3FA7]  }
0x30: {  	s3 =	sld [smem:$0x3FAA]  }
0x31: {  	[smem:$0x3FB3] =	sst s10  }
0x32: {  	s10 =	sld [smem:$0x3FB1];
	_ =	sdelay $0x3  }
0x33: {  	p0 =	seq.s32 s10, $0x1;
	s10 =	sld [smem:$0x3FB3];
	_ =	sdelay $0x3  }
0x34: {  	[smem:$0x3FB3] =	sst s10  }
0x35: {  	s10 =	sld [smem:$0x3FB2];
	_ =	sdelay $0x3  }
0x36: {  	p1 =	seq.s32 s10, $0x1;
	s10 =	sld [smem:$0x3FB3];
	_ =	sdelay $0x3  }
0x37: {  	[smem:$0x3FB3] =	sst s10  }
0x38: {  	s10 =	sld [smem:$0x3FB4]  }
0x39: {  	_ = 	snop;
	(pc) =	sbr.ind lr, $3  }
0x3a: {  	_ = 	snop  }
0x3b: {  	_ = 	snop  }
0x3c: {  	p2 =	seq.s32 s10, $0x1;
	s10 =	sld [smem:$0x3FB3]  }
0x3d: {  	_ =	shalt  }
0x3e: {  	_ =	shalt  }
0x3f: {  	_ =	shalt  }
0x40: {  	_ =	shalt  }
0x41: {  	_ =	shalt  }
0x42: {  	_ =	shalt  }
0x43: {  	_ =	shalt  }
0x44: {  	_ =	shalt  }
0x45: {  	_ =	shalt  }
0x46: {  	_ =	shalt  }
0x47: {  	_ =	shalt  }
0x48: {  	_ =	shalt  }
0x49: {  	_ =	shalt  }
0x4a: {  	_ =	shalt  }
0x4b: {  	_ =	shalt  }
0x4c: {  	_ =	shalt  }
0x4d: {  	_ =	shalt  }
0x4e: {  	_ =	shalt  }
0x4f: {  	_ =	shalt  }
0x50: {  	_ =	shalt  }
0x51: {  	_ =	shalt  }
0x52: {  	_ =	shalt  }
0x53: {  	_ =	shalt  }
0x54: {  	_ =	shalt  }
0x55: {  	_ =	shalt  }
0x56: {  	_ =	shalt  }
0x57: {  	_ =	shalt  }
0x58: {  	_ =	shalt  }
0x59: {  	_ =	shalt  }
0x5a: {  	_ =	shalt  }
0x5b: {  	_ =	shalt  }
0x5c: {  	_ =	shalt  }
0x5d: {  	_ =	shalt  }
0x5e: {  	_ =	shalt  }
0x5f: {  	_ =	shalt  }
0x60: {  	_ =	shalt  }
0x61: {  	_ =	shalt  }
0x62: {  	_ =	shalt  }
0x63: {  	_ =	shalt  }
0x64: {  	_ =	shalt  }
0x65: {  	_ =	shalt  }
0x66: {  	_ =	shalt  }
0x67: {  	_ =	shalt  }
0x68: {  	_ =	shalt  }
0x69: {  	_ =	shalt  }
0x6a: {  	_ =	shalt  }
0x6b: {  	_ =	shalt  }
0x6c: {  	_ =	shalt  }
0x6d: {  	_ =	shalt  }
0x6e: {  	_ =	shalt  }
0x6f: {  	_ =	shalt  }
0x70: {  	_ =	shalt  }
0x71: {  	_ =	shalt  }
0x72: {  	_ =	shalt  }
0x73: {  	_ =	shalt  }
0x74: {  	_ =	shalt  }
0x75: {  	_ =	shalt  }
0x76: {  	_ =	shalt  }
0x77: {  	_ =	shalt  }
0x78: {  	_ =	shalt  }
0x79: {  	_ =	shalt  }
0x7a: {  	_ =	shalt  }
0x7b: {  	_ =	shalt  }
0x7c: {  	_ =	shalt  }
0x7d: {  	_ =	shalt  }
0x7e: {  	_ =	shalt  }
0x7f: {  	_ =	shalt  }
0x80: {  	_ =	shalt  }
0x81: {  	_ =	shalt  }
0x82: {  	_ =	shalt  }
0x83: {  	_ =	shalt  }
0x84: {  	_ =	shalt  }
0x85: {  	_ =	shalt  }
0x86: {  	_ =	shalt  }
0x87: {  	_ =	shalt  }
.Lfunc_end0:
.L_simem_size_0:
called_computation.2_lowered:
.L_overlay_start_0:
0x88: {  	s2 =	sld [smem:$0x3FD9]  }
0x89: {  	s3 =	sld [smem:$0x3FFE];
	_ =	sdelay $0x1  }
0x8a: {  	s1 =	srdreg.scid  }
0x8b: {  	s0 =	sand.u32 $0x1, s1  }
0x8c: {  	s17 =	sshll.u32 s0, $0xA;
	s2 =	sadd.s32 s3, s2  }
0x8d: {  	s2 =	sadd.s32 s2, s17  }
0x8e: {  	[smem:$0x3FBF] =	sst s2  }
0x8f: {  	_ = 	snop  }
0x90: {  	(tm) =	ssettm $0x1  }
0x91: {  	s18 =	sld [smem:$0x3FFB];
	_ =	sdelay $0x3  }
0x92: {  	_ =	strace s18  }
0x93: {  	s2 =	sld [smem:$0x3FFC];
	_ =	sdelay $0x3  }
0x94: {  	_ =	strace s2  }
0x95: {  	s2 =	sld [smem:$0x3FFD];
	_ =	sdelay $0x3  }
0x96: {  	_ =	strace s2  }
0x97: {  	_ =	strace $0x8FFFFFFF  }
0x98: {  	s19 =	sld [smem:$0x3FDB];
	_ =	sdelay $0x1  }
0x99: {  	s20 =	simm.s32 $_scs_section_size  }
0x9a: {  	s4 =	simm.s32 $_size__tile_overlayer_lowered;
	s5 =	simm.s32 $_tile_overlayer_lowered  }
0x9b: {  	s6 =	simm.s32 $0x1BFF;
	s21 =	sshll.u32 s5, $0x1;
	s3 =	sadd.s32 s20, s19  }
0x9c: {  	s22 =	simm.s32 $0x0;
	s4 =	sshll.u32 s4, $0x1;
	s5 =	sadd.s32 s21, s3  }
0x9d: {  	[timem:s22], [sflag:s6] =	dma.local [hbm:s5], s4  }
0x9e: {  	_ =	swait.ge [sflag:s6], s4  }
0x9f: {  	s4 =	ssub.s32 $0x0, s4;
	[sflag:s6] =	ssyncset.done $0x0  }
0xa0: {  	[sflag:s6] =	ssyncadd.s32 s4;
	_ =	sdelay $0x1  }
0xa1: {  	s23 =	simm.s32 $0x1B8B  }
0xa2: {  	_ =	swait.ge [sflag:s23], $0x1  }
0xa3: {  	[sflag:s23] =	ssyncset.done $0x0  }
0xa4: {  	[sflag:s23] =	ssyncadd.s32 $0xFFFFFFFF  }
0xa5: {  	s4 =	sld [smem:$0x0]  }
0xa6: {  	s5 =	sand.u32 $0xFFFFFFFE, s1  }
0xa7: {  	p0 =	sne.s32 s1, s5  }
0xa8: {  	s5 =	sshll.u32 @p0 s5, $0xE  }
0xa9: {  	s5 =	sadd.s32 @p0 $0x11B8D, s5;
	s6 =	sshll.u32 @p0 s4, $0x11  }
0xaa: {  	s5 =	sor.u32 @p0 s6, s5  }
0xab: {  	[sflag:s5] =	ssyncadd.remote.s32 @p0 $0x1;
	_ =	sdelay $0x1  }
0xac: {  	s5 =	simm.s32 @p0 $0x1B8D  }
0xad: {  	_ =	swait.eq @p0 [sflag:s5], $0x1  }
0xae: {  	[sflag:s5] =	ssyncadd.s32 @p0 $0xFFFFFFFF  }
0xaf: {  	s6 =	sshll.u32 @!p0 s1, $0xE  }
0xb0: {  	s6 =	sor.u32 @!p0 $0x4000, s6;
	s5 =	simm.s32 @!p0 $0x1B8D  }
0xb1: {  	s4 =	sshll.u32 @!p0 s4, $0x11;
	s6 =	sadd.s32 @!p0 $0x11B8D, s6;
	_ =	swait.eq @!p0 [sflag:s5], $0x1  }
0xb2: {  	s4 =	sor.u32 @!p0 s4, s6;
	[sflag:s5] =	ssyncadd.s32 @!p0 $0xFFFFFFFF  }
0xb3: {  	s25 =	simm.s32 $0x1B8E;
	s24 =	sld [smem:$0x3FFE];
	[sflag:s4] =	ssyncadd.remote.s32 @!p0 $0x1  }
0xb4: {  	s26 =	simm.s32 $execute0_lowered;
	[smem:$0x3FD2] =	sst s25  }
0xb5: {  	s5 =	sshll.u32 s26, $0x1;
	_ =	strace $0x8000004C;
	[dreg:$0x1] =	wrdreg $0xFFFFFFFF  }
0xb6: {  	s28 =	simm.s32 $_size_execute0_lowered;
	s3 =	sadd.s32 s3, s5;
	[dreg:$0x0] =	wrdreg $0x0  }
0xb7: {  	s5 =	sshll.u32 s28, $0x1;
	[dreg:$0x2] =	wrdreg s3  }
0xb8: {  	[dreg:$0x3] =	wrdreg s5  }
0xb9: {  	[dreg:$0x4] =	wrdreg $0xC0  }
0xba: {  	_ =	task [dreg:s22], $0x5FFFF  }
0xbb: {  	[dreg:$0x1] =	wrdreg $0xFFFFFFFF  }
0xbc: {  	[dreg:$0x0] =	wrdreg $0x60  }
0xbd: {  	[dreg:$0x2] =	wrdreg s24  }
0xbe: {  	[dreg:$0x3] =	wrdreg $0xDC400  }
0xbf: {  	[dreg:$0x4] =	wrdreg $0xA  }
0xc0: {  	_ =	task.clear_ibuf [dreg:s22], $0x5FFFF;
	_ =	strace $0x9000004C  }
0xc1: {  	s29 =	simm.s32 $0xA;
	_ =	strace $0x8000004E  }
0xc2: {  	_ =	swait.ge [sflag:s29], $0x1  }
0xc3: {  	[sflag:s29] =	ssyncadd.s32 $0xFFFFFFFF  }
0xc4: {  	_ =	strace $0x9000004E  }
0xc5: {  	_ =	sfence  }
0xc6: {  	s30 =	sld [smem:$0x0];
	_ =	sdelay $0x2  }
0xc7: {  	s31 =	sshll.u32 s1, $0xD;
	s1 =	sshrl.u32 s1, $0x2  }
0xc8: {  	s4 =	sand.u32 $0x4000, s31;
	s1 =	sadd.s32 s1, s30  }
0xc9: {  	s0 =	sor.u32 s4, s0;
	s1 =	sshll.u32 s1, $0x11  }
0xca: {  	s0 =	sor.u32 s1, s0  }
0xcb: {  	s0 =	sadd.s32 $0x8F2B, s0  }
0xcc: {  	[sflag:s0] =	ssyncadd.remote.s32 $0x1  }
0xcd: {  	_ =	sfence.sel $0xFFFF  }
0xce: {  	[dreg:$0x0] =	wrdreg $0xFFFFFFFF;
	(pc) =	sbr.abs _section_cstart, $3  }
0xcf: {  	[dreg:$0x1] =	wrdreg $0xFFFFFFFF  }
0xd0: {  	_ =	task.clear_ibuf [dreg:s22], $0x2FFFF;
	_ =	strace $0x9FFFFFFF  }
0xd1: {  	(tm) =	ssettm $0x7FFFFFFF  }
tec
execute0_lowered:
.L_overlay_start_1:
0x0: {  	(tag) =	ssettag $0x1  }
0x1: {  	s1 =	srdreg.scid;
	s6 =	rddreg [dreg:$0x0]  }
0x2: {  	s0 =	stileid.u32;
	s2 =	rddreg [dreg:$0x1];
	s3 =	simm.s32 $0x0  }
0x3: {  	s14 =	simm.s32 $0x80;
	s15 =	simm.s32 $0x9C40;
	s16 =	simm.s32 $0xBC40  }
0x4: {  	s17 =	simm.s32 $0x1;
	s18 =	simm.s32 $0x2;
	s19 =	simm.s32 $0x9B20  }
0x5: {  	s20 =	simm.s32 $0x9BA0;
	s21 =	simm.s32 $0x20;
	s22 =	simm.s32 $0x4E00  }
0x6: {  	s23 =	simm.s32 $0x9C20;
	s24 =	simm.s32 $0x0;
	s5 =	sand.u32 $0x1, s1  }
0x7: {  	s30 =	sshll.u32 s0, $0x1;
	s7 =	smul.u32 $0xA000, s0;
	[smem:$0x7FF] =	sst s3  }
0x8: {  	s31 =	sshll.u32 s0, $0x6;
	s1 =	sor.u32 s5, s30;
	s8 =	smul.u32 $0xA0000, s5  }
0x9: {  	s5 =	ssub.s32 $0x2, s5;
	s4 =	smul.u32 $0x4E20, s1;
	s1 =	rddreg [dreg:$0x2]  }
0xa: {  	_ =	strace $0x8000004D;
	s10 =	sshrl.u32 s7, $0x3;
	s11 =	sshrl.u32 s5, $0x1  }
0xb: {  	s13 =	sadd.s32 s7, s2;
	s8 =	sadd.s32 s7, s8;
	s10 =	sadd.s32 s10, s6  }
0xc: {  	s11 =	ssub.s32 s5, s11;
	s4 =	sshrl.u32 s4, $0x3;
	s8 =	sshrl.u32 s8, $0x3  }
0xd: {  	s5 =	sadd.s32 $0x3F200, s10;
	s10 =	smax.u32 s11, $0x1;
	s11 =	sshrl.u32 s13, $0x3  }
0xe: {  	s13 =	simm.s32 $0x4E20;
	s9 =	sadd.s32 s4, s6;
	s4 =	sadd.s32 $0x2B800, s6  }
0xf: {  	s12 =	sadd.s32 s8, s6;
	s6 =	sor.u32 $0x1C03, s31;
	s7 =	sadd.s32 $0x4600, s9  }
0x10: {  	s8 =	sadd.s32 $0x17E80, s9;
	s9 =	sadd.s32 $0x53200, s12;
	s12 =	simm.s32 $0x3  }
.LBB2_1:
0x11: {  	[spmem:s11], [sflag:s6] =	dma.local [hbm:s5], $0x1400  }
0x12: {  	_ =	swait.ge [sflag:s12], $0x1400  }
0x13: {  	[sflag:s12] =	ssyncset.done $0x0  }
0x14: {  	[sflag:s12] =	ssyncadd.s32 $0xFFFFEC00  }
0x15: {  	[tilespmem:s3], [sflag:$0x3] =	stream.linear.gather [hbm4b:s7+s3], $0x4E20, $0x38;
	[tilespmem:$0x17C40] =	vst v63  }
0x16: {  	_ =	swait.ge [sflag:s12], $0x4E20  }
0x17: {  	[sflag:s12] =	ssyncset.done $0x0  }
0x18: {  	[sflag:s12] =	ssyncadd.s32 $0xFFFFB1E0  }
0x19: {  	[tilespmem:s13], [sflag:$0x3] =	stream.linear.gather [hbm4b:s8+s3], $0x4E20, $0x38;
	[tilespmem:$0x17C40] =	vst v63  }
0x1a: {  	_ =	swait.ge [sflag:s12], $0x4E20  }
0x1b: {  	[sflag:s12] =	ssyncset.done $0x0  }
0x1c: {  	[sflag:s12] =	ssyncadd.s32 $0xFFFFB1E0  }
0x1d: {  	[bflag:$0x0] =	sbarrier.arrive $0xFFFF  }
0x1e: {  	[tilespmem:s15], [sflag:$0x1] =	stream.indirect.gather [hbm4b:s4+s14], $0x40, s3, s14, $0xb8;
	[tilespmem:$0x17C40] =	vst v63  }
0x1f: {  	_ = 	snop  }
0x20: {  	[tilespmem:s16], [sflag:$0x1] =	stream.indirect.gather [hbm4b:s4+s14], $0x40, s14, s14, $0xb8;
	[tilespmem:$0x17C40] =	vst v63  }
0x21: {  	_ =	swait.ge [sflag:s17], $0x2000  }
0x22: {  	[sflag:s17] =	ssyncset.done $0x0  }
0x23: {  	s25 =	simm.s32 $0x4E20;
	[sflag:s17] =	ssyncadd.s32 $0xFFFFE000  }
0x24: {  	[spmem:s2] =	stream.indirect.scatter.add.f32 [tilespmem:s15], [sflag:$0x2], $0x40, s25, s14, $0xb8;
	[tilespmem:$0x17C40] =	vst v63  }
0x25: {  	_ =	swait.ge [sflag:s17], $0x2000  }
0x26: {  	[sflag:s17] =	ssyncset.done $0x0  }
0x27: {  	[sflag:s17] =	ssyncadd.s32 $0xFFFFE000  }
0x28: {  	_ =	swait.ge [sflag:s18], $0x2000  }
0x29: {  	[sflag:s18] =	ssyncset.done $0x0  }
0x2a: {  	s30 =	simm.s32 $0x100;
	[sflag:s18] =	ssyncadd.s32 $0xFFFFE000  }
0x2b: {  	[tilespmem:s15], [sflag:$0x1] =	stream.indirect.gather [hbm4b:s4+s14], $0x40, s30, s14, $0xb8;
	[tilespmem:$0x17C40] =	vst v63  }
0x2c: {  	s31 =	simm.s32 $0x4EA0  }
0x2d: {  	[spmem:s2] =	stream.indirect.scatter.add.f32 [tilespmem:s16], [sflag:$0x2], $0x40, s31, s14, $0xb8;
	[tilespmem:$0x17C40] =	vst v63  }
0x2e: {  	_ =	swait.ge [sflag:s18], $0x2000  }
0x2f: {  	[sflag:s18] =	ssyncset.done $0x0  }
0x30: {  	s26 =	simm.s32 $0x180;
	s25 =	simm.s32 $0x400;
	[sflag:s18] =	ssyncadd.s32 $0xFFFFE000  }
.LBB2_2:
0x31: {  	[tilespmem:s16], [sflag:$0x1] =	stream.indirect.gather [hbm4b:s4+s14], $0x40, s26, s14, $0xb8;
	[tilespmem:$0x17C40] =	vst v63  }
0x32: {  	s26 =	smov.u32 s25  }
0x33: {  	p0 =	sne.s32 s25, $0x13000;
	s25 =	sadd.s32 $0x400, s25;
	_ =	swait.ge [sflag:s17], $0x2000  }
0x34: {  	s26 =	sshra.s32 s26, $0x2;
	[sflag:s17] =	ssyncset.done $0x0  }
0x35: {  	s28 =	sadd.s32 $0x4E20, s26;
	[sflag:s17] =	ssyncadd.s32 $0xFFFFE000  }
0x36: {  	[spmem:s2] =	stream.indirect.scatter.add.f32 [tilespmem:s15], [sflag:$0x2], $0x40, s28, s14, $0xb8;
	[tilespmem:$0x17C40] =	vst v63  }
0x37: {  	_ =	swait.ge [sflag:s17], $0x2000  }
0x38: {  	[sflag:s17] =	ssyncset.done $0x0  }
0x39: {  	[sflag:s17] =	ssyncadd.s32 $0xFFFFE000  }
0x3a: {  	_ =	swait.ge [sflag:s18], $0x2000  }
0x3b: {  	[sflag:s18] =	ssyncset.done $0x0  }
0x3c: {  	s28 =	sadd.s32 $0x100, s26;
	[sflag:s18] =	ssyncadd.s32 $0xFFFFE000  }
0x3d: {  	[tilespmem:s15], [sflag:$0x1] =	stream.indirect.gather [hbm4b:s4+s14], $0x40, s28, s14, $0xb8;
	[tilespmem:$0x17C40] =	vst v63  }
.Ltmp0:
0x3e: {  	s28 =	sadd.s32 $0x4EA0, s26;
	(pc) =	sbr.rel @p0 .LBB2_2-.Ltmp0, $4  }
0x3f: {  	[spmem:s2] =	stream.indirect.scatter.add.f32 [tilespmem:s16], [sflag:$0x2], $0x40, s28, s14, $0xb8;
	[tilespmem:$0x17C40] =	vst v63  }
0x40: {  	_ =	swait.ge [sflag:s18], $0x2000  }
0x41: {  	[sflag:s18] =	ssyncset.done $0x0  }
0x42: {  	s26 =	sadd.s32 $0x180, s26;
	[sflag:s18] =	ssyncadd.s32 $0xFFFFE000  }
0x43: {  	[tilespmem:s16], [sflag:$0x1] =	stream.indirect.gather [hbm4b:s4+s14], $0x40, s26, s14, $0xb8;
	[tilespmem:$0x17C40] =	vst v63  }
0x44: {  	_ =	swait.ge [sflag:s17], $0x2000  }
0x45: {  	[sflag:s17] =	ssyncset.done $0x0  }
0x46: {  	[sflag:s17] =	ssyncadd.s32 $0xFFFFE000  }
0x47: {  	[spmem:s2] =	stream.indirect.scatter.add.f32 [tilespmem:s15], [sflag:$0x2], $0x40, s19, s14, $0xb8;
	[tilespmem:$0x17C40] =	vst v63  }
0x48: {  	_ =	swait.ge [sflag:s17], $0x2000  }
0x49: {  	[sflag:s17] =	ssyncset.done $0x0  }
0x4a: {  	[sflag:s17] =	ssyncadd.s32 $0xFFFFE000  }
0x4b: {  	_ =	swait.ge [sflag:s18], $0x2000  }
0x4c: {  	[sflag:s18] =	ssyncset.done $0x0  }
0x4d: {  	[sflag:s18] =	ssyncadd.s32 $0xFFFFE000  }
0x4e: {  	[spmem:s2] =	stream.indirect.scatter.add.f32 [tilespmem:s16], [sflag:$0x2], $0x40, s20, s14, $0xb8;
	[tilespmem:$0x17C40] =	vst v63  }
0x4f: {  	_ =	swait.ge [sflag:s18], $0x2000  }
0x50: {  	[sflag:s18] =	ssyncset.done $0x0  }
0x51: {  	[sflag:s18] =	ssyncadd.s32 $0xFFFFE000  }
0x52: {  	[tilespmem:s15], [sflag:$0x1] =	stream.indirect.gather [hbm4b:s4+s21], $0x40, s22, s21, $0xb8;
	[tilespmem:$0x17C40] =	vst v63  }
0x53: {  	_ =	swait.ge [sflag:s17], $0x800  }
0x54: {  	[sflag:s17] =	ssyncset.done $0x0  }
0x55: {  	[sflag:s17] =	ssyncadd.s32 $0xFFFFF800  }
0x56: {  	[spmem:s2] =	stream.indirect.scatter.add.f32 [tilespmem:s15], [sflag:$0x2], $0x40, s23, s21, $0xb8;
	[tilespmem:$0x17C40] =	vst v63  }
0x57: {  	_ =	swait.ge [sflag:s18], $0x800  }
0x58: {  	s24 =	sadd.s32 $0x1, s24;
	[sflag:s18] =	ssyncset.done $0x0  }
0x59: {  	p0 =	sne.s32 s24, s10;
	[sflag:s18] =	ssyncadd.s32 $0xFFFFF800  }
.Ltmp1:
0x5a: {  	[bflag:$0x0] =	sbarrier.arrive $0xFFFF;
	(pc) =	sbr.rel @p0 .LBB2_1-.Ltmp1, $4  }
0x5b: {  	[hbm:s9], [sflag:s6] =	dma.local [spmem:s11], $0x1400  }
0x5c: {  	_ =	swait.ge [sflag:s12], $0x1400  }
0x5d: {  	[sflag:s12] =	ssyncset.done $0x0  }
0x5e: {  	[sflag:s12] =	ssyncadd.s32 $0xFFFFEC00  }
0x5f: {  	_ =	sfence.sel $0x180000  }
0x60: {  	[bflag:$0x0] =	sbarrier.arrive $0xFFFF  }
0x61: {  	p0 =	sne.s32 s0, $0x0;
	_ =	strace $0x9000004D  }
0x62: {  	s0 =	sadd.s32 @!p0 $0x100000, s1;
	[bflag:$0x2] =	sbarrier.arrive $0xFFFF  }
0x63: {  	[sflag:s0] =	ssyncadd.tile.s32 @!p0 $0x1;
	_ =	shalt  }
.Lfunc_end2:
_tile_overlayer_lowered:
.L_overlay_start_2:
0x64: {  	(tag) =	ssettag $0x2  }
0x65: {  	s0 =	rddreg [dreg:$0x0];
	s2 =	stileid.u32  }
0x66: {  	s1 =	rddreg [dreg:$0x1];
	p0 =	sne.s32 s2, $0x0  }
0x67: {  	s3 =	rddreg [dreg:$0x2];
	[bflag:$0x3] =	sbarrier.arrive $0xFFFF;
	s2 =	simm.s32 @!p0 $0x1C03  }
0x68: {  	[timem:s3], [sflag:s2] =	dma.local @!p0 [hbm:s0], s1  }
0x69: {  	s0 =	simm.s32 @!p0 $0x3  }
0x6a: {  	_ =	swait.ge @!p0 [sflag:s0], s1  }
0x6b: {  	s1 =	ssub.s32 @!p0 $0x0, s1;
	[sflag:s0] =	ssyncset.done @!p0 $0x0  }
0x6c: {  	[sflag:s0] =	ssyncadd.s32 @!p0 s1  }
0x6d: {  	[bflag:$0x3] =	sbarrier.arrive $0xFFFF  }
0x6e: {  	_ =	shalt  }

// kernel: kernel.8.cloned.1.call-start
scs
__scs_entry_jumppad:
0x0: {  	(pc) =	sbr.rel $0x88, $3  }
0x1: {  	(tag) =	ssettag $0x0;
	lr =	simm.s32 $0x1  }
0x2: {  	[smem:$0x3F98] =	sst lr;
	_ =	strace $0xD0000000  }
0x3: {  	_ = 	snop  }
0x4: {  	_ = 	snop  }
0x5: {  	_ = 	snop  }
0x6: {  	_ = 	snop  }
0x7: {  	_ = 	snop  }
__scs_overlays_trampoline_lowered:
0x8: {  	[smem:$0x3FA7] =	sst s0  }
0x9: {  	[smem:$0x3FA8] =	sst s1  }
0xa: {  	[smem:$0x3FA9] =	sst s2  }
0xb: {  	[smem:$0x3FAA] =	sst s3  }
0xc: {  	[smem:$0x3FAB] =	sst s4  }
0xd: {  	[smem:$0x3FAC] =	sst s5  }
0xe: {  	[smem:$0x3FAD] =	sst s6  }
0xf: {  	[smem:$0x3FAE] =	sst s7  }
0x10: {  	[smem:$0x3FAF] =	sst s8  }
0x11: {  	[smem:$0x3FB0] =	sst s9;
	s0 =	simm.s32 @!p0 $0x0  }
0x12: {  	s1 =	sld [smem:$0x3F96];
	s0 =	simm.s32 @p0 $0x1  }
0x13: {  	[smem:$0x3FB1] =	sst s0;
	s0 =	simm.s32 @!p1 $0x0  }
0x14: {  	s2 =	sld [smem:$0x3F95];
	s0 =	simm.s32 @p1 $0x1  }
0x15: {  	[smem:$0x3FB2] =	sst s0;
	s0 =	simm.s32 @!p2 $0x0  }
0x16: {  	s3 =	sld [smem:$0x3FDB];
	s0 =	simm.s32 @p2 $0x1  }
0x17: {  	s4 =	simm.s32 $0x1BF5;
	[smem:$0x3FB4] =	sst s0  }
0x18: {  	s0 =	sld [smem:$0x3F97];
	_ =	swait.ge [sflag:s4], $0x0  }
0x19: {  	s7 =	sld [smem:$0x3F98]  }
0x1a: {  	s8 =	sadd.s32 $0xFFFFE003, lr  }
0x1b: {  	s9 =	sadd.s32 $0xFFFFFEF7, lr;
	s5 =	simm.s32 $0xFFFFFFFF;
	p2 =	slt.u32 s8, $0xFFFFF086  }
0x1c: {  	p1 =	slt.u32 s9, $0xF7A;
	s5 =	simm.s32 @!p2 $0x0  }
0x1d: {  	s5 =	simm.s32 @p1 $0x1;
	p0 =	seq.s32 s7, s2  }
0x1e: {  	s7 =	smul.u32 @!p0 $0xF7A, s2;
	p2 =	seq.s32 @!p0 s5, $0x0  }
0x1f: {  	s9 =	smul.u32 $0xF7A, s1;
	s8 =	simm.s32 @!p0 $0x1BF5;
	p2 =	por !p2, p0  }
0x20: {  	[sflag:s8] =	ssyncset.s32 @!p0 $0xFFFFF086;
	s6 =	sadd.s32 @!p0 s3, s7;
	s7 =	simm.s32 @!p0 $0x108  }
0x21: {  	s3 =	sadd.s32 s3, s9;
	s6 =	sadd.s32 @!p0 $0x88, s6;
	s7 =	simm.s32 @p2 $0x1082  }
0x22: {  	[simem:s7], [sflag:s8] =	dma.local @!p0 [hbm:s6], $0xF7A  }
0x23: {  	s9 =	sor.u32 $0xD0000000, s2;
	s6 =	simm.s32 $0x108;
	_ =	swait.ge @!p0 [sflag:s8], $0x0  }
0x24: {  	s3 =	sadd.s32 $0x88, s3;
	s6 =	simm.s32 @!p1 $0x1082;
	[sflag:s4] =	ssyncset.s32 $0xFFFFF086  }
0x25: {  	[simem:s6], [sflag:s4] =	dma.local [hbm:s3], $0xF7A  }
0x26: {  	[smem:$0x3F98] =	sst s1;
	(tag) =	ssettag s2;
	_ =	strace s9  }
0x27: {  	s1 =	sld [smem:$0x3FA8]  }
0x28: {  	s2 =	sld [smem:$0x3FA9]  }
0x29: {  	s4 =	sld [smem:$0x3FAB]  }
0x2a: {  	p0 =	seq.s32 s5, $0x0;
	s5 =	sld [smem:$0x3FAC]  }
0x2b: {  	s6 =	sld [smem:$0x3FAD]  }
0x2c: {  	s7 =	sld [smem:$0x3FAE]  }
0x2d: {  	s3 =	simm.s32 $0x108;
	s8 =	sld [smem:$0x3FAF]  }
0x2e: {  	s3 =	simm.s32 @!p0 $0x1082;
	s9 =	sld [smem:$0x3FB0]  }
0x2f: {  	lr =	sadd.s32 s0, s3;
	s0 =	sld [smem:$0x3FA7]  }
0x30: {  	s3 =	sld [smem:$0x3FAA]  }
0x31: {  	[smem:$0x3FB3] =	sst s10  }
0x32: {  	s10 =	sld [smem:$0x3FB1];
	_ =	sdelay $0x3  }
0x33: {  	p0 =	seq.s32 s10, $0x1;
	s10 =	sld [smem:$0x3FB3];
	_ =	sdelay $0x3  }
0x34: {  	[smem:$0x3FB3] =	sst s10  }
0x35: {  	s10 =	sld [smem:$0x3FB2];
	_ =	sdelay $0x3  }
0x36: {  	p1 =	seq.s32 s10, $0x1;
	s10 =	sld [smem:$0x3FB3];
	_ =	sdelay $0x3  }
0x37: {  	[smem:$0x3FB3] =	sst s10  }
0x38: {  	s10 =	sld [smem:$0x3FB4]  }
0x39: {  	_ = 	snop;
	(pc) =	sbr.ind lr, $3  }
0x3a: {  	_ = 	snop  }
0x3b: {  	_ = 	snop  }
0x3c: {  	p2 =	seq.s32 s10, $0x1;
	s10 =	sld [smem:$0x3FB3]  }
0x3d: {  	_ =	shalt  }
0x3e: {  	_ =	shalt  }
0x3f: {  	_ =	shalt  }
0x40: {  	_ =	shalt  }
0x41: {  	_ =	shalt  }
0x42: {  	_ =	shalt  }
0x43: {  	_ =	shalt  }
0x44: {  	_ =	shalt  }
0x45: {  	_ =	shalt  }
0x46: {  	_ =	shalt  }
0x47: {  	_ =	shalt  }
0x48: {  	_ =	shalt  }
0x49: {  	_ =	shalt  }
0x4a: {  	_ =	shalt  }
0x4b: {  	_ =	shalt  }
0x4c: {  	_ =	shalt  }
0x4d: {  	_ =	shalt  }
0x4e: {  	_ =	shalt  }
0x4f: {  	_ =	shalt  }
0x50: {  	_ =	shalt  }
0x51: {  	_ =	shalt  }
0x52: {  	_ =	shalt  }
0x53: {  	_ =	shalt  }
0x54: {  	_ =	shalt  }
0x55: {  	_ =	shalt  }
0x56: {  	_ =	shalt  }
0x57: {  	_ =	shalt  }
0x58: {  	_ =	shalt  }
0x59: {  	_ =	shalt  }
0x5a: {  	_ =	shalt  }
0x5b: {  	_ =	shalt  }
0x5c: {  	_ =	shalt  }
0x5d: {  	_ =	shalt  }
0x5e: {  	_ =	shalt  }
0x5f: {  	_ =	shalt  }
0x60: {  	_ =	shalt  }
0x61: {  	_ =	shalt  }
0x62: {  	_ =	shalt  }
0x63: {  	_ =	shalt  }
0x64: {  	_ =	shalt  }
0x65: {  	_ =	shalt  }
0x66: {  	_ =	shalt  }
0x67: {  	_ =	shalt  }
0x68: {  	_ =	shalt  }
0x69: {  	_ =	shalt  }
0x6a: {  	_ =	shalt  }
0x6b: {  	_ =	shalt  }
0x6c: {  	_ =	shalt  }
0x6d: {  	_ =	shalt  }
0x6e: {  	_ =	shalt  }
0x6f: {  	_ =	shalt  }
0x70: {  	_ =	shalt  }
0x71: {  	_ =	shalt  }
0x72: {  	_ =	shalt  }
0x73: {  	_ =	shalt  }
0x74: {  	_ =	shalt  }
0x75: {  	_ =	shalt  }
0x76: {  	_ =	shalt  }
0x77: {  	_ =	shalt  }
0x78: {  	_ =	shalt  }
0x79: {  	_ =	shalt  }
0x7a: {  	_ =	shalt  }
0x7b: {  	_ =	shalt  }
0x7c: {  	_ =	shalt  }
0x7d: {  	_ =	shalt  }
0x7e: {  	_ =	shalt  }
0x7f: {  	_ =	shalt  }
0x80: {  	_ =	shalt  }
0x81: {  	_ =	shalt  }
0x82: {  	_ =	shalt  }
0x83: {  	_ =	shalt  }
0x84: {  	_ =	shalt  }
0x85: {  	_ =	shalt  }
0x86: {  	_ =	shalt  }
0x87: {  	_ =	shalt  }
.Lfunc_end0:
.L_simem_size_0:
called_computation_lowered:
.L_overlay_start_0:
0x88: {  	s2 =	sld [smem:$0x3FD9]  }
0x89: {  	s3 =	sld [smem:$0x3FFE];
	_ =	sdelay $0x1  }
0x8a: {  	s1 =	srdreg.scid  }
0x8b: {  	s0 =	sand.u32 $0x1, s1  }
0x8c: {  	s17 =	sshll.u32 s0, $0xA;
	s2 =	sadd.s32 s3, s2  }
0x8d: {  	s2 =	sadd.s32 s2, s17  }
0x8e: {  	[smem:$0x3FBF] =	sst s2  }
0x8f: {  	_ = 	snop  }
0x90: {  	s18 =	sld [smem:$0x3FC9];
	(tm) =	ssettm $0x1  }
0x91: {  	s19 =	sld [smem:$0x3FFB];
	_ =	sdelay $0x3  }
0x92: {  	_ =	strace s19  }
0x93: {  	s2 =	sld [smem:$0x3FFC];
	_ =	sdelay $0x3  }
0x94: {  	_ =	strace s2  }
0x95: {  	s2 =	sld [smem:$0x3FFD];
	_ =	sdelay $0x3  }
0x96: {  	_ =	strace s2  }
0x97: {  	_ =	strace $0x8FFFFFFF  }
0x98: {  	s20 =	sld [smem:$0x3FDB];
	_ =	sdelay $0x1  }
0x99: {  	s4 =	simm.s32 $_scs_section_size  }
0x9a: {  	s5 =	simm.s32 $_size__tile_overlayer_lowered;
	s6 =	simm.s32 $_tile_overlayer_lowered  }
0x9b: {  	s7 =	simm.s32 $0x1BFF;
	s21 =	sshll.u32 s6, $0x1;
	s4 =	sadd.s32 s4, s20  }
0x9c: {  	s22 =	simm.s32 $0x0;
	s5 =	sshll.u32 s5, $0x1;
	s6 =	sadd.s32 s21, s4  }
0x9d: {  	[timem:s22], [sflag:s7] =	dma.local [hbm:s6], s5  }
0x9e: {  	_ =	swait.ge [sflag:s7], s5  }
0x9f: {  	s5 =	ssub.s32 $0x0, s5;
	[sflag:s7] =	ssyncset.done $0x0  }
0xa0: {  	[sflag:s7] =	ssyncadd.s32 s5;
	_ =	sdelay $0x1  }
0xa1: {  	s23 =	simm.s32 $0x1B8B  }
0xa2: {  	_ =	swait.ge [sflag:s23], $0x1  }
0xa3: {  	[sflag:s23] =	ssyncset.done $0x0  }
0xa4: {  	[sflag:s23] =	ssyncadd.s32 $0xFFFFFFFF  }
0xa5: {  	s5 =	sld [smem:$0x0]  }
0xa6: {  	s6 =	sand.u32 $0xFFFFFFFE, s1  }
0xa7: {  	p0 =	sne.s32 s1, s6  }
0xa8: {  	s6 =	sshll.u32 @p0 s6, $0xE  }
0xa9: {  	s6 =	sadd.s32 @p0 $0x11B8D, s6;
	s7 =	sshll.u32 @p0 s5, $0x11  }
0xaa: {  	s6 =	sor.u32 @p0 s7, s6  }
0xab: {  	[sflag:s6] =	ssyncadd.remote.s32 @p0 $0x1;
	_ =	sdelay $0x1  }
0xac: {  	s6 =	simm.s32 @p0 $0x1B8D  }
0xad: {  	_ =	swait.eq @p0 [sflag:s6], $0x1  }
0xae: {  	[sflag:s6] =	ssyncadd.s32 @p0 $0xFFFFFFFF  }
0xaf: {  	s7 =	sshll.u32 @!p0 s1, $0xE  }
0xb0: {  	s7 =	sor.u32 @!p0 $0x4000, s7;
	s6 =	simm.s32 @!p0 $0x1B8D  }
0xb1: {  	s5 =	sshll.u32 @!p0 s5, $0x11;
	s7 =	sadd.s32 @!p0 $0x11B8D, s7;
	_ =	swait.eq @!p0 [sflag:s6], $0x1  }
0xb2: {  	s5 =	sor.u32 @!p0 s5, s7;
	[sflag:s6] =	ssyncadd.s32 @!p0 $0xFFFFFFFF  }
0xb3: {  	s25 =	simm.s32 $0x1B8E;
	s24 =	sld [smem:$0x3FFE];
	[sflag:s5] =	ssyncadd.remote.s32 @!p0 $0x1  }
0xb4: {  	s26 =	simm.s32 $execute0_lowered;
	[smem:$0x3FD2] =	sst s25  }
0xb5: {  	s6 =	sshll.u32 s26, $0x1;
	_ =	strace $0x80000049;
	[dreg:$0x1] =	wrdreg $0xFFFFFFFF  }
0xb6: {  	s28 =	simm.s32 $_size_execute0_lowered;
	s4 =	sadd.s32 s4, s6;
	[dreg:$0x0] =	wrdreg $0x0  }
0xb7: {  	s6 =	sshll.u32 s28, $0x1;
	[dreg:$0x2] =	wrdreg s4  }
0xb8: {  	[dreg:$0x3] =	wrdreg s6  }
0xb9: {  	[dreg:$0x4] =	wrdreg $0xC0  }
0xba: {  	_ =	task [dreg:s22], $0x5FFFF  }
0xbb: {  	[dreg:$0x1] =	wrdreg $0xFFFFFFFF  }
0xbc: {  	[dreg:$0x0] =	wrdreg $0x60  }
0xbd: {  	[dreg:$0x2] =	wrdreg s18  }
0xbe: {  	[dreg:$0x3] =	wrdreg s24  }
0xbf: {  	[dreg:$0x4] =	wrdreg $0x9  }
0xc0: {  	_ =	task.clear_ibuf [dreg:s22], $0x5FFFF;
	_ =	strace $0x90000049  }
0xc1: {  	s29 =	simm.s32 $0x9;
	_ =	strace $0x8000004B  }
0xc2: {  	_ =	swait.ge [sflag:s29], $0x1  }
0xc3: {  	[sflag:s29] =	ssyncadd.s32 $0xFFFFFFFF  }
0xc4: {  	_ =	strace $0x9000004B  }
0xc5: {  	_ =	sfence  }
0xc6: {  	s30 =	sld [smem:$0x0];
	_ =	sdelay $0x2  }
0xc7: {  	s31 =	sshll.u32 s1, $0xD;
	s1 =	sshrl.u32 s1, $0x2  }
0xc8: {  	s4 =	sand.u32 $0x4000, s31;
	s1 =	sadd.s32 s1, s30  }
0xc9: {  	s0 =	sor.u32 s4, s0;
	s1 =	sshll.u32 s1, $0x11  }
0xca: {  	s0 =	sor.u32 s1, s0  }
0xcb: {  	s0 =	sadd.s32 $0x8F2B, s0  }
0xcc: {  	[sflag:s0] =	ssyncadd.remote.s32 $0x1  }
0xcd: {  	_ =	sfence.sel $0xFFFF  }
0xce: {  	[dreg:$0x0] =	wrdreg $0xFFFFFFFF;
	(pc) =	sbr.abs _section_cstart, $3  }
0xcf: {  	[dreg:$0x1] =	wrdreg $0xFFFFFFFF  }
0xd0: {  	_ =	task.clear_ibuf [dreg:s22], $0x2FFFF;
	_ =	strace $0x9FFFFFFF  }
0xd1: {  	(tm) =	ssettm $0x7FFFFFFF  }
tec
execute0_lowered:
.L_overlay_start_1:
0x0: {  	(tag) =	ssettag $0x1  }
0x1: {  	s1 =	srdreg.scid  }
0x2: {  	s3 =	rddreg [dreg:$0x0];
	s0 =	stileid.u32  }
0x3: {  	s8 =	rddreg [dreg:$0x1];
	s2 =	simm.s32 $0x0;
	s6 =	sand.u32 $0x1, s1  }
0x4: {  	s4 =	sshll.u32 s0, $0x6;
	s1 =	rddreg [dreg:$0x2];
	s5 =	sshll.u32 s6, $0x5  }
0x5: {  	s7 =	simm.s32 $0x1;
	[smem:$0x7FF] =	sst s2;
	s9 =	sor.u32 s5, s4  }
0x6: {  	_ =	strace $0x8000004A;
	s10 =	ssub.s32 $0x2, s6;
	s4 =	sshrl.u32 s9, $0x3  }
0x7: {  	s6 =	simm.s32 $0x20;
	s4 =	sadd.s32 s3, s4;
	s3 =	simm.s32 $0x2  }
0x8: {  	[tilespmem:s2], [sflag:$0x2] =	stream.linear.gather [hbm4b:s4+s2], $0x20, $0x38;
	[tilespmem:$0x820] =	vst v63  }
0x9: {  	s5 =	sadd.s32 $0x210E00, s8;
	s11 =	sshrl.u32 s10, $0x1;
	_ =	swait.ge [sflag:s3], $0x20  }
0xa: {  	s9 =	sshll.u32 s9, $0x3;
	s31 =	ssub.s32 s10, s11;
	[sflag:s3] =	ssyncset.done $0x0  }
0xb: {  	s8 =	sadd.s32 s9, s8;
	s9 =	smax.u32 s31, $0x1;
	[sflag:s3] =	ssyncadd.s32 $0xFFFFFFE0  }
0xc: {  	[tilespmem:s6], [sflag:$0x1] =	stream.indirect.gather [hbm4b:s5+s6], $0x40, s2, s6, $0xb8;
	[tilespmem:$0x820] =	vst v63  }
0xd: {  	p0 =	sne.s32 s9, $0x1;
	_ =	swait.ge [sflag:s7], $0x800  }
.Ltmp0:
0xe: {  	[sflag:s7] =	ssyncset.done $0x0;
	(pc) =	sbr.rel @!p0 .LBB2_2-.Ltmp0, $4  }
0xf: {  	s8 =	sadd.s32 $0x8A400, s8;
	[sflag:s7] =	ssyncadd.s32 $0xFFFFF800  }
0x10: {  	[hbm4b:s8+s2] =	stream.linear.scatter [tilespmem:s6], [sflag:$0x2], $0x800, $0x38;
	[tilespmem:$0x820] =	vst v63  }
0x11: {  	_ =	swait.ge [sflag:s3], $0x800  }
0x12: {  	s9 =	sadd.s32 $0xFFFFFFFF, s9;
	[sflag:s3] =	ssyncset.done $0x0  }
.LBB2_1:
0x13: {  	p0 =	sne.s32 s9, $0x1;
	s9 =	sadd.s32 $0xFFFFFFFF, s9;
	[sflag:s3] =	ssyncadd.s32 $0xFFFFF800  }
0x14: {  	[tilespmem:s2], [sflag:$0x2] =	stream.linear.gather [hbm4b:s4+s2], $0x20, $0x38;
	[tilespmem:$0x820] =	vst v63  }
0x15: {  	_ =	swait.ge [sflag:s3], $0x20  }
0x16: {  	[sflag:s3] =	ssyncset.done $0x0  }
0x17: {  	[sflag:s3] =	ssyncadd.s32 $0xFFFFFFE0  }
0x18: {  	[tilespmem:s6], [sflag:$0x1] =	stream.indirect.gather [hbm4b:s5+s6], $0x40, s2, s6, $0xb8;
	[tilespmem:$0x820] =	vst v63  }
0x19: {  	_ =	swait.ge [sflag:s7], $0x800  }
.Ltmp1:
0x1a: {  	[sflag:s7] =	ssyncset.done $0x0;
	(pc) =	sbr.rel @p0 .LBB2_1-.Ltmp1, $4  }
0x1b: {  	[sflag:s7] =	ssyncadd.s32 $0xFFFFF800  }
0x1c: {  	[hbm4b:s8+s2] =	stream.linear.scatter [tilespmem:s6], [sflag:$0x2], $0x800, $0x38;
	[tilespmem:$0x820] =	vst v63  }
0x1d: {  	_ =	swait.ge [sflag:s3], $0x800  }
0x1e: {  	[sflag:s3] =	ssyncset.done $0x0  }
.LBB2_2:
0x1f: {  	[sflag:s3] =	ssyncadd.s32 $0xFFFFF800  }
0x20: {  	_ =	sfence.sel $0x180000  }
0x21: {  	[bflag:$0x0] =	sbarrier.arrive $0xFFFF  }
0x22: {  	p0 =	sne.s32 s0, $0x0;
	_ =	strace $0x9000004A  }
0x23: {  	s0 =	sadd.s32 @!p0 $0x100000, s1;
	[bflag:$0x2] =	sbarrier.arrive $0xFFFF  }
0x24: {  	[sflag:s0] =	ssyncadd.tile.s32 @!p0 $0x1;
	_ =	shalt  }
.Lfunc_end2:
_tile_overlayer_lowered:
.L_overlay_start_2:
0x25: {  	(tag) =	ssettag $0x2  }
0x26: {  	s0 =	rddreg [dreg:$0x0];
	s2 =	stileid.u32  }
0x27: {  	s1 =	rddreg [dreg:$0x1];
	p0 =	sne.s32 s2, $0x0  }
0x28: {  	s3 =	rddreg [dreg:$0x2];
	[bflag:$0x3] =	sbarrier.arrive $0xFFFF;
	s2 =	simm.s32 @!p0 $0x1C02  }
0x29: {  	[timem:s3], [sflag:s2] =	dma.local @!p0 [hbm:s0], s1  }
0x2a: {  	s0 =	simm.s32 @!p0 $0x2  }
0x2b: {  	_ =	swait.ge @!p0 [sflag:s0], s1  }
0x2c: {  	s1 =	ssub.s32 @!p0 $0x0, s1;
	[sflag:s0] =	ssyncset.done @!p0 $0x0  }
0x2d: {  	[sflag:s0] =	ssyncadd.s32 @!p0 s1  }
0x2e: {  	[bflag:$0x3] =	sbarrier.arrive $0xFFFF  }
0x2f: {  	_ =	shalt  }

</sc_bundles>
